<compile_context>
chip_gen: v7x
topology: tpu7x:2x2x1
jax: 0.10.2.dev20260603
libtpu: 0.0.44.dev20260713+nightly
codegen_flags: <defaults>
</compile_context>

<pallas_src>
import functools

import jax
import jax.numpy as jnp
from jax import lax
from jax.experimental import pallas as pl
from jax.experimental.pallas import tpu as pltpu
from jax.experimental.pallas import tpu_sc as plsc

D = 32
SEQ = 200
LANES = 16

_info = plsc.get_sparse_core_info()
_NC, _NS = _info.num_cores, _info.num_subcores
_NW = _NC * _NS

_BB = 512
_GS = 128
_NB = 2
_PITCH = _BB + 8
_UNROLL = 8


@functools.partial(jax.jit, static_argnums=(0, 1))
def _embed(batch, seq, x_lin, table, pos):
    nblk = batch // _BB
    n_units = seq * nblk
    upw = n_units // _NW
    assert upw % _NB == 0 and upw >= 4

    mesh = plsc.VectorSubcoreMesh(core_axis_name="c", subcore_axis_name="s")

    scratch = (
        [pltpu.VMEM((_BB,), jnp.int32) for _ in range(_NB)]
        + [pltpu.VMEM((_BB, D), jnp.float32) for _ in range(_NB)]
        + [pltpu.VMEM((D * _PITCH,), jnp.float32) for _ in range(_NB)]
        + [pltpu.VMEM((SEQ, D), jnp.float32)]
        + [pltpu.SemaphoreType.DMA for _ in range(3 * _NB)]
    )

    @functools.partial(
        pl.kernel,
        mesh=mesh,
        out_type=jax.ShapeDtypeStruct((seq, D, batch), jnp.float32),
        compiler_params=pltpu.CompilerParams(
            use_tc_tiling_on_sc=False, needs_layout_passes=False),
        scratch_types=scratch,
    )
    def k(x_hbm, tab_hbm, pos_hbm, out_hbm, *sc):
        idx = sc[:_NB]
        rows = sc[_NB:2 * _NB]
        blk = sc[2 * _NB:3 * _NB]
        pos_v = sc[3 * _NB]
        sems = sc[3 * _NB + 1:]
        isem = sems[:_NB]
        gsem = sems[_NB:2 * _NB]
        osem = sems[2 * _NB:]

        wid = lax.axis_index("s") * _NC + lax.axis_index("c")
        pltpu.sync_copy(pos_hbm, pos_v)

        iota = lax.iota(jnp.int32, LANES)
        sidx0 = iota * _PITCH
        off = LANES * _PITCH

        def unit_lb(u):
            g = u * _NW + wid
            return g // nblk, (g % nblk) * _BB

        def fire_idx(u, b):
            l, b0 = unit_lb(u)
            t0 = pl.multiple_of(l * batch + b0, _BB)
            pltpu.async_copy(x_hbm.at[pl.ds(t0, _BB)], idx[b], isem[b])

        def wait_idx(b):
            pltpu.make_async_copy(
                x_hbm.at[pl.ds(0, _BB)], idx[b], isem[b]).wait()

        def fire_gathers(b):
            for j in range(_BB // _GS):
                pltpu.async_copy(
                    tab_hbm.at[idx[b].at[pl.ds(j * _GS, _GS)]],
                    rows[b].at[pl.ds(j * _GS, _GS)],
                    gsem[b],
                )

        def wait_gathers(b):
            pltpu.make_async_copy(
                tab_hbm.at[pl.ds(0, _BB)], rows[b], gsem[b]).wait()

        def transform(u, b):
            rb, ob = rows[b], blk[b]
            l, _ = unit_lb(u)
            pv0 = pos_v[l, pl.ds(0, LANES)]
            pv1 = pos_v[l, pl.ds(LANES, LANES)]

            def body(g, sidx):
                j0 = g * _UNROLL
                for t in range(_UNROLL):
                    j = j0 + t
                    v0 = rb[j, pl.ds(0, LANES)] + pv0
                    v1 = rb[j, pl.ds(LANES, LANES)] + pv1
                    plsc.store_scatter(ob, [sidx], v0)
                    plsc.store_scatter(ob, [sidx + off], v1)
                    sidx = sidx + 1
                return sidx

            lax.fori_loop(0, _BB // _UNROLL, body, sidx0)

        def fire_out(u, b):
            l, b0 = unit_lb(u)

            def fires(d, c):
                pltpu.async_copy(
                    blk[b].at[pl.ds(d * _PITCH, _BB)],
                    out_hbm.at[l, d, pl.ds(b0, _BB)],
                    osem[b],
                )
                return c

            lax.fori_loop(0, D, fires, 0)

        def wait_out(b):
            pltpu.make_async_copy(
                tab_hbm.at[pl.ds(0, _BB)], rows[b], osem[b]).wait()

        def step(u, b, prefetch_idx, first, last):
            if not last:
                wait_idx(1 - b)
                fire_gathers(1 - b)
            wait_gathers(b)
            if prefetch_idx:
                fire_idx(u + 2, b)
            if not first:
                wait_out(b)
            transform(u, b)
            fire_out(u, b)

        fire_idx(0, 0)
        fire_idx(1, 1)
        wait_idx(0)
        fire_gathers(0)

        def main(it, c):
            u0 = it * _NB
            step(u0, 0, True, False, False)
            step(u0 + 1, 1, True, False, False)
            return c

        step(0, 0, True, True, False)
        step(1, 1, True, True, False)
        lax.fori_loop(1, (upw - 2) // _NB, main, 0)
        step(upw - 2, 0, False, False, False)
        step(upw - 1, 1, False, False, True)
        wait_out(0)
        wait_out(1)

    return k(x_lin, table, pos)


def kernel(x, embedding_table, possitional_emb):
    b, l = x.shape
    x_lin = x.T.reshape(b * l)
    out_t = _embed(b, l, x_lin, embedding_table, possitional_emb)
    return out_t.transpose(2, 0, 1)

# --- scband reference (transcript-rebuilt; emitter-appended) ---
"""Pipeline reference for scband-embedding-42013370090258 (READ-ONLY COPY).

The authoritative reference and input builder live on the scoring server;
editing this copy changes nothing except your own understanding.
"""

import jax, jax.numpy as jnp
import numpy as np

VOCAB = 1000000
EMB_DIM = 32
TEXT_LENGTH = 200
BATCH = 4096
SEQ = 200

def setup_inputs(seed: int = 0) -> dict:
    key = jax.random.key(seed)
    k1, k2, k3 = jax.random.split(key, 3)
    x = jax.random.randint(k1, (BATCH, SEQ), 0, VOCAB, dtype=jnp.int64 if jax.config.jax_enable_x64 else jnp.int32).astype(jnp.int32)
    embedding_table = jax.random.normal(k2, (VOCAB, EMB_DIM), dtype=jnp.float32)
    possitional_emb = jax.random.normal(k3, (TEXT_LENGTH, EMB_DIM), dtype=jnp.float32)
    return {"x": x, "embedding_table": embedding_table, "possitional_emb": possitional_emb}

def reference(x, embedding_table, possitional_emb):
    # token embedding lookup: gather rows from embedding_table
    tok = jnp.take(embedding_table, x, axis=0)  # [B, L, D]
    # positional embedding for positions 0..L-1
    pos_idx = jnp.arange(x.shape[1])
    pos = jnp.take(possitional_emb, pos_idx, axis=0)  # [L, D]
    out = tok + pos[None, :, :]
    return out

if __name__ == "__main__":
    import jax
    _d = setup_inputs()
    print(jax.jit(kernel)(*tuple(_d.values())))

</pallas_src>

<mosaic_0001>
#map = affine_map<(d0, d1) -> (0)>
#map1 = affine_map<(d0, d1) -> (0, 0)>
#map2 = affine_map<(d0, d1) -> (0, 0, 0)>
module attributes {stable_mosaic.version = 14 : i64} {
  func.func @k(%arg0: i32, %arg1: i32, %arg2: memref<819200xi32, #tpu.memory_space<hbm>>, %arg3: memref<1000000x32xf32, #tpu.memory_space<hbm>>, %arg4: memref<200x32xf32, #tpu.memory_space<hbm>>, %arg5: memref<200x32x4096xf32, #tpu.memory_space<hbm>>, %arg6: memref<512xi32, #tpu.memory_space<vmem>>, %arg7: memref<512xi32, #tpu.memory_space<vmem>>, %arg8: memref<512x32xf32, #tpu.memory_space<vmem>>, %arg9: memref<512x32xf32, #tpu.memory_space<vmem>>, %arg10: memref<16640xf32, #tpu.memory_space<vmem>>, %arg11: memref<16640xf32, #tpu.memory_space<vmem>>, %arg12: memref<200x32xf32, #tpu.memory_space<vmem>>, %arg13: memref<!tpu.dma_semaphore, #tpu.memory_space<semaphore_mem>>, %arg14: memref<!tpu.dma_semaphore, #tpu.memory_space<semaphore_mem>>, %arg15: memref<!tpu.dma_semaphore, #tpu.memory_space<semaphore_mem>>, %arg16: memref<!tpu.dma_semaphore, #tpu.memory_space<semaphore_mem>>, %arg17: memref<!tpu.dma_semaphore, #tpu.memory_space<semaphore_mem>>, %arg18: memref<!tpu.dma_semaphore, #tpu.memory_space<semaphore_mem>>) attributes {dimension_semantics = [#tpu.dimension_semantics<core_parallel>, #tpu.dimension_semantics<subcore_parallel>], iteration_bounds = array<i64: 2, 16>, scalar_prefetch = 0 : i64, scratch_operands = 13 : i64, tpu.core_type = #tpu.core_type<sc_vector_subcore>, window_params = [{transform_indices = #map}, {transform_indices = #map1}, {transform_indices = #map1}, {transform_indices = #map2}]} {
    %mul3A = arith.constant 2 : i32
    %mul3A_0 = arith.muli %arg1, %mul3A : i32
    %add3A = arith.addi %mul3A_0, %arg0 : i32
    "tpu.region"() ({
      %run_scoped3A = tpu.sem_alloc : memref<!tpu.dma_semaphore, #tpu.memory_space<semaphore_mem>>
      tpu.enqueue_dma source(%arg4 : memref<200x32xf32, #tpu.memory_space<hbm>>) target(%arg12 : memref<200x32xf32, #tpu.memory_space<vmem>>) target_semaphore(%run_scoped3A : memref<!tpu.dma_semaphore, #tpu.memory_space<semaphore_mem>>)
      tpu.wait_dma2 semaphore(%run_scoped3A : memref<!tpu.dma_semaphore, #tpu.memory_space<semaphore_mem>>) src(%arg4 : memref<200x32xf32, #tpu.memory_space<hbm>>) dst(%arg12 : memref<200x32xf32, #tpu.memory_space<vmem>>)
      tpu.yield
    }) : () -> ()
    %iota3A = tpu.iota {dimensions = array<i32: 0>} : vector<16xi32>
    %mul3A_1 = arith.constant 520 : i32
    %mul3A_2 = vector.broadcast %mul3A_1 : i32 to vector<16xi32>
    %mul3A_3 = arith.muli %iota3A, %mul3A_2 : vector<16xi32>
    %add3A_4 = arith.constant 0 : i32
    %add3A_5 = arith.addi %add3A_4, %add3A : i32
    %jit3A = arith.constant 8 : i32
    %div3A = arith.divsi %add3A_5, %jit3A : i32
    %sign3A = arith.constant 0 : i32
    %sign3A_6 = arith.cmpi sgt, %add3A_5, %sign3A : i32
    %sign3A_7 = arith.extui %sign3A_6 : i1 to i32
    %sign3A_8 = arith.constant 0 : i32
    %sign3A_9 = arith.cmpi slt, %add3A_5, %sign3A_8 : i32
    %sign3A_10 = arith.extui %sign3A_9 : i1 to i32
    %sign3A_11 = arith.subi %sign3A_7, %sign3A_10 : i32
    %sign3A_12 = arith.constant 0 : i32
    %sign3A_13 = arith.cmpi sgt, %jit3A, %sign3A_12 : i32
    %sign3A_14 = arith.extui %sign3A_13 : i1 to i32
    %sign3A_15 = arith.constant 0 : i32
    %sign3A_16 = arith.cmpi slt, %jit3A, %sign3A_15 : i32
    %sign3A_17 = arith.extui %sign3A_16 : i1 to i32
    %sign3A_18 = arith.subi %sign3A_14, %sign3A_17 : i32
    %ne3A = arith.cmpi ne, %sign3A_11, %sign3A_18 : i32
    %rem3A = arith.remsi %add3A_5, %jit3A : i32
    %ne3A_19 = arith.constant 0 : i32
    %ne3A_20 = arith.cmpi ne, %rem3A, %ne3A_19 : i32
    %and3A = arith.andi %ne3A, %ne3A_20 : i1
    %sub3A = arith.constant 1 : i32
    %sub3A_21 = arith.subi %div3A, %sub3A : i32
    %select_n3A = arith.select %and3A, %sub3A_21, %div3A : i32
    %jit3A_22 = arith.constant 8 : i32
    %eq3A = arith.constant 0 : i32
    %eq3A_23 = arith.cmpi eq, %jit3A_22, %eq3A : i32
    %jit3A_24 = arith.constant 1 : i32
    %select_n3A_25 = arith.select %eq3A_23, %jit3A_24, %jit3A_22 : i32
    %rem3A_26 = arith.remsi %add3A_5, %select_n3A_25 : i32
    %ne3A_27 = arith.constant 0 : i32
    %ne3A_28 = arith.cmpi ne, %rem3A_26, %ne3A_27 : i32
    %lt3A = arith.constant 0 : i32
    %lt3A_29 = arith.cmpi slt, %rem3A_26, %lt3A : i32
    %lt3A_30 = arith.constant 0 : i32
    %lt3A_31 = arith.cmpi slt, %select_n3A_25, %lt3A_30 : i32
    %ne3A_32 = arith.xori %lt3A_29, %lt3A_31 : i1
    %and3A_33 = arith.andi %ne3A_32, %ne3A_28 : i1
    %add3A_34 = arith.addi %rem3A_26, %select_n3A_25 : i32
    %select_n3A_35 = arith.select %and3A_33, %add3A_34, %rem3A_26 : i32
    %mul3A_36 = arith.constant 512 : i32
    %mul3A_37 = arith.muli %select_n3A_35, %mul3A_36 : i32
    %mul3A_38 = arith.constant 4096 : i32
    %mul3A_39 = arith.muli %select_n3A, %mul3A_38 : i32
    %add3A_40 = arith.addi %mul3A_39, %mul3A_37 : i32
    %multiple_of3A = tpu.assume_multiple %add3A_40, 512 : i32
    %dma_start3A = tpu.memref_slice %arg2[%multiple_of3A] : memref<819200xi32, #tpu.memory_space<hbm>> -> memref<512xi32, #tpu.memory_space<hbm>>
    %dma_start3A_41 = tpu.memref_slice %arg2[%multiple_of3A] : memref<819200xi32, #tpu.memory_space<hbm>> -> memref<512xi32, #tpu.memory_space<hbm>>
    tpu.enqueue_dma source(%dma_start3A_41 : memref<512xi32, #tpu.memory_space<hbm>>) target(%arg6 : memref<512xi32, #tpu.memory_space<vmem>>) target_semaphore(%arg13 : memref<!tpu.dma_semaphore, #tpu.memory_space<semaphore_mem>>)
    %add3A_42 = arith.constant 32 : i32
    %add3A_43 = arith.addi %add3A_42, %add3A : i32
    %jit3A_44 = arith.constant 8 : i32
    %div3A_45 = arith.divsi %add3A_43, %jit3A_44 : i32
    %sign3A_46 = arith.constant 0 : i32
    %sign3A_47 = arith.cmpi sgt, %add3A_43, %sign3A_46 : i32
    %sign3A_48 = arith.extui %sign3A_47 : i1 to i32
    %sign3A_49 = arith.constant 0 : i32
    %sign3A_50 = arith.cmpi slt, %add3A_43, %sign3A_49 : i32
    %sign3A_51 = arith.extui %sign3A_50 : i1 to i32
    %sign3A_52 = arith.subi %sign3A_48, %sign3A_51 : i32
    %sign3A_53 = arith.constant 0 : i32
    %sign3A_54 = arith.cmpi sgt, %jit3A_44, %sign3A_53 : i32
    %sign3A_55 = arith.extui %sign3A_54 : i1 to i32
    %sign3A_56 = arith.constant 0 : i32
    %sign3A_57 = arith.cmpi slt, %jit3A_44, %sign3A_56 : i32
    %sign3A_58 = arith.extui %sign3A_57 : i1 to i32
    %sign3A_59 = arith.subi %sign3A_55, %sign3A_58 : i32
    %ne3A_60 = arith.cmpi ne, %sign3A_52, %sign3A_59 : i32
    %rem3A_61 = arith.remsi %add3A_43, %jit3A_44 : i32
    %ne3A_62 = arith.constant 0 : i32
    %ne3A_63 = arith.cmpi ne, %rem3A_61, %ne3A_62 : i32
    %and3A_64 = arith.andi %ne3A_60, %ne3A_63 : i1
    %sub3A_65 = arith.constant 1 : i32
    %sub3A_66 = arith.subi %div3A_45, %sub3A_65 : i32
    %select_n3A_67 = arith.select %and3A_64, %sub3A_66, %div3A_45 : i32
    %jit3A_68 = arith.constant 8 : i32
    %eq3A_69 = arith.constant 0 : i32
    %eq3A_70 = arith.cmpi eq, %jit3A_68, %eq3A_69 : i32
    %jit3A_71 = arith.constant 1 : i32
    %select_n3A_72 = arith.select %eq3A_70, %jit3A_71, %jit3A_68 : i32
    %rem3A_73 = arith.remsi %add3A_43, %select_n3A_72 : i32
    %ne3A_74 = arith.constant 0 : i32
    %ne3A_75 = arith.cmpi ne, %rem3A_73, %ne3A_74 : i32
    %lt3A_76 = arith.constant 0 : i32
    %lt3A_77 = arith.cmpi slt, %rem3A_73, %lt3A_76 : i32
    %lt3A_78 = arith.constant 0 : i32
    %lt3A_79 = arith.cmpi slt, %select_n3A_72, %lt3A_78 : i32
    %ne3A_80 = arith.xori %lt3A_77, %lt3A_79 : i1
    %and3A_81 = arith.andi %ne3A_80, %ne3A_75 : i1
    %add3A_82 = arith.addi %rem3A_73, %select_n3A_72 : i32
    %select_n3A_83 = arith.select %and3A_81, %add3A_82, %rem3A_73 : i32
    %mul3A_84 = arith.constant 512 : i32
    %mul3A_85 = arith.muli %select_n3A_83, %mul3A_84 : i32
    %mul3A_86 = arith.constant 4096 : i32
    %mul3A_87 = arith.muli %select_n3A_67, %mul3A_86 : i32
    %add3A_88 = arith.addi %mul3A_87, %mul3A_85 : i32
    %multiple_of3A_89 = tpu.assume_multiple %add3A_88, 512 : i32
    %dma_start3A_90 = tpu.memref_slice %arg2[%multiple_of3A_89] : memref<819200xi32, #tpu.memory_space<hbm>> -> memref<512xi32, #tpu.memory_space<hbm>>
    %dma_start3A_91 = tpu.memref_slice %arg2[%multiple_of3A_89] : memref<819200xi32, #tpu.memory_space<hbm>> -> memref<512xi32, #tpu.memory_space<hbm>>
    tpu.enqueue_dma source(%dma_start3A_91 : memref<512xi32, #tpu.memory_space<hbm>>) target(%arg7 : memref<512xi32, #tpu.memory_space<vmem>>) target_semaphore(%arg14 : memref<!tpu.dma_semaphore, #tpu.memory_space<semaphore_mem>>)
    %dma_wait3A = arith.constant 0 : i32
    %dma_wait3A_92 = tpu.memref_slice %arg2[%dma_wait3A] : memref<819200xi32, #tpu.memory_space<hbm>> -> memref<512xi32, #tpu.memory_space<hbm>>
    %dma_wait3A_93 = arith.constant 0 : i32
    %dma_wait3A_94 = tpu.memref_slice %arg2[%dma_wait3A_93] : memref<819200xi32, #tpu.memory_space<hbm>> -> memref<512xi32, #tpu.memory_space<hbm>>
    tpu.wait_dma2 semaphore(%arg13 : memref<!tpu.dma_semaphore, #tpu.memory_space<semaphore_mem>>) src(%dma_wait3A_94 : memref<512xi32, #tpu.memory_space<hbm>>) dst(%arg6 : memref<512xi32, #tpu.memory_space<vmem>>)
    %dma_start3A_95 = arith.constant 0 : i32
    %dma_start3A_96 = arith.constant 0 : i32
    %dma_start3A_97 = tpu.memref_slice %arg8[%dma_start3A_95, %dma_start3A_96] : memref<512x32xf32, #tpu.memory_space<vmem>> -> memref<128x32xf32, #tpu.memory_space<vmem>>
    %dma_start3A_98 = arith.constant 0 : i32
    %dma_start3A_99 = tpu.memref_slice %arg6[%dma_start3A_98] : memref<512xi32, #tpu.memory_space<vmem>> -> memref<128xi32, #tpu.memory_space<vmem>>
    %dma_start3A_100 = arith.constant 0 : i32
    %dma_start3A_101 = arith.constant 0 : i32
    %dma_start3A_102 = tpu.memref_slice %arg3[%dma_start3A_100, %dma_start3A_101] : memref<1000000x32xf32, #tpu.memory_space<hbm>> -> memref<1000000x32xf32, #tpu.memory_space<hbm>>
    tpu.enqueue_indirect_dma source(%dma_start3A_102 : memref<1000000x32xf32, #tpu.memory_space<hbm>>) target(%dma_start3A_97 : memref<128x32xf32, #tpu.memory_space<vmem>>) offsets(%dma_start3A_99 : memref<128xi32, #tpu.memory_space<vmem>>) semaphore(%arg15 : memref<!tpu.dma_semaphore, #tpu.memory_space<semaphore_mem>>)
    %dma_start3A_103 = arith.constant 128 : i32
    %dma_start3A_104 = arith.constant 0 : i32
    %dma_start3A_105 = tpu.memref_slice %arg8[%dma_start3A_103, %dma_start3A_104] : memref<512x32xf32, #tpu.memory_space<vmem>> -> memref<128x32xf32, #tpu.memory_space<vmem>>
    %dma_start3A_106 = arith.constant 128 : i32
    %dma_start3A_107 = tpu.memref_slice %arg6[%dma_start3A_106] : memref<512xi32, #tpu.memory_space<vmem>> -> memref<128xi32, #tpu.memory_space<vmem>>
    %dma_start3A_108 = arith.constant 0 : i32
    %dma_start3A_109 = arith.constant 0 : i32
    %dma_start3A_110 = tpu.memref_slice %arg3[%dma_start3A_108, %dma_start3A_109] : memref<1000000x32xf32, #tpu.memory_space<hbm>> -> memref<1000000x32xf32, #tpu.memory_space<hbm>>
    tpu.enqueue_indirect_dma source(%dma_start3A_110 : memref<1000000x32xf32, #tpu.memory_space<hbm>>) target(%dma_start3A_105 : memref<128x32xf32, #tpu.memory_space<vmem>>) offsets(%dma_start3A_107 : memref<128xi32, #tpu.memory_space<vmem>>) semaphore(%arg15 : memref<!tpu.dma_semaphore, #tpu.memory_space<semaphore_mem>>)
    %dma_start3A_111 = arith.constant 256 : i32
    %dma_start3A_112 = arith.constant 0 : i32
    %dma_start3A_113 = tpu.memref_slice %arg8[%dma_start3A_111, %dma_start3A_112] : memref<512x32xf32, #tpu.memory_space<vmem>> -> memref<128x32xf32, #tpu.memory_space<vmem>>
    %dma_start3A_114 = arith.constant 256 : i32
    %dma_start3A_115 = tpu.memref_slice %arg6[%dma_start3A_114] : memref<512xi32, #tpu.memory_space<vmem>> -> memref<128xi32, #tpu.memory_space<vmem>>
    %dma_start3A_116 = arith.constant 0 : i32
    %dma_start3A_117 = arith.constant 0 : i32
    %dma_start3A_118 = tpu.memref_slice %arg3[%dma_start3A_116, %dma_start3A_117] : memref<1000000x32xf32, #tpu.memory_space<hbm>> -> memref<1000000x32xf32, #tpu.memory_space<hbm>>
    tpu.enqueue_indirect_dma source(%dma_start3A_118 : memref<1000000x32xf32, #tpu.memory_space<hbm>>) target(%dma_start3A_113 : memref<128x32xf32, #tpu.memory_space<vmem>>) offsets(%dma_start3A_115 : memref<128xi32, #tpu.memory_space<vmem>>) semaphore(%arg15 : memref<!tpu.dma_semaphore, #tpu.memory_space<semaphore_mem>>)
    %dma_start3A_119 = arith.constant 384 : i32
    %dma_start3A_120 = arith.constant 0 : i32
    %dma_start3A_121 = tpu.memref_slice %arg8[%dma_start3A_119, %dma_start3A_120] : memref<512x32xf32, #tpu.memory_space<vmem>> -> memref<128x32xf32, #tpu.memory_space<vmem>>
    %dma_start3A_122 = arith.constant 384 : i32
    %dma_start3A_123 = tpu.memref_slice %arg6[%dma_start3A_122] : memref<512xi32, #tpu.memory_space<vmem>> -> memref<128xi32, #tpu.memory_space<vmem>>
    %dma_start3A_124 = arith.constant 0 : i32
    %dma_start3A_125 = arith.constant 0 : i32
    %dma_start3A_126 = tpu.memref_slice %arg3[%dma_start3A_124, %dma_start3A_125] : memref<1000000x32xf32, #tpu.memory_space<hbm>> -> memref<1000000x32xf32, #tpu.memory_space<hbm>>
    tpu.enqueue_indirect_dma source(%dma_start3A_126 : memref<1000000x32xf32, #tpu.memory_space<hbm>>) target(%dma_start3A_121 : memref<128x32xf32, #tpu.memory_space<vmem>>) offsets(%dma_start3A_123 : memref<128xi32, #tpu.memory_space<vmem>>) semaphore(%arg15 : memref<!tpu.dma_semaphore, #tpu.memory_space<semaphore_mem>>)
    %dma_wait3A_127 = arith.constant 0 : i32
    %dma_wait3A_128 = tpu.memref_slice %arg2[%dma_wait3A_127] : memref<819200xi32, #tpu.memory_space<hbm>> -> memref<512xi32, #tpu.memory_space<hbm>>
    %dma_wait3A_129 = arith.constant 0 : i32
    %dma_wait3A_130 = tpu.memref_slice %arg2[%dma_wait3A_129] : memref<819200xi32, #tpu.memory_space<hbm>> -> memref<512xi32, #tpu.memory_space<hbm>>
    tpu.wait_dma2 semaphore(%arg14 : memref<!tpu.dma_semaphore, #tpu.memory_space<semaphore_mem>>) src(%dma_wait3A_130 : memref<512xi32, #tpu.memory_space<hbm>>) dst(%arg7 : memref<512xi32, #tpu.memory_space<vmem>>)
    %dma_start3A_131 = arith.constant 0 : i32
    %dma_start3A_132 = arith.constant 0 : i32
    %dma_start3A_133 = tpu.memref_slice %arg9[%dma_start3A_131, %dma_start3A_132] : memref<512x32xf32, #tpu.memory_space<vmem>> -> memref<128x32xf32, #tpu.memory_space<vmem>>
    %dma_start3A_134 = arith.constant 0 : i32
    %dma_start3A_135 = tpu.memref_slice %arg7[%dma_start3A_134] : memref<512xi32, #tpu.memory_space<vmem>> -> memref<128xi32, #tpu.memory_space<vmem>>
    %dma_start3A_136 = arith.constant 0 : i32
    %dma_start3A_137 = arith.constant 0 : i32
    %dma_start3A_138 = tpu.memref_slice %arg3[%dma_start3A_136, %dma_start3A_137] : memref<1000000x32xf32, #tpu.memory_space<hbm>> -> memref<1000000x32xf32, #tpu.memory_space<hbm>>
    tpu.enqueue_indirect_dma source(%dma_start3A_138 : memref<1000000x32xf32, #tpu.memory_space<hbm>>) target(%dma_start3A_133 : memref<128x32xf32, #tpu.memory_space<vmem>>) offsets(%dma_start3A_135 : memref<128xi32, #tpu.memory_space<vmem>>) semaphore(%arg16 : memref<!tpu.dma_semaphore, #tpu.memory_space<semaphore_mem>>)
    %dma_start3A_139 = arith.constant 128 : i32
    %dma_start3A_140 = arith.constant 0 : i32
    %dma_start3A_141 = tpu.memref_slice %arg9[%dma_start3A_139, %dma_start3A_140] : memref<512x32xf32, #tpu.memory_space<vmem>> -> memref<128x32xf32, #tpu.memory_space<vmem>>
    %dma_start3A_142 = arith.constant 128 : i32
    %dma_start3A_143 = tpu.memref_slice %arg7[%dma_start3A_142] : memref<512xi32, #tpu.memory_space<vmem>> -> memref<128xi32, #tpu.memory_space<vmem>>
    %dma_start3A_144 = arith.constant 0 : i32
    %dma_start3A_145 = arith.constant 0 : i32
    %dma_start3A_146 = tpu.memref_slice %arg3[%dma_start3A_144, %dma_start3A_145] : memref<1000000x32xf32, #tpu.memory_space<hbm>> -> memref<1000000x32xf32, #tpu.memory_space<hbm>>
    tpu.enqueue_indirect_dma source(%dma_start3A_146 : memref<1000000x32xf32, #tpu.memory_space<hbm>>) target(%dma_start3A_141 : memref<128x32xf32, #tpu.memory_space<vmem>>) offsets(%dma_start3A_143 : memref<128xi32, #tpu.memory_space<vmem>>) semaphore(%arg16 : memref<!tpu.dma_semaphore, #tpu.memory_space<semaphore_mem>>)
    %dma_start3A_147 = arith.constant 256 : i32
    %dma_start3A_148 = arith.constant 0 : i32
    %dma_start3A_149 = tpu.memref_slice %arg9[%dma_start3A_147, %dma_start3A_148] : memref<512x32xf32, #tpu.memory_space<vmem>> -> memref<128x32xf32, #tpu.memory_space<vmem>>
    %dma_start3A_150 = arith.constant 256 : i32
    %dma_start3A_151 = tpu.memref_slice %arg7[%dma_start3A_150] : memref<512xi32, #tpu.memory_space<vmem>> -> memref<128xi32, #tpu.memory_space<vmem>>
    %dma_start3A_152 = arith.constant 0 : i32
    %dma_start3A_153 = arith.constant 0 : i32
    %dma_start3A_154 = tpu.memref_slice %arg3[%dma_start3A_152, %dma_start3A_153] : memref<1000000x32xf32, #tpu.memory_space<hbm>> -> memref<1000000x32xf32, #tpu.memory_space<hbm>>
    tpu.enqueue_indirect_dma source(%dma_start3A_154 : memref<1000000x32xf32, #tpu.memory_space<hbm>>) target(%dma_start3A_149 : memref<128x32xf32, #tpu.memory_space<vmem>>) offsets(%dma_start3A_151 : memref<128xi32, #tpu.memory_space<vmem>>) semaphore(%arg16 : memref<!tpu.dma_semaphore, #tpu.memory_space<semaphore_mem>>)
    %dma_start3A_155 = arith.constant 384 : i32
    %dma_start3A_156 = arith.constant 0 : i32
    %dma_start3A_157 = tpu.memref_slice %arg9[%dma_start3A_155, %dma_start3A_156] : memref<512x32xf32, #tpu.memory_space<vmem>> -> memref<128x32xf32, #tpu.memory_space<vmem>>
    %dma_start3A_158 = arith.constant 384 : i32
    %dma_start3A_159 = tpu.memref_slice %arg7[%dma_start3A_158] : memref<512xi32, #tpu.memory_space<vmem>> -> memref<128xi32, #tpu.memory_space<vmem>>
    %dma_start3A_160 = arith.constant 0 : i32
    %dma_start3A_161 = arith.constant 0 : i32
    %dma_start3A_162 = tpu.memref_slice %arg3[%dma_start3A_160, %dma_start3A_161] : memref<1000000x32xf32, #tpu.memory_space<hbm>> -> memref<1000000x32xf32, #tpu.memory_space<hbm>>
    tpu.enqueue_indirect_dma source(%dma_start3A_162 : memref<1000000x32xf32, #tpu.memory_space<hbm>>) target(%dma_start3A_157 : memref<128x32xf32, #tpu.memory_space<vmem>>) offsets(%dma_start3A_159 : memref<128xi32, #tpu.memory_space<vmem>>) semaphore(%arg16 : memref<!tpu.dma_semaphore, #tpu.memory_space<semaphore_mem>>)
    %dma_wait3A_163 = arith.constant 0 : i32
    %dma_wait3A_164 = arith.constant 0 : i32
    %dma_wait3A_165 = tpu.memref_slice %arg3[%dma_wait3A_163, %dma_wait3A_164] : memref<1000000x32xf32, #tpu.memory_space<hbm>> -> memref<512x32xf32, #tpu.memory_space<hbm>>
    %dma_wait3A_166 = arith.constant 0 : i32
    %dma_wait3A_167 = arith.constant 0 : i32
    %dma_wait3A_168 = tpu.memref_slice %arg3[%dma_wait3A_166, %dma_wait3A_167] : memref<1000000x32xf32, #tpu.memory_space<hbm>> -> memref<512x32xf32, #tpu.memory_space<hbm>>
    tpu.wait_dma2 semaphore(%arg15 : memref<!tpu.dma_semaphore, #tpu.memory_space<semaphore_mem>>) src(%dma_wait3A_168 : memref<512x32xf32, #tpu.memory_space<hbm>>) dst(%arg8 : memref<512x32xf32, #tpu.memory_space<vmem>>)
    %add3A_169 = arith.constant 64 : i32
    %add3A_170 = arith.addi %add3A_169, %add3A : i32
    %jit3A_171 = arith.constant 8 : i32
    %div3A_172 = arith.divsi %add3A_170, %jit3A_171 : i32
    %sign3A_173 = arith.constant 0 : i32
    %sign3A_174 = arith.cmpi sgt, %add3A_170, %sign3A_173 : i32
    %sign3A_175 = arith.extui %sign3A_174 : i1 to i32
    %sign3A_176 = arith.constant 0 : i32
    %sign3A_177 = arith.cmpi slt, %add3A_170, %sign3A_176 : i32
    %sign3A_178 = arith.extui %sign3A_177 : i1 to i32
    %sign3A_179 = arith.subi %sign3A_175, %sign3A_178 : i32
    %sign3A_180 = arith.constant 0 : i32
    %sign3A_181 = arith.cmpi sgt, %jit3A_171, %sign3A_180 : i32
    %sign3A_182 = arith.extui %sign3A_181 : i1 to i32
    %sign3A_183 = arith.constant 0 : i32
    %sign3A_184 = arith.cmpi slt, %jit3A_171, %sign3A_183 : i32
    %sign3A_185 = arith.extui %sign3A_184 : i1 to i32
    %sign3A_186 = arith.subi %sign3A_182, %sign3A_185 : i32
    %ne3A_187 = arith.cmpi ne, %sign3A_179, %sign3A_186 : i32
    %rem3A_188 = arith.remsi %add3A_170, %jit3A_171 : i32
    %ne3A_189 = arith.constant 0 : i32
    %ne3A_190 = arith.cmpi ne, %rem3A_188, %ne3A_189 : i32
    %and3A_191 = arith.andi %ne3A_187, %ne3A_190 : i1
    %sub3A_192 = arith.constant 1 : i32
    %sub3A_193 = arith.subi %div3A_172, %sub3A_192 : i32
    %select_n3A_194 = arith.select %and3A_191, %sub3A_193, %div3A_172 : i32
    %jit3A_195 = arith.constant 8 : i32
    %eq3A_196 = arith.constant 0 : i32
    %eq3A_197 = arith.cmpi eq, %jit3A_195, %eq3A_196 : i32
    %jit3A_198 = arith.constant 1 : i32
    %select_n3A_199 = arith.select %eq3A_197, %jit3A_198, %jit3A_195 : i32
    %rem3A_200 = arith.remsi %add3A_170, %select_n3A_199 : i32
    %ne3A_201 = arith.constant 0 : i32
    %ne3A_202 = arith.cmpi ne, %rem3A_200, %ne3A_201 : i32
    %lt3A_203 = arith.constant 0 : i32
    %lt3A_204 = arith.cmpi slt, %rem3A_200, %lt3A_203 : i32
    %lt3A_205 = arith.constant 0 : i32
    %lt3A_206 = arith.cmpi slt, %select_n3A_199, %lt3A_205 : i32
    %ne3A_207 = arith.xori %lt3A_204, %lt3A_206 : i1
    %and3A_208 = arith.andi %ne3A_207, %ne3A_202 : i1
    %add3A_209 = arith.addi %rem3A_200, %select_n3A_199 : i32
    %select_n3A_210 = arith.select %and3A_208, %add3A_209, %rem3A_200 : i32
    %mul3A_211 = arith.constant 512 : i32
    %mul3A_212 = arith.muli %select_n3A_210, %mul3A_211 : i32
    %mul3A_213 = arith.constant 4096 : i32
    %mul3A_214 = arith.muli %select_n3A_194, %mul3A_213 : i32
    %add3A_215 = arith.addi %mul3A_214, %mul3A_212 : i32
    %multiple_of3A_216 = tpu.assume_multiple %add3A_215, 512 : i32
    %dma_start3A_217 = tpu.memref_slice %arg2[%multiple_of3A_216] : memref<819200xi32, #tpu.memory_space<hbm>> -> memref<512xi32, #tpu.memory_space<hbm>>
    %dma_start3A_218 = tpu.memref_slice %arg2[%multiple_of3A_216] : memref<819200xi32, #tpu.memory_space<hbm>> -> memref<512xi32, #tpu.memory_space<hbm>>
    tpu.enqueue_dma source(%dma_start3A_218 : memref<512xi32, #tpu.memory_space<hbm>>) target(%arg6 : memref<512xi32, #tpu.memory_space<vmem>>) target_semaphore(%arg13 : memref<!tpu.dma_semaphore, #tpu.memory_space<semaphore_mem>>)
    %add3A_219 = arith.constant 0 : i32
    %add3A_220 = arith.addi %add3A_219, %add3A : i32
    %jit3A_221 = arith.constant 8 : i32
    %div3A_222 = arith.divsi %add3A_220, %jit3A_221 : i32
    %sign3A_223 = arith.constant 0 : i32
    %sign3A_224 = arith.cmpi sgt, %add3A_220, %sign3A_223 : i32
    %sign3A_225 = arith.extui %sign3A_224 : i1 to i32
    %sign3A_226 = arith.constant 0 : i32
    %sign3A_227 = arith.cmpi slt, %add3A_220, %sign3A_226 : i32
    %sign3A_228 = arith.extui %sign3A_227 : i1 to i32
    %sign3A_229 = arith.subi %sign3A_225, %sign3A_228 : i32
    %sign3A_230 = arith.constant 0 : i32
    %sign3A_231 = arith.cmpi sgt, %jit3A_221, %sign3A_230 : i32
    %sign3A_232 = arith.extui %sign3A_231 : i1 to i32
    %sign3A_233 = arith.constant 0 : i32
    %sign3A_234 = arith.cmpi slt, %jit3A_221, %sign3A_233 : i32
    %sign3A_235 = arith.extui %sign3A_234 : i1 to i32
    %sign3A_236 = arith.subi %sign3A_232, %sign3A_235 : i32
    %ne3A_237 = arith.cmpi ne, %sign3A_229, %sign3A_236 : i32
    %rem3A_238 = arith.remsi %add3A_220, %jit3A_221 : i32
    %ne3A_239 = arith.constant 0 : i32
    %ne3A_240 = arith.cmpi ne, %rem3A_238, %ne3A_239 : i32
    %and3A_241 = arith.andi %ne3A_237, %ne3A_240 : i1
    %sub3A_242 = arith.constant 1 : i32
    %sub3A_243 = arith.subi %div3A_222, %sub3A_242 : i32
    %select_n3A_244 = arith.select %and3A_241, %sub3A_243, %div3A_222 : i32
    %jit3A_245 = arith.constant 8 : i32
    %eq3A_246 = arith.constant 0 : i32
    %eq3A_247 = arith.cmpi eq, %jit3A_245, %eq3A_246 : i32
    %jit3A_248 = arith.constant 1 : i32
    %select_n3A_249 = arith.select %eq3A_247, %jit3A_248, %jit3A_245 : i32
    %rem3A_250 = arith.remsi %add3A_220, %select_n3A_249 : i32
    %ne3A_251 = arith.constant 0 : i32
    %ne3A_252 = arith.cmpi ne, %rem3A_250, %ne3A_251 : i32
    %lt3A_253 = arith.constant 0 : i32
    %lt3A_254 = arith.cmpi slt, %rem3A_250, %lt3A_253 : i32
    %lt3A_255 = arith.constant 0 : i32
    %lt3A_256 = arith.cmpi slt, %select_n3A_249, %lt3A_255 : i32
    %ne3A_257 = arith.xori %lt3A_254, %lt3A_256 : i1
    %and3A_258 = arith.andi %ne3A_257, %ne3A_252 : i1
    %add3A_259 = arith.addi %rem3A_250, %select_n3A_249 : i32
    %select_n3A_260 = arith.select %and3A_258, %add3A_259, %rem3A_250 : i32
    %mul3A_261 = arith.constant 512 : i32
    %mul3A_262 = arith.muli %select_n3A_260, %mul3A_261 : i32
    %get3A = arith.index_cast %select_n3A_244 : i32 to index
    %get3A_263 = arith.constant 0 : index
    %get3A_264 = tpu.vector_load %arg12[%get3A, %get3A_263] {strides = array<i32>} : memref<200x32xf32, #tpu.memory_space<vmem>>, vector<16xf32>,
    %get3A_265 = arith.index_cast %select_n3A_244 : i32 to index
    %get3A_266 = arith.constant 16 : index
    %get3A_267 = tpu.vector_load %arg12[%get3A_265, %get3A_266] {strides = array<i32>} : memref<200x32xf32, #tpu.memory_space<vmem>>, vector<16xf32>,
    %scan3A = arith.constant 0 : i32
    %scan3A_268 = arith.constant 64 : i32
    %scan3A_269 = arith.addi %scan3A, %scan3A_268 : i32
    %scan3A_270 = arith.constant 1 : i32
    %scan3A_271 = scf.for %scan3A_811 = %scan3A to %scan3A_269 step %scan3A_270 iter_args(%scan3A_812 = %mul3A_3) -> (vector<16xi32>)  : i32 {
      %mul3A_813 = arith.constant 8 : i32
      %mul3A_814 = arith.muli %scan3A_811, %mul3A_813 : i32
      %add3A_815 = arith.constant 0 : i32
      %add3A_816 = arith.addi %mul3A_814, %add3A_815 : i32
      %get3A_817 = arith.index_cast %add3A_816 : i32 to index
      %get3A_818 = arith.constant 0 : index
      %get3A_819 = tpu.vector_load %arg8[%get3A_817, %get3A_818] {strides = array<i32>} : memref<512x32xf32, #tpu.memory_space<vmem>>, vector<16xf32>,
      %add3A_820 = arith.addf %get3A_819, %get3A_264 : vector<16xf32>
      %get3A_821 = arith.index_cast %add3A_816 : i32 to index
      %get3A_822 = arith.constant 16 : index
      %get3A_823 = tpu.vector_load %arg8[%get3A_821, %get3A_822] {strides = array<i32>} : memref<512x32xf32, #tpu.memory_space<vmem>>, vector<16xf32>,
      %add3A_824 = arith.addf %get3A_823, %get3A_267 : vector<16xf32>
      tpu.vector_store_idx %arg10[%scan3A_812], %add3A_820 : memref<16640xf32, #tpu.memory_space<vmem>>[vector<16xi32>], vector<16xf32>,
      %add3A_825 = arith.constant 8320 : i32
      %add3A_826 = vector.broadcast %add3A_825 : i32 to vector<16xi32>
      %add3A_827 = arith.addi %scan3A_812, %add3A_826 : vector<16xi32>
      tpu.vector_store_idx %arg10[%add3A_827], %add3A_824 : memref<16640xf32, #tpu.memory_space<vmem>>[vector<16xi32>], vector<16xf32>,
      %add3A_828 = arith.constant 1 : i32
      %add3A_829 = vector.broadcast %add3A_828 : i32 to vector<16xi32>
      %add3A_830 = arith.addi %scan3A_812, %add3A_829 : vector<16xi32>
      %add3A_831 = arith.constant 1 : i32
      %add3A_832 = arith.addi %mul3A_814, %add3A_831 : i32
      %get3A_833 = arith.index_cast %add3A_832 : i32 to index
      %get3A_834 = arith.constant 0 : index
      %get3A_835 = tpu.vector_load %arg8[%get3A_833, %get3A_834] {strides = array<i32>} : memref<512x32xf32, #tpu.memory_space<vmem>>, vector<16xf32>,
      %add3A_836 = arith.addf %get3A_835, %get3A_264 : vector<16xf32>
      %get3A_837 = arith.index_cast %add3A_832 : i32 to index
      %get3A_838 = arith.constant 16 : index
      %get3A_839 = tpu.vector_load %arg8[%get3A_837, %get3A_838] {strides = array<i32>} : memref<512x32xf32, #tpu.memory_space<vmem>>, vector<16xf32>,
      %add3A_840 = arith.addf %get3A_839, %get3A_267 : vector<16xf32>
      tpu.vector_store_idx %arg10[%add3A_830], %add3A_836 : memref<16640xf32, #tpu.memory_space<vmem>>[vector<16xi32>], vector<16xf32>,
      %add3A_841 = arith.constant 8320 : i32
      %add3A_842 = vector.broadcast %add3A_841 : i32 to vector<16xi32>
      %add3A_843 = arith.addi %add3A_830, %add3A_842 : vector<16xi32>
      tpu.vector_store_idx %arg10[%add3A_843], %add3A_840 : memref<16640xf32, #tpu.memory_space<vmem>>[vector<16xi32>], vector<16xf32>,
      %add3A_844 = arith.constant 1 : i32
      %add3A_845 = vector.broadcast %add3A_844 : i32 to vector<16xi32>
      %add3A_846 = arith.addi %add3A_830, %add3A_845 : vector<16xi32>
      %add3A_847 = arith.constant 2 : i32
      %add3A_848 = arith.addi %mul3A_814, %add3A_847 : i32
      %get3A_849 = arith.index_cast %add3A_848 : i32 to index
      %get3A_850 = arith.constant 0 : index
      %get3A_851 = tpu.vector_load %arg8[%get3A_849, %get3A_850] {strides = array<i32>} : memref<512x32xf32, #tpu.memory_space<vmem>>, vector<16xf32>,
      %add3A_852 = arith.addf %get3A_851, %get3A_264 : vector<16xf32>
      %get3A_853 = arith.index_cast %add3A_848 : i32 to index
      %get3A_854 = arith.constant 16 : index
      %get3A_855 = tpu.vector_load %arg8[%get3A_853, %get3A_854] {strides = array<i32>} : memref<512x32xf32, #tpu.memory_space<vmem>>, vector<16xf32>,
      %add3A_856 = arith.addf %get3A_855, %get3A_267 : vector<16xf32>
      tpu.vector_store_idx %arg10[%add3A_846], %add3A_852 : memref<16640xf32, #tpu.memory_space<vmem>>[vector<16xi32>], vector<16xf32>,
      %add3A_857 = arith.constant 8320 : i32
      %add3A_858 = vector.broadcast %add3A_857 : i32 to vector<16xi32>
      %add3A_859 = arith.addi %add3A_846, %add3A_858 : vector<16xi32>
      tpu.vector_store_idx %arg10[%add3A_859], %add3A_856 : memref<16640xf32, #tpu.memory_space<vmem>>[vector<16xi32>], vector<16xf32>,
      %add3A_860 = arith.constant 1 : i32
      %add3A_861 = vector.broadcast %add3A_860 : i32 to vector<16xi32>
      %add3A_862 = arith.addi %add3A_846, %add3A_861 : vector<16xi32>
      %add3A_863 = arith.constant 3 : i32
      %add3A_864 = arith.addi %mul3A_814, %add3A_863 : i32
      %get3A_865 = arith.index_cast %add3A_864 : i32 to index
      %get3A_866 = arith.constant 0 : index
      %get3A_867 = tpu.vector_load %arg8[%get3A_865, %get3A_866] {strides = array<i32>} : memref<512x32xf32, #tpu.memory_space<vmem>>, vector<16xf32>,
      %add3A_868 = arith.addf %get3A_867, %get3A_264 : vector<16xf32>
      %get3A_869 = arith.index_cast %add3A_864 : i32 to index
      %get3A_870 = arith.constant 16 : index
      %get3A_871 = tpu.vector_load %arg8[%get3A_869, %get3A_870] {strides = array<i32>} : memref<512x32xf32, #tpu.memory_space<vmem>>, vector<16xf32>,
      %add3A_872 = arith.addf %get3A_871, %get3A_267 : vector<16xf32>
      tpu.vector_store_idx %arg10[%add3A_862], %add3A_868 : memref<16640xf32, #tpu.memory_space<vmem>>[vector<16xi32>], vector<16xf32>,
      %add3A_873 = arith.constant 8320 : i32
      %add3A_874 = vector.broadcast %add3A_873 : i32 to vector<16xi32>
      %add3A_875 = arith.addi %add3A_862, %add3A_874 : vector<16xi32>
      tpu.vector_store_idx %arg10[%add3A_875], %add3A_872 : memref<16640xf32, #tpu.memory_space<vmem>>[vector<16xi32>], vector<16xf32>,
      %add3A_876 = arith.constant 1 : i32
      %add3A_877 = vector.broadcast %add3A_876 : i32 to vector<16xi32>
      %add3A_878 = arith.addi %add3A_862, %add3A_877 : vector<16xi32>
      %add3A_879 = arith.constant 4 : i32
      %add3A_880 = arith.addi %mul3A_814, %add3A_879 : i32
      %get3A_881 = arith.index_cast %add3A_880 : i32 to index
      %get3A_882 = arith.constant 0 : index
      %get3A_883 = tpu.vector_load %arg8[%get3A_881, %get3A_882] {strides = array<i32>} : memref<512x32xf32, #tpu.memory_space<vmem>>, vector<16xf32>,
      %add3A_884 = arith.addf %get3A_883, %get3A_264 : vector<16xf32>
      %get3A_885 = arith.index_cast %add3A_880 : i32 to index
      %get3A_886 = arith.constant 16 : index
      %get3A_887 = tpu.vector_load %arg8[%get3A_885, %get3A_886] {strides = array<i32>} : memref<512x32xf32, #tpu.memory_space<vmem>>, vector<16xf32>,
      %add3A_888 = arith.addf %get3A_887, %get3A_267 : vector<16xf32>
      tpu.vector_store_idx %arg10[%add3A_878], %add3A_884 : memref<16640xf32, #tpu.memory_space<vmem>>[vector<16xi32>], vector<16xf32>,
      %add3A_889 = arith.constant 8320 : i32
      %add3A_890 = vector.broadcast %add3A_889 : i32 to vector<16xi32>
      %add3A_891 = arith.addi %add3A_878, %add3A_890 : vector<16xi32>
      tpu.vector_store_idx %arg10[%add3A_891], %add3A_888 : memref<16640xf32, #tpu.memory_space<vmem>>[vector<16xi32>], vector<16xf32>,
      %add3A_892 = arith.constant 1 : i32
      %add3A_893 = vector.broadcast %add3A_892 : i32 to vector<16xi32>
      %add3A_894 = arith.addi %add3A_878, %add3A_893 : vector<16xi32>
      %add3A_895 = arith.constant 5 : i32
      %add3A_896 = arith.addi %mul3A_814, %add3A_895 : i32
      %get3A_897 = arith.index_cast %add3A_896 : i32 to index
      %get3A_898 = arith.constant 0 : index
      %get3A_899 = tpu.vector_load %arg8[%get3A_897, %get3A_898] {strides = array<i32>} : memref<512x32xf32, #tpu.memory_space<vmem>>, vector<16xf32>,
      %add3A_900 = arith.addf %get3A_899, %get3A_264 : vector<16xf32>
      %get3A_901 = arith.index_cast %add3A_896 : i32 to index
      %get3A_902 = arith.constant 16 : index
      %get3A_903 = tpu.vector_load %arg8[%get3A_901, %get3A_902] {strides = array<i32>} : memref<512x32xf32, #tpu.memory_space<vmem>>, vector<16xf32>,
      %add3A_904 = arith.addf %get3A_903, %get3A_267 : vector<16xf32>
      tpu.vector_store_idx %arg10[%add3A_894], %add3A_900 : memref<16640xf32, #tpu.memory_space<vmem>>[vector<16xi32>], vector<16xf32>,
      %add3A_905 = arith.constant 8320 : i32
      %add3A_906 = vector.broadcast %add3A_905 : i32 to vector<16xi32>
      %add3A_907 = arith.addi %add3A_894, %add3A_906 : vector<16xi32>
      tpu.vector_store_idx %arg10[%add3A_907], %add3A_904 : memref<16640xf32, #tpu.memory_space<vmem>>[vector<16xi32>], vector<16xf32>,
      %add3A_908 = arith.constant 1 : i32
      %add3A_909 = vector.broadcast %add3A_908 : i32 to vector<16xi32>
      %add3A_910 = arith.addi %add3A_894, %add3A_909 : vector<16xi32>
      %add3A_911 = arith.constant 6 : i32
      %add3A_912 = arith.addi %mul3A_814, %add3A_911 : i32
      %get3A_913 = arith.index_cast %add3A_912 : i32 to index
      %get3A_914 = arith.constant 0 : index
      %get3A_915 = tpu.vector_load %arg8[%get3A_913, %get3A_914] {strides = array<i32>} : memref<512x32xf32, #tpu.memory_space<vmem>>, vector<16xf32>,
      %add3A_916 = arith.addf %get3A_915, %get3A_264 : vector<16xf32>
      %get3A_917 = arith.index_cast %add3A_912 : i32 to index
      %get3A_918 = arith.constant 16 : index
      %get3A_919 = tpu.vector_load %arg8[%get3A_917, %get3A_918] {strides = array<i32>} : memref<512x32xf32, #tpu.memory_space<vmem>>, vector<16xf32>,
      %add3A_920 = arith.addf %get3A_919, %get3A_267 : vector<16xf32>
      tpu.vector_store_idx %arg10[%add3A_910], %add3A_916 : memref<16640xf32, #tpu.memory_space<vmem>>[vector<16xi32>], vector<16xf32>,
      %add3A_921 = arith.constant 8320 : i32
      %add3A_922 = vector.broadcast %add3A_921 : i32 to vector<16xi32>
      %add3A_923 = arith.addi %add3A_910, %add3A_922 : vector<16xi32>
      tpu.vector_store_idx %arg10[%add3A_923], %add3A_920 : memref<16640xf32, #tpu.memory_space<vmem>>[vector<16xi32>], vector<16xf32>,
      %add3A_924 = arith.constant 1 : i32
      %add3A_925 = vector.broadcast %add3A_924 : i32 to vector<16xi32>
      %add3A_926 = arith.addi %add3A_910, %add3A_925 : vector<16xi32>
      %add3A_927 = arith.constant 7 : i32
      %add3A_928 = arith.addi %mul3A_814, %add3A_927 : i32
      %get3A_929 = arith.index_cast %add3A_928 : i32 to index
      %get3A_930 = arith.constant 0 : index
      %get3A_931 = tpu.vector_load %arg8[%get3A_929, %get3A_930] {strides = array<i32>} : memref<512x32xf32, #tpu.memory_space<vmem>>, vector<16xf32>,
      %add3A_932 = arith.addf %get3A_931, %get3A_264 : vector<16xf32>
      %get3A_933 = arith.index_cast %add3A_928 : i32 to index
      %get3A_934 = arith.constant 16 : index
      %get3A_935 = tpu.vector_load %arg8[%get3A_933, %get3A_934] {strides = array<i32>} : memref<512x32xf32, #tpu.memory_space<vmem>>, vector<16xf32>,
      %add3A_936 = arith.addf %get3A_935, %get3A_267 : vector<16xf32>
      tpu.vector_store_idx %arg10[%add3A_926], %add3A_932 : memref<16640xf32, #tpu.memory_space<vmem>>[vector<16xi32>], vector<16xf32>,
      %add3A_937 = arith.constant 8320 : i32
      %add3A_938 = vector.broadcast %add3A_937 : i32 to vector<16xi32>
      %add3A_939 = arith.addi %add3A_926, %add3A_938 : vector<16xi32>
      tpu.vector_store_idx %arg10[%add3A_939], %add3A_936 : memref<16640xf32, #tpu.memory_space<vmem>>[vector<16xi32>], vector<16xf32>,
      %add3A_940 = arith.constant 1 : i32
      %add3A_941 = vector.broadcast %add3A_940 : i32 to vector<16xi32>
      %add3A_942 = arith.addi %add3A_926, %add3A_941 : vector<16xi32>
      scf.yield %add3A_942 : vector<16xi32>
    }
    %scan3A_272 = arith.constant 64 : i32
    %add3A_273 = arith.constant 0 : i32
    %add3A_274 = arith.addi %add3A_273, %add3A : i32
    %jit3A_275 = arith.constant 8 : i32
    %div3A_276 = arith.divsi %add3A_274, %jit3A_275 : i32
    %sign3A_277 = arith.constant 0 : i32
    %sign3A_278 = arith.cmpi sgt, %add3A_274, %sign3A_277 : i32
    %sign3A_279 = arith.extui %sign3A_278 : i1 to i32
    %sign3A_280 = arith.constant 0 : i32
    %sign3A_281 = arith.cmpi slt, %add3A_274, %sign3A_280 : i32
    %sign3A_282 = arith.extui %sign3A_281 : i1 to i32
    %sign3A_283 = arith.subi %sign3A_279, %sign3A_282 : i32
    %sign3A_284 = arith.constant 0 : i32
    %sign3A_285 = arith.cmpi sgt, %jit3A_275, %sign3A_284 : i32
    %sign3A_286 = arith.extui %sign3A_285 : i1 to i32
    %sign3A_287 = arith.constant 0 : i32
    %sign3A_288 = arith.cmpi slt, %jit3A_275, %sign3A_287 : i32
    %sign3A_289 = arith.extui %sign3A_288 : i1 to i32
    %sign3A_290 = arith.subi %sign3A_286, %sign3A_289 : i32
    %ne3A_291 = arith.cmpi ne, %sign3A_283, %sign3A_290 : i32
    %rem3A_292 = arith.remsi %add3A_274, %jit3A_275 : i32
    %ne3A_293 = arith.constant 0 : i32
    %ne3A_294 = arith.cmpi ne, %rem3A_292, %ne3A_293 : i32
    %and3A_295 = arith.andi %ne3A_291, %ne3A_294 : i1
    %sub3A_296 = arith.constant 1 : i32
    %sub3A_297 = arith.subi %div3A_276, %sub3A_296 : i32
    %select_n3A_298 = arith.select %and3A_295, %sub3A_297, %div3A_276 : i32
    %jit3A_299 = arith.constant 8 : i32
    %eq3A_300 = arith.constant 0 : i32
    %eq3A_301 = arith.cmpi eq, %jit3A_299, %eq3A_300 : i32
    %jit3A_302 = arith.constant 1 : i32
    %select_n3A_303 = arith.select %eq3A_301, %jit3A_302, %jit3A_299 : i32
    %rem3A_304 = arith.remsi %add3A_274, %select_n3A_303 : i32
    %ne3A_305 = arith.constant 0 : i32
    %ne3A_306 = arith.cmpi ne, %rem3A_304, %ne3A_305 : i32
    %lt3A_307 = arith.constant 0 : i32
    %lt3A_308 = arith.cmpi slt, %rem3A_304, %lt3A_307 : i32
    %lt3A_309 = arith.constant 0 : i32
    %lt3A_310 = arith.cmpi slt, %select_n3A_303, %lt3A_309 : i32
    %ne3A_311 = arith.xori %lt3A_308, %lt3A_310 : i1
    %and3A_312 = arith.andi %ne3A_311, %ne3A_306 : i1
    %add3A_313 = arith.addi %rem3A_304, %select_n3A_303 : i32
    %select_n3A_314 = arith.select %and3A_312, %add3A_313, %rem3A_304 : i32
    %mul3A_315 = arith.constant 512 : i32
    %mul3A_316 = arith.muli %select_n3A_314, %mul3A_315 : i32
    %scan3A_317 = arith.constant 0 : i32
    %scan3A_318 = arith.constant 0 : i32
    %scan3A_319 = arith.constant 32 : i32
    %scan3A_320 = arith.addi %scan3A_318, %scan3A_319 : i32
    %scan3A_321 = arith.constant 1 : i32
    scf.for %scan3A_811 = %scan3A_318 to %scan3A_320 step %scan3A_321  : i32 {
      %mul3A_812 = arith.constant 520 : i32
      %mul3A_813 = arith.muli %scan3A_811, %mul3A_812 : i32
      %dma_start3A_814 = tpu.memref_slice %arg10[%mul3A_813] : memref<16640xf32, #tpu.memory_space<vmem>> -> memref<512xf32, #tpu.memory_space<vmem>>
      %dma_start3A_815 = tpu.memref_slice %arg5[%select_n3A_298, %scan3A_811, %mul3A_316] : memref<200x32x4096xf32, #tpu.memory_space<hbm>> -> memref<1x1x512xf32, #tpu.memory_space<hbm>>
      %dma_start3A_816 = tpu.memref_squeeze %dma_start3A_815 : memref<1x1x512xf32, #tpu.memory_space<hbm>> -> memref<512xf32, #tpu.memory_space<hbm>>
      %dma_start3A_817 = tpu.memref_slice %arg5[%select_n3A_298, %scan3A_811, %mul3A_316] : memref<200x32x4096xf32, #tpu.memory_space<hbm>> -> memref<1x1x512xf32, #tpu.memory_space<hbm>>
      %dma_start3A_818 = tpu.memref_squeeze %dma_start3A_817 : memref<1x1x512xf32, #tpu.memory_space<hbm>> -> memref<512xf32, #tpu.memory_space<hbm>>
      %dma_start3A_819 = tpu.memref_slice %arg10[%mul3A_813] : memref<16640xf32, #tpu.memory_space<vmem>> -> memref<512xf32, #tpu.memory_space<vmem>>
      tpu.enqueue_dma source(%dma_start3A_819 : memref<512xf32, #tpu.memory_space<vmem>>) target(%dma_start3A_818 : memref<512xf32, #tpu.memory_space<hbm>>) target_semaphore(%arg17 : memref<!tpu.dma_semaphore, #tpu.memory_space<semaphore_mem>>)
    }
    %scan3A_322 = arith.constant 32 : i32
    %dma_wait3A_323 = arith.constant 0 : i32
    %dma_wait3A_324 = tpu.memref_slice %arg2[%dma_wait3A_323] : memref<819200xi32, #tpu.memory_space<hbm>> -> memref<512xi32, #tpu.memory_space<hbm>>
    %dma_wait3A_325 = arith.constant 0 : i32
    %dma_wait3A_326 = tpu.memref_slice %arg2[%dma_wait3A_325] : memref<819200xi32, #tpu.memory_space<hbm>> -> memref<512xi32, #tpu.memory_space<hbm>>
    tpu.wait_dma2 semaphore(%arg13 : memref<!tpu.dma_semaphore, #tpu.memory_space<semaphore_mem>>) src(%dma_wait3A_326 : memref<512xi32, #tpu.memory_space<hbm>>) dst(%arg6 : memref<512xi32, #tpu.memory_space<vmem>>)
    %dma_start3A_327 = arith.constant 0 : i32
    %dma_start3A_328 = arith.constant 0 : i32
    %dma_start3A_329 = tpu.memref_slice %arg8[%dma_start3A_327, %dma_start3A_328] : memref<512x32xf32, #tpu.memory_space<vmem>> -> memref<128x32xf32, #tpu.memory_space<vmem>>
    %dma_start3A_330 = arith.constant 0 : i32
    %dma_start3A_331 = tpu.memref_slice %arg6[%dma_start3A_330] : memref<512xi32, #tpu.memory_space<vmem>> -> memref<128xi32, #tpu.memory_space<vmem>>
    %dma_start3A_332 = arith.constant 0 : i32
    %dma_start3A_333 = arith.constant 0 : i32
    %dma_start3A_334 = tpu.memref_slice %arg3[%dma_start3A_332, %dma_start3A_333] : memref<1000000x32xf32, #tpu.memory_space<hbm>> -> memref<1000000x32xf32, #tpu.memory_space<hbm>>
    tpu.enqueue_indirect_dma source(%dma_start3A_334 : memref<1000000x32xf32, #tpu.memory_space<hbm>>) target(%dma_start3A_329 : memref<128x32xf32, #tpu.memory_space<vmem>>) offsets(%dma_start3A_331 : memref<128xi32, #tpu.memory_space<vmem>>) semaphore(%arg15 : memref<!tpu.dma_semaphore, #tpu.memory_space<semaphore_mem>>)
    %dma_start3A_335 = arith.constant 128 : i32
    %dma_start3A_336 = arith.constant 0 : i32
    %dma_start3A_337 = tpu.memref_slice %arg8[%dma_start3A_335, %dma_start3A_336] : memref<512x32xf32, #tpu.memory_space<vmem>> -> memref<128x32xf32, #tpu.memory_space<vmem>>
    %dma_start3A_338 = arith.constant 128 : i32
    %dma_start3A_339 = tpu.memref_slice %arg6[%dma_start3A_338] : memref<512xi32, #tpu.memory_space<vmem>> -> memref<128xi32, #tpu.memory_space<vmem>>
    %dma_start3A_340 = arith.constant 0 : i32
    %dma_start3A_341 = arith.constant 0 : i32
    %dma_start3A_342 = tpu.memref_slice %arg3[%dma_start3A_340, %dma_start3A_341] : memref<1000000x32xf32, #tpu.memory_space<hbm>> -> memref<1000000x32xf32, #tpu.memory_space<hbm>>
    tpu.enqueue_indirect_dma source(%dma_start3A_342 : memref<1000000x32xf32, #tpu.memory_space<hbm>>) target(%dma_start3A_337 : memref<128x32xf32, #tpu.memory_space<vmem>>) offsets(%dma_start3A_339 : memref<128xi32, #tpu.memory_space<vmem>>) semaphore(%arg15 : memref<!tpu.dma_semaphore, #tpu.memory_space<semaphore_mem>>)
    %dma_start3A_343 = arith.constant 256 : i32
    %dma_start3A_344 = arith.constant 0 : i32
    %dma_start3A_345 = tpu.memref_slice %arg8[%dma_start3A_343, %dma_start3A_344] : memref<512x32xf32, #tpu.memory_space<vmem>> -> memref<128x32xf32, #tpu.memory_space<vmem>>
    %dma_start3A_346 = arith.constant 256 : i32
    %dma_start3A_347 = tpu.memref_slice %arg6[%dma_start3A_346] : memref<512xi32, #tpu.memory_space<vmem>> -> memref<128xi32, #tpu.memory_space<vmem>>
    %dma_start3A_348 = arith.constant 0 : i32
    %dma_start3A_349 = arith.constant 0 : i32
    %dma_start3A_350 = tpu.memref_slice %arg3[%dma_start3A_348, %dma_start3A_349] : memref<1000000x32xf32, #tpu.memory_space<hbm>> -> memref<1000000x32xf32, #tpu.memory_space<hbm>>
    tpu.enqueue_indirect_dma source(%dma_start3A_350 : memref<1000000x32xf32, #tpu.memory_space<hbm>>) target(%dma_start3A_345 : memref<128x32xf32, #tpu.memory_space<vmem>>) offsets(%dma_start3A_347 : memref<128xi32, #tpu.memory_space<vmem>>) semaphore(%arg15 : memref<!tpu.dma_semaphore, #tpu.memory_space<semaphore_mem>>)
    %dma_start3A_351 = arith.constant 384 : i32
    %dma_start3A_352 = arith.constant 0 : i32
    %dma_start3A_353 = tpu.memref_slice %arg8[%dma_start3A_351, %dma_start3A_352] : memref<512x32xf32, #tpu.memory_space<vmem>> -> memref<128x32xf32, #tpu.memory_space<vmem>>
    %dma_start3A_354 = arith.constant 384 : i32
    %dma_start3A_355 = tpu.memref_slice %arg6[%dma_start3A_354] : memref<512xi32, #tpu.memory_space<vmem>> -> memref<128xi32, #tpu.memory_space<vmem>>
    %dma_start3A_356 = arith.constant 0 : i32
    %dma_start3A_357 = arith.constant 0 : i32
    %dma_start3A_358 = tpu.memref_slice %arg3[%dma_start3A_356, %dma_start3A_357] : memref<1000000x32xf32, #tpu.memory_space<hbm>> -> memref<1000000x32xf32, #tpu.memory_space<hbm>>
    tpu.enqueue_indirect_dma source(%dma_start3A_358 : memref<1000000x32xf32, #tpu.memory_space<hbm>>) target(%dma_start3A_353 : memref<128x32xf32, #tpu.memory_space<vmem>>) offsets(%dma_start3A_355 : memref<128xi32, #tpu.memory_space<vmem>>) semaphore(%arg15 : memref<!tpu.dma_semaphore, #tpu.memory_space<semaphore_mem>>)
    %dma_wait3A_359 = arith.constant 0 : i32
    %dma_wait3A_360 = arith.constant 0 : i32
    %dma_wait3A_361 = tpu.memref_slice %arg3[%dma_wait3A_359, %dma_wait3A_360] : memref<1000000x32xf32, #tpu.memory_space<hbm>> -> memref<512x32xf32, #tpu.memory_space<hbm>>
    %dma_wait3A_362 = arith.constant 0 : i32
    %dma_wait3A_363 = arith.constant 0 : i32
    %dma_wait3A_364 = tpu.memref_slice %arg3[%dma_wait3A_362, %dma_wait3A_363] : memref<1000000x32xf32, #tpu.memory_space<hbm>> -> memref<512x32xf32, #tpu.memory_space<hbm>>
    tpu.wait_dma2 semaphore(%arg16 : memref<!tpu.dma_semaphore, #tpu.memory_space<semaphore_mem>>) src(%dma_wait3A_364 : memref<512x32xf32, #tpu.memory_space<hbm>>) dst(%arg9 : memref<512x32xf32, #tpu.memory_space<vmem>>)
    %add3A_365 = arith.constant 96 : i32
    %add3A_366 = arith.addi %add3A_365, %add3A : i32
    %jit3A_367 = arith.constant 8 : i32
    %div3A_368 = arith.divsi %add3A_366, %jit3A_367 : i32
    %sign3A_369 = arith.constant 0 : i32
    %sign3A_370 = arith.cmpi sgt, %add3A_366, %sign3A_369 : i32
    %sign3A_371 = arith.extui %sign3A_370 : i1 to i32
    %sign3A_372 = arith.constant 0 : i32
    %sign3A_373 = arith.cmpi slt, %add3A_366, %sign3A_372 : i32
    %sign3A_374 = arith.extui %sign3A_373 : i1 to i32
    %sign3A_375 = arith.subi %sign3A_371, %sign3A_374 : i32
    %sign3A_376 = arith.constant 0 : i32
    %sign3A_377 = arith.cmpi sgt, %jit3A_367, %sign3A_376 : i32
    %sign3A_378 = arith.extui %sign3A_377 : i1 to i32
    %sign3A_379 = arith.constant 0 : i32
    %sign3A_380 = arith.cmpi slt, %jit3A_367, %sign3A_379 : i32
    %sign3A_381 = arith.extui %sign3A_380 : i1 to i32
    %sign3A_382 = arith.subi %sign3A_378, %sign3A_381 : i32
    %ne3A_383 = arith.cmpi ne, %sign3A_375, %sign3A_382 : i32
    %rem3A_384 = arith.remsi %add3A_366, %jit3A_367 : i32
    %ne3A_385 = arith.constant 0 : i32
    %ne3A_386 = arith.cmpi ne, %rem3A_384, %ne3A_385 : i32
    %and3A_387 = arith.andi %ne3A_383, %ne3A_386 : i1
    %sub3A_388 = arith.constant 1 : i32
    %sub3A_389 = arith.subi %div3A_368, %sub3A_388 : i32
    %select_n3A_390 = arith.select %and3A_387, %sub3A_389, %div3A_368 : i32
    %jit3A_391 = arith.constant 8 : i32
    %eq3A_392 = arith.constant 0 : i32
    %eq3A_393 = arith.cmpi eq, %jit3A_391, %eq3A_392 : i32
    %jit3A_394 = arith.constant 1 : i32
    %select_n3A_395 = arith.select %eq3A_393, %jit3A_394, %jit3A_391 : i32
    %rem3A_396 = arith.remsi %add3A_366, %select_n3A_395 : i32
    %ne3A_397 = arith.constant 0 : i32
    %ne3A_398 = arith.cmpi ne, %rem3A_396, %ne3A_397 : i32
    %lt3A_399 = arith.constant 0 : i32
    %lt3A_400 = arith.cmpi slt, %rem3A_396, %lt3A_399 : i32
    %lt3A_401 = arith.constant 0 : i32
    %lt3A_402 = arith.cmpi slt, %select_n3A_395, %lt3A_401 : i32
    %ne3A_403 = arith.xori %lt3A_400, %lt3A_402 : i1
    %and3A_404 = arith.andi %ne3A_403, %ne3A_398 : i1
    %add3A_405 = arith.addi %rem3A_396, %select_n3A_395 : i32
    %select_n3A_406 = arith.select %and3A_404, %add3A_405, %rem3A_396 : i32
    %mul3A_407 = arith.constant 512 : i32
    %mul3A_408 = arith.muli %select_n3A_406, %mul3A_407 : i32
    %mul3A_409 = arith.constant 4096 : i32
    %mul3A_410 = arith.muli %select_n3A_390, %mul3A_409 : i32
    %add3A_411 = arith.addi %mul3A_410, %mul3A_408 : i32
    %multiple_of3A_412 = tpu.assume_multiple %add3A_411, 512 : i32
    %dma_start3A_413 = tpu.memref_slice %arg2[%multiple_of3A_412] : memref<819200xi32, #tpu.memory_space<hbm>> -> memref<512xi32, #tpu.memory_space<hbm>>
    %dma_start3A_414 = tpu.memref_slice %arg2[%multiple_of3A_412] : memref<819200xi32, #tpu.memory_space<hbm>> -> memref<512xi32, #tpu.memory_space<hbm>>
    tpu.enqueue_dma source(%dma_start3A_414 : memref<512xi32, #tpu.memory_space<hbm>>) target(%arg7 : memref<512xi32, #tpu.memory_space<vmem>>) target_semaphore(%arg14 : memref<!tpu.dma_semaphore, #tpu.memory_space<semaphore_mem>>)
    %add3A_415 = arith.constant 32 : i32
    %add3A_416 = arith.addi %add3A_415, %add3A : i32
    %jit3A_417 = arith.constant 8 : i32
    %div3A_418 = arith.divsi %add3A_416, %jit3A_417 : i32
    %sign3A_419 = arith.constant 0 : i32
    %sign3A_420 = arith.cmpi sgt, %add3A_416, %sign3A_419 : i32
    %sign3A_421 = arith.extui %sign3A_420 : i1 to i32
    %sign3A_422 = arith.constant 0 : i32
    %sign3A_423 = arith.cmpi slt, %add3A_416, %sign3A_422 : i32
    %sign3A_424 = arith.extui %sign3A_423 : i1 to i32
    %sign3A_425 = arith.subi %sign3A_421, %sign3A_424 : i32
    %sign3A_426 = arith.constant 0 : i32
    %sign3A_427 = arith.cmpi sgt, %jit3A_417, %sign3A_426 : i32
    %sign3A_428 = arith.extui %sign3A_427 : i1 to i32
    %sign3A_429 = arith.constant 0 : i32
    %sign3A_430 = arith.cmpi slt, %jit3A_417, %sign3A_429 : i32
    %sign3A_431 = arith.extui %sign3A_430 : i1 to i32
    %sign3A_432 = arith.subi %sign3A_428, %sign3A_431 : i32
    %ne3A_433 = arith.cmpi ne, %sign3A_425, %sign3A_432 : i32
    %rem3A_434 = arith.remsi %add3A_416, %jit3A_417 : i32
    %ne3A_435 = arith.constant 0 : i32
    %ne3A_436 = arith.cmpi ne, %rem3A_434, %ne3A_435 : i32
    %and3A_437 = arith.andi %ne3A_433, %ne3A_436 : i1
    %sub3A_438 = arith.constant 1 : i32
    %sub3A_439 = arith.subi %div3A_418, %sub3A_438 : i32
    %select_n3A_440 = arith.select %and3A_437, %sub3A_439, %div3A_418 : i32
    %jit3A_441 = arith.constant 8 : i32
    %eq3A_442 = arith.constant 0 : i32
    %eq3A_443 = arith.cmpi eq, %jit3A_441, %eq3A_442 : i32
    %jit3A_444 = arith.constant 1 : i32
    %select_n3A_445 = arith.select %eq3A_443, %jit3A_444, %jit3A_441 : i32
    %rem3A_446 = arith.remsi %add3A_416, %select_n3A_445 : i32
    %ne3A_447 = arith.constant 0 : i32
    %ne3A_448 = arith.cmpi ne, %rem3A_446, %ne3A_447 : i32
    %lt3A_449 = arith.constant 0 : i32
    %lt3A_450 = arith.cmpi slt, %rem3A_446, %lt3A_449 : i32
    %lt3A_451 = arith.constant 0 : i32
    %lt3A_452 = arith.cmpi slt, %select_n3A_445, %lt3A_451 : i32
    %ne3A_453 = arith.xori %lt3A_450, %lt3A_452 : i1
    %and3A_454 = arith.andi %ne3A_453, %ne3A_448 : i1
    %add3A_455 = arith.addi %rem3A_446, %select_n3A_445 : i32
    %select_n3A_456 = arith.select %and3A_454, %add3A_455, %rem3A_446 : i32
    %mul3A_457 = arith.constant 512 : i32
    %mul3A_458 = arith.muli %select_n3A_456, %mul3A_457 : i32
    %get3A_459 = arith.index_cast %select_n3A_440 : i32 to index
    %get3A_460 = arith.constant 0 : index
    %get3A_461 = tpu.vector_load %arg12[%get3A_459, %get3A_460] {strides = array<i32>} : memref<200x32xf32, #tpu.memory_space<vmem>>, vector<16xf32>,
    %get3A_462 = arith.index_cast %select_n3A_440 : i32 to index
    %get3A_463 = arith.constant 16 : index
    %get3A_464 = tpu.vector_load %arg12[%get3A_462, %get3A_463] {strides = array<i32>} : memref<200x32xf32, #tpu.memory_space<vmem>>, vector<16xf32>,
    %scan3A_465 = arith.constant 0 : i32
    %scan3A_466 = arith.constant 64 : i32
    %scan3A_467 = arith.addi %scan3A_465, %scan3A_466 : i32
    %scan3A_468 = arith.constant 1 : i32
    %scan3A_469 = scf.for %scan3A_811 = %scan3A_465 to %scan3A_467 step %scan3A_468 iter_args(%scan3A_812 = %mul3A_3) -> (vector<16xi32>)  : i32 {
      %mul3A_813 = arith.constant 8 : i32
      %mul3A_814 = arith.muli %scan3A_811, %mul3A_813 : i32
      %add3A_815 = arith.constant 0 : i32
      %add3A_816 = arith.addi %mul3A_814, %add3A_815 : i32
      %get3A_817 = arith.index_cast %add3A_816 : i32 to index
      %get3A_818 = arith.constant 0 : index
      %get3A_819 = tpu.vector_load %arg9[%get3A_817, %get3A_818] {strides = array<i32>} : memref<512x32xf32, #tpu.memory_space<vmem>>, vector<16xf32>,
      %add3A_820 = arith.addf %get3A_819, %get3A_461 : vector<16xf32>
      %get3A_821 = arith.index_cast %add3A_816 : i32 to index
      %get3A_822 = arith.constant 16 : index
      %get3A_823 = tpu.vector_load %arg9[%get3A_821, %get3A_822] {strides = array<i32>} : memref<512x32xf32, #tpu.memory_space<vmem>>, vector<16xf32>,
      %add3A_824 = arith.addf %get3A_823, %get3A_464 : vector<16xf32>
      tpu.vector_store_idx %arg11[%scan3A_812], %add3A_820 : memref<16640xf32, #tpu.memory_space<vmem>>[vector<16xi32>], vector<16xf32>,
      %add3A_825 = arith.constant 8320 : i32
      %add3A_826 = vector.broadcast %add3A_825 : i32 to vector<16xi32>
      %add3A_827 = arith.addi %scan3A_812, %add3A_826 : vector<16xi32>
      tpu.vector_store_idx %arg11[%add3A_827], %add3A_824 : memref<16640xf32, #tpu.memory_space<vmem>>[vector<16xi32>], vector<16xf32>,
      %add3A_828 = arith.constant 1 : i32
      %add3A_829 = vector.broadcast %add3A_828 : i32 to vector<16xi32>
      %add3A_830 = arith.addi %scan3A_812, %add3A_829 : vector<16xi32>
      %add3A_831 = arith.constant 1 : i32
      %add3A_832 = arith.addi %mul3A_814, %add3A_831 : i32
      %get3A_833 = arith.index_cast %add3A_832 : i32 to index
      %get3A_834 = arith.constant 0 : index
      %get3A_835 = tpu.vector_load %arg9[%get3A_833, %get3A_834] {strides = array<i32>} : memref<512x32xf32, #tpu.memory_space<vmem>>, vector<16xf32>,
      %add3A_836 = arith.addf %get3A_835, %get3A_461 : vector<16xf32>
      %get3A_837 = arith.index_cast %add3A_832 : i32 to index
      %get3A_838 = arith.constant 16 : index
      %get3A_839 = tpu.vector_load %arg9[%get3A_837, %get3A_838] {strides = array<i32>} : memref<512x32xf32, #tpu.memory_space<vmem>>, vector<16xf32>,
      %add3A_840 = arith.addf %get3A_839, %get3A_464 : vector<16xf32>
      tpu.vector_store_idx %arg11[%add3A_830], %add3A_836 : memref<16640xf32, #tpu.memory_space<vmem>>[vector<16xi32>], vector<16xf32>,
      %add3A_841 = arith.constant 8320 : i32
      %add3A_842 = vector.broadcast %add3A_841 : i32 to vector<16xi32>
      %add3A_843 = arith.addi %add3A_830, %add3A_842 : vector<16xi32>
      tpu.vector_store_idx %arg11[%add3A_843], %add3A_840 : memref<16640xf32, #tpu.memory_space<vmem>>[vector<16xi32>], vector<16xf32>,
      %add3A_844 = arith.constant 1 : i32
      %add3A_845 = vector.broadcast %add3A_844 : i32 to vector<16xi32>
      %add3A_846 = arith.addi %add3A_830, %add3A_845 : vector<16xi32>
      %add3A_847 = arith.constant 2 : i32
      %add3A_848 = arith.addi %mul3A_814, %add3A_847 : i32
      %get3A_849 = arith.index_cast %add3A_848 : i32 to index
      %get3A_850 = arith.constant 0 : index
      %get3A_851 = tpu.vector_load %arg9[%get3A_849, %get3A_850] {strides = array<i32>} : memref<512x32xf32, #tpu.memory_space<vmem>>, vector<16xf32>,
      %add3A_852 = arith.addf %get3A_851, %get3A_461 : vector<16xf32>
      %get3A_853 = arith.index_cast %add3A_848 : i32 to index
      %get3A_854 = arith.constant 16 : index
      %get3A_855 = tpu.vector_load %arg9[%get3A_853, %get3A_854] {strides = array<i32>} : memref<512x32xf32, #tpu.memory_space<vmem>>, vector<16xf32>,
      %add3A_856 = arith.addf %get3A_855, %get3A_464 : vector<16xf32>
      tpu.vector_store_idx %arg11[%add3A_846], %add3A_852 : memref<16640xf32, #tpu.memory_space<vmem>>[vector<16xi32>], vector<16xf32>,
      %add3A_857 = arith.constant 8320 : i32
      %add3A_858 = vector.broadcast %add3A_857 : i32 to vector<16xi32>
      %add3A_859 = arith.addi %add3A_846, %add3A_858 : vector<16xi32>
      tpu.vector_store_idx %arg11[%add3A_859], %add3A_856 : memref<16640xf32, #tpu.memory_space<vmem>>[vector<16xi32>], vector<16xf32>,
      %add3A_860 = arith.constant 1 : i32
      %add3A_861 = vector.broadcast %add3A_860 : i32 to vector<16xi32>
      %add3A_862 = arith.addi %add3A_846, %add3A_861 : vector<16xi32>
      %add3A_863 = arith.constant 3 : i32
      %add3A_864 = arith.addi %mul3A_814, %add3A_863 : i32
      %get3A_865 = arith.index_cast %add3A_864 : i32 to index
      %get3A_866 = arith.constant 0 : index
      %get3A_867 = tpu.vector_load %arg9[%get3A_865, %get3A_866] {strides = array<i32>} : memref<512x32xf32, #tpu.memory_space<vmem>>, vector<16xf32>,
      %add3A_868 = arith.addf %get3A_867, %get3A_461 : vector<16xf32>
      %get3A_869 = arith.index_cast %add3A_864 : i32 to index
      %get3A_870 = arith.constant 16 : index
      %get3A_871 = tpu.vector_load %arg9[%get3A_869, %get3A_870] {strides = array<i32>} : memref<512x32xf32, #tpu.memory_space<vmem>>, vector<16xf32>,
      %add3A_872 = arith.addf %get3A_871, %get3A_464 : vector<16xf32>
      tpu.vector_store_idx %arg11[%add3A_862], %add3A_868 : memref<16640xf32, #tpu.memory_space<vmem>>[vector<16xi32>], vector<16xf32>,
      %add3A_873 = arith.constant 8320 : i32
      %add3A_874 = vector.broadcast %add3A_873 : i32 to vector<16xi32>
      %add3A_875 = arith.addi %add3A_862, %add3A_874 : vector<16xi32>
      tpu.vector_store_idx %arg11[%add3A_875], %add3A_872 : memref<16640xf32, #tpu.memory_space<vmem>>[vector<16xi32>], vector<16xf32>,
      %add3A_876 = arith.constant 1 : i32
      %add3A_877 = vector.broadcast %add3A_876 : i32 to vector<16xi32>
      %add3A_878 = arith.addi %add3A_862, %add3A_877 : vector<16xi32>
      %add3A_879 = arith.constant 4 : i32
      %add3A_880 = arith.addi %mul3A_814, %add3A_879 : i32
      %get3A_881 = arith.index_cast %add3A_880 : i32 to index
      %get3A_882 = arith.constant 0 : index
      %get3A_883 = tpu.vector_load %arg9[%get3A_881, %get3A_882] {strides = array<i32>} : memref<512x32xf32, #tpu.memory_space<vmem>>, vector<16xf32>,
      %add3A_884 = arith.addf %get3A_883, %get3A_461 : vector<16xf32>
      %get3A_885 = arith.index_cast %add3A_880 : i32 to index
      %get3A_886 = arith.constant 16 : index
      %get3A_887 = tpu.vector_load %arg9[%get3A_885, %get3A_886] {strides = array<i32>} : memref<512x32xf32, #tpu.memory_space<vmem>>, vector<16xf32>,
      %add3A_888 = arith.addf %get3A_887, %get3A_464 : vector<16xf32>
      tpu.vector_store_idx %arg11[%add3A_878], %add3A_884 : memref<16640xf32, #tpu.memory_space<vmem>>[vector<16xi32>], vector<16xf32>,
      %add3A_889 = arith.constant 8320 : i32
      %add3A_890 = vector.broadcast %add3A_889 : i32 to vector<16xi32>
      %add3A_891 = arith.addi %add3A_878, %add3A_890 : vector<16xi32>
      tpu.vector_store_idx %arg11[%add3A_891], %add3A_888 : memref<16640xf32, #tpu.memory_space<vmem>>[vector<16xi32>], vector<16xf32>,
      %add3A_892 = arith.constant 1 : i32
      %add3A_893 = vector.broadcast %add3A_892 : i32 to vector<16xi32>
      %add3A_894 = arith.addi %add3A_878, %add3A_893 : vector<16xi32>
      %add3A_895 = arith.constant 5 : i32
      %add3A_896 = arith.addi %mul3A_814, %add3A_895 : i32
      %get3A_897 = arith.index_cast %add3A_896 : i32 to index
      %get3A_898 = arith.constant 0 : index
      %get3A_899 = tpu.vector_load %arg9[%get3A_897, %get3A_898] {strides = array<i32>} : memref<512x32xf32, #tpu.memory_space<vmem>>, vector<16xf32>,
      %add3A_900 = arith.addf %get3A_899, %get3A_461 : vector<16xf32>
      %get3A_901 = arith.index_cast %add3A_896 : i32 to index
      %get3A_902 = arith.constant 16 : index
      %get3A_903 = tpu.vector_load %arg9[%get3A_901, %get3A_902] {strides = array<i32>} : memref<512x32xf32, #tpu.memory_space<vmem>>, vector<16xf32>,
      %add3A_904 = arith.addf %get3A_903, %get3A_464 : vector<16xf32>
      tpu.vector_store_idx %arg11[%add3A_894], %add3A_900 : memref<16640xf32, #tpu.memory_space<vmem>>[vector<16xi32>], vector<16xf32>,
      %add3A_905 = arith.constant 8320 : i32
      %add3A_906 = vector.broadcast %add3A_905 : i32 to vector<16xi32>
      %add3A_907 = arith.addi %add3A_894, %add3A_906 : vector<16xi32>
      tpu.vector_store_idx %arg11[%add3A_907], %add3A_904 : memref<16640xf32, #tpu.memory_space<vmem>>[vector<16xi32>], vector<16xf32>,
      %add3A_908 = arith.constant 1 : i32
      %add3A_909 = vector.broadcast %add3A_908 : i32 to vector<16xi32>
      %add3A_910 = arith.addi %add3A_894, %add3A_909 : vector<16xi32>
      %add3A_911 = arith.constant 6 : i32
      %add3A_912 = arith.addi %mul3A_814, %add3A_911 : i32
      %get3A_913 = arith.index_cast %add3A_912 : i32 to index
      %get3A_914 = arith.constant 0 : index
      %get3A_915 = tpu.vector_load %arg9[%get3A_913, %get3A_914] {strides = array<i32>} : memref<512x32xf32, #tpu.memory_space<vmem>>, vector<16xf32>,
      %add3A_916 = arith.addf %get3A_915, %get3A_461 : vector<16xf32>
      %get3A_917 = arith.index_cast %add3A_912 : i32 to index
      %get3A_918 = arith.constant 16 : index
      %get3A_919 = tpu.vector_load %arg9[%get3A_917, %get3A_918] {strides = array<i32>} : memref<512x32xf32, #tpu.memory_space<vmem>>, vector<16xf32>,
      %add3A_920 = arith.addf %get3A_919, %get3A_464 : vector<16xf32>
      tpu.vector_store_idx %arg11[%add3A_910], %add3A_916 : memref<16640xf32, #tpu.memory_space<vmem>>[vector<16xi32>], vector<16xf32>,
      %add3A_921 = arith.constant 8320 : i32
      %add3A_922 = vector.broadcast %add3A_921 : i32 to vector<16xi32>
      %add3A_923 = arith.addi %add3A_910, %add3A_922 : vector<16xi32>
      tpu.vector_store_idx %arg11[%add3A_923], %add3A_920 : memref<16640xf32, #tpu.memory_space<vmem>>[vector<16xi32>], vector<16xf32>,
      %add3A_924 = arith.constant 1 : i32
      %add3A_925 = vector.broadcast %add3A_924 : i32 to vector<16xi32>
      %add3A_926 = arith.addi %add3A_910, %add3A_925 : vector<16xi32>
      %add3A_927 = arith.constant 7 : i32
      %add3A_928 = arith.addi %mul3A_814, %add3A_927 : i32
      %get3A_929 = arith.index_cast %add3A_928 : i32 to index
      %get3A_930 = arith.constant 0 : index
      %get3A_931 = tpu.vector_load %arg9[%get3A_929, %get3A_930] {strides = array<i32>} : memref<512x32xf32, #tpu.memory_space<vmem>>, vector<16xf32>,
      %add3A_932 = arith.addf %get3A_931, %get3A_461 : vector<16xf32>
      %get3A_933 = arith.index_cast %add3A_928 : i32 to index
      %get3A_934 = arith.constant 16 : index
      %get3A_935 = tpu.vector_load %arg9[%get3A_933, %get3A_934] {strides = array<i32>} : memref<512x32xf32, #tpu.memory_space<vmem>>, vector<16xf32>,
      %add3A_936 = arith.addf %get3A_935, %get3A_464 : vector<16xf32>
      tpu.vector_store_idx %arg11[%add3A_926], %add3A_932 : memref<16640xf32, #tpu.memory_space<vmem>>[vector<16xi32>], vector<16xf32>,
      %add3A_937 = arith.constant 8320 : i32
      %add3A_938 = vector.broadcast %add3A_937 : i32 to vector<16xi32>
      %add3A_939 = arith.addi %add3A_926, %add3A_938 : vector<16xi32>
      tpu.vector_store_idx %arg11[%add3A_939], %add3A_936 : memref<16640xf32, #tpu.memory_space<vmem>>[vector<16xi32>], vector<16xf32>,
      %add3A_940 = arith.constant 1 : i32
      %add3A_941 = vector.broadcast %add3A_940 : i32 to vector<16xi32>
      %add3A_942 = arith.addi %add3A_926, %add3A_941 : vector<16xi32>
      scf.yield %add3A_942 : vector<16xi32>
    }
    %scan3A_470 = arith.constant 64 : i32
    %add3A_471 = arith.constant 32 : i32
    %add3A_472 = arith.addi %add3A_471, %add3A : i32
    %jit3A_473 = arith.constant 8 : i32
    %div3A_474 = arith.divsi %add3A_472, %jit3A_473 : i32
    %sign3A_475 = arith.constant 0 : i32
    %sign3A_476 = arith.cmpi sgt, %add3A_472, %sign3A_475 : i32
    %sign3A_477 = arith.extui %sign3A_476 : i1 to i32
    %sign3A_478 = arith.constant 0 : i32
    %sign3A_479 = arith.cmpi slt, %add3A_472, %sign3A_478 : i32
    %sign3A_480 = arith.extui %sign3A_479 : i1 to i32
    %sign3A_481 = arith.subi %sign3A_477, %sign3A_480 : i32
    %sign3A_482 = arith.constant 0 : i32
    %sign3A_483 = arith.cmpi sgt, %jit3A_473, %sign3A_482 : i32
    %sign3A_484 = arith.extui %sign3A_483 : i1 to i32
    %sign3A_485 = arith.constant 0 : i32
    %sign3A_486 = arith.cmpi slt, %jit3A_473, %sign3A_485 : i32
    %sign3A_487 = arith.extui %sign3A_486 : i1 to i32
    %sign3A_488 = arith.subi %sign3A_484, %sign3A_487 : i32
    %ne3A_489 = arith.cmpi ne, %sign3A_481, %sign3A_488 : i32
    %rem3A_490 = arith.remsi %add3A_472, %jit3A_473 : i32
    %ne3A_491 = arith.constant 0 : i32
    %ne3A_492 = arith.cmpi ne, %rem3A_490, %ne3A_491 : i32
    %and3A_493 = arith.andi %ne3A_489, %ne3A_492 : i1
    %sub3A_494 = arith.constant 1 : i32
    %sub3A_495 = arith.subi %div3A_474, %sub3A_494 : i32
    %select_n3A_496 = arith.select %and3A_493, %sub3A_495, %div3A_474 : i32
    %jit3A_497 = arith.constant 8 : i32
    %eq3A_498 = arith.constant 0 : i32
    %eq3A_499 = arith.cmpi eq, %jit3A_497, %eq3A_498 : i32
    %jit3A_500 = arith.constant 1 : i32
    %select_n3A_501 = arith.select %eq3A_499, %jit3A_500, %jit3A_497 : i32
    %rem3A_502 = arith.remsi %add3A_472, %select_n3A_501 : i32
    %ne3A_503 = arith.constant 0 : i32
    %ne3A_504 = arith.cmpi ne, %rem3A_502, %ne3A_503 : i32
    %lt3A_505 = arith.constant 0 : i32
    %lt3A_506 = arith.cmpi slt, %rem3A_502, %lt3A_505 : i32
    %lt3A_507 = arith.constant 0 : i32
    %lt3A_508 = arith.cmpi slt, %select_n3A_501, %lt3A_507 : i32
    %ne3A_509 = arith.xori %lt3A_506, %lt3A_508 : i1
    %and3A_510 = arith.andi %ne3A_509, %ne3A_504 : i1
    %add3A_511 = arith.addi %rem3A_502, %select_n3A_501 : i32
    %select_n3A_512 = arith.select %and3A_510, %add3A_511, %rem3A_502 : i32
    %mul3A_513 = arith.constant 512 : i32
    %mul3A_514 = arith.muli %select_n3A_512, %mul3A_513 : i32
    %scan3A_515 = arith.constant 0 : i32
    %scan3A_516 = arith.constant 0 : i32
    %scan3A_517 = arith.constant 32 : i32
    %scan3A_518 = arith.addi %scan3A_516, %scan3A_517 : i32
    %scan3A_519 = arith.constant 1 : i32
    scf.for %scan3A_811 = %scan3A_516 to %scan3A_518 step %scan3A_519  : i32 {
      %mul3A_812 = arith.constant 520 : i32
      %mul3A_813 = arith.muli %scan3A_811, %mul3A_812 : i32
      %dma_start3A_814 = tpu.memref_slice %arg11[%mul3A_813] : memref<16640xf32, #tpu.memory_space<vmem>> -> memref<512xf32, #tpu.memory_space<vmem>>
      %dma_start3A_815 = tpu.memref_slice %arg5[%select_n3A_496, %scan3A_811, %mul3A_514] : memref<200x32x4096xf32, #tpu.memory_space<hbm>> -> memref<1x1x512xf32, #tpu.memory_space<hbm>>
      %dma_start3A_816 = tpu.memref_squeeze %dma_start3A_815 : memref<1x1x512xf32, #tpu.memory_space<hbm>> -> memref<512xf32, #tpu.memory_space<hbm>>
      %dma_start3A_817 = tpu.memref_slice %arg5[%select_n3A_496, %scan3A_811, %mul3A_514] : memref<200x32x4096xf32, #tpu.memory_space<hbm>> -> memref<1x1x512xf32, #tpu.memory_space<hbm>>
      %dma_start3A_818 = tpu.memref_squeeze %dma_start3A_817 : memref<1x1x512xf32, #tpu.memory_space<hbm>> -> memref<512xf32, #tpu.memory_space<hbm>>
      %dma_start3A_819 = tpu.memref_slice %arg11[%mul3A_813] : memref<16640xf32, #tpu.memory_space<vmem>> -> memref<512xf32, #tpu.memory_space<vmem>>
      tpu.enqueue_dma source(%dma_start3A_819 : memref<512xf32, #tpu.memory_space<vmem>>) target(%dma_start3A_818 : memref<512xf32, #tpu.memory_space<hbm>>) target_semaphore(%arg18 : memref<!tpu.dma_semaphore, #tpu.memory_space<semaphore_mem>>)
    }
    %scan3A_520 = arith.constant 32 : i32
    %scan3A_521 = arith.constant 0 : i32
    %scan3A_522 = arith.constant 1 : i32
    %scan3A_523 = arith.constant 23 : i32
    %scan3A_524 = arith.addi %scan3A_522, %scan3A_523 : i32
    %scan3A_525 = arith.constant 1 : i32
    scf.for %scan3A_811 = %scan3A_522 to %scan3A_524 step %scan3A_525  : i32 {
      %mul3A_812 = arith.constant 2 : i32
      %mul3A_813 = arith.muli %scan3A_811, %mul3A_812 : i32
      %dma_wait3A_814 = arith.constant 0 : i32
      %dma_wait3A_815 = tpu.memref_slice %arg2[%dma_wait3A_814] : memref<819200xi32, #tpu.memory_space<hbm>> -> memref<512xi32, #tpu.memory_space<hbm>>
      %dma_wait3A_816 = arith.constant 0 : i32
      %dma_wait3A_817 = tpu.memref_slice %arg2[%dma_wait3A_816] : memref<819200xi32, #tpu.memory_space<hbm>> -> memref<512xi32, #tpu.memory_space<hbm>>
      tpu.wait_dma2 semaphore(%arg14 : memref<!tpu.dma_semaphore, #tpu.memory_space<semaphore_mem>>) src(%dma_wait3A_817 : memref<512xi32, #tpu.memory_space<hbm>>) dst(%arg7 : memref<512xi32, #tpu.memory_space<vmem>>)
      %dma_start3A_818 = arith.constant 0 : i32
      %dma_start3A_819 = arith.constant 0 : i32
      %dma_start3A_820 = tpu.memref_slice %arg9[%dma_start3A_818, %dma_start3A_819] : memref<512x32xf32, #tpu.memory_space<vmem>> -> memref<128x32xf32, #tpu.memory_space<vmem>>
      %dma_start3A_821 = arith.constant 0 : i32
      %dma_start3A_822 = tpu.memref_slice %arg7[%dma_start3A_821] : memref<512xi32, #tpu.memory_space<vmem>> -> memref<128xi32, #tpu.memory_space<vmem>>
      %dma_start3A_823 = arith.constant 0 : i32
      %dma_start3A_824 = arith.constant 0 : i32
      %dma_start3A_825 = tpu.memref_slice %arg3[%dma_start3A_823, %dma_start3A_824] : memref<1000000x32xf32, #tpu.memory_space<hbm>> -> memref<1000000x32xf32, #tpu.memory_space<hbm>>
      tpu.enqueue_indirect_dma source(%dma_start3A_825 : memref<1000000x32xf32, #tpu.memory_space<hbm>>) target(%dma_start3A_820 : memref<128x32xf32, #tpu.memory_space<vmem>>) offsets(%dma_start3A_822 : memref<128xi32, #tpu.memory_space<vmem>>) semaphore(%arg16 : memref<!tpu.dma_semaphore, #tpu.memory_space<semaphore_mem>>)
      %dma_start3A_826 = arith.constant 128 : i32
      %dma_start3A_827 = arith.constant 0 : i32
      %dma_start3A_828 = tpu.memref_slice %arg9[%dma_start3A_826, %dma_start3A_827] : memref<512x32xf32, #tpu.memory_space<vmem>> -> memref<128x32xf32, #tpu.memory_space<vmem>>
      %dma_start3A_829 = arith.constant 128 : i32
      %dma_start3A_830 = tpu.memref_slice %arg7[%dma_start3A_829] : memref<512xi32, #tpu.memory_space<vmem>> -> memref<128xi32, #tpu.memory_space<vmem>>
      %dma_start3A_831 = arith.constant 0 : i32
      %dma_start3A_832 = arith.constant 0 : i32
      %dma_start3A_833 = tpu.memref_slice %arg3[%dma_start3A_831, %dma_start3A_832] : memref<1000000x32xf32, #tpu.memory_space<hbm>> -> memref<1000000x32xf32, #tpu.memory_space<hbm>>
      tpu.enqueue_indirect_dma source(%dma_start3A_833 : memref<1000000x32xf32, #tpu.memory_space<hbm>>) target(%dma_start3A_828 : memref<128x32xf32, #tpu.memory_space<vmem>>) offsets(%dma_start3A_830 : memref<128xi32, #tpu.memory_space<vmem>>) semaphore(%arg16 : memref<!tpu.dma_semaphore, #tpu.memory_space<semaphore_mem>>)
      %dma_start3A_834 = arith.constant 256 : i32
      %dma_start3A_835 = arith.constant 0 : i32
      %dma_start3A_836 = tpu.memref_slice %arg9[%dma_start3A_834, %dma_start3A_835] : memref<512x32xf32, #tpu.memory_space<vmem>> -> memref<128x32xf32, #tpu.memory_space<vmem>>
      %dma_start3A_837 = arith.constant 256 : i32
      %dma_start3A_838 = tpu.memref_slice %arg7[%dma_start3A_837] : memref<512xi32, #tpu.memory_space<vmem>> -> memref<128xi32, #tpu.memory_space<vmem>>
      %dma_start3A_839 = arith.constant 0 : i32
      %dma_start3A_840 = arith.constant 0 : i32
      %dma_start3A_841 = tpu.memref_slice %arg3[%dma_start3A_839, %dma_start3A_840] : memref<1000000x32xf32, #tpu.memory_space<hbm>> -> memref<1000000x32xf32, #tpu.memory_space<hbm>>
      tpu.enqueue_indirect_dma source(%dma_start3A_841 : memref<1000000x32xf32, #tpu.memory_space<hbm>>) target(%dma_start3A_836 : memref<128x32xf32, #tpu.memory_space<vmem>>) offsets(%dma_start3A_838 : memref<128xi32, #tpu.memory_space<vmem>>) semaphore(%arg16 : memref<!tpu.dma_semaphore, #tpu.memory_space<semaphore_mem>>)
      %dma_start3A_842 = arith.constant 384 : i32
      %dma_start3A_843 = arith.constant 0 : i32
      %dma_start3A_844 = tpu.memref_slice %arg9[%dma_start3A_842, %dma_start3A_843] : memref<512x32xf32, #tpu.memory_space<vmem>> -> memref<128x32xf32, #tpu.memory_space<vmem>>
      %dma_start3A_845 = arith.constant 384 : i32
      %dma_start3A_846 = tpu.memref_slice %arg7[%dma_start3A_845] : memref<512xi32, #tpu.memory_space<vmem>> -> memref<128xi32, #tpu.memory_space<vmem>>
      %dma_start3A_847 = arith.constant 0 : i32
      %dma_start3A_848 = arith.constant 0 : i32
      %dma_start3A_849 = tpu.memref_slice %arg3[%dma_start3A_847, %dma_start3A_848] : memref<1000000x32xf32, #tpu.memory_space<hbm>> -> memref<1000000x32xf32, #tpu.memory_space<hbm>>
      tpu.enqueue_indirect_dma source(%dma_start3A_849 : memref<1000000x32xf32, #tpu.memory_space<hbm>>) target(%dma_start3A_844 : memref<128x32xf32, #tpu.memory_space<vmem>>) offsets(%dma_start3A_846 : memref<128xi32, #tpu.memory_space<vmem>>) semaphore(%arg16 : memref<!tpu.dma_semaphore, #tpu.memory_space<semaphore_mem>>)
      %dma_wait3A_850 = arith.constant 0 : i32
      %dma_wait3A_851 = arith.constant 0 : i32
      %dma_wait3A_852 = tpu.memref_slice %arg3[%dma_wait3A_850, %dma_wait3A_851] : memref<1000000x32xf32, #tpu.memory_space<hbm>> -> memref<512x32xf32, #tpu.memory_space<hbm>>
      %dma_wait3A_853 = arith.constant 0 : i32
      %dma_wait3A_854 = arith.constant 0 : i32
      %dma_wait3A_855 = tpu.memref_slice %arg3[%dma_wait3A_853, %dma_wait3A_854] : memref<1000000x32xf32, #tpu.memory_space<hbm>> -> memref<512x32xf32, #tpu.memory_space<hbm>>
      tpu.wait_dma2 semaphore(%arg15 : memref<!tpu.dma_semaphore, #tpu.memory_space<semaphore_mem>>) src(%dma_wait3A_855 : memref<512x32xf32, #tpu.memory_space<hbm>>) dst(%arg8 : memref<512x32xf32, #tpu.memory_space<vmem>>)
      %add3A_856 = arith.constant 2 : i32
      %add3A_857 = arith.addi %mul3A_813, %add3A_856 : i32
      %mul3A_858 = arith.constant 32 : i32
      %mul3A_859 = arith.muli %add3A_857, %mul3A_858 : i32
      %add3A_860 = arith.addi %mul3A_859, %add3A : i32
      %jit3A_861 = arith.constant 8 : i32
      %div3A_862 = arith.divsi %add3A_860, %jit3A_861 : i32
      %sign3A_863 = arith.constant 0 : i32
      %sign3A_864 = arith.cmpi sgt, %add3A_860, %sign3A_863 : i32
      %sign3A_865 = arith.extui %sign3A_864 : i1 to i32
      %sign3A_866 = arith.constant 0 : i32
      %sign3A_867 = arith.cmpi slt, %add3A_860, %sign3A_866 : i32
      %sign3A_868 = arith.extui %sign3A_867 : i1 to i32
      %sign3A_869 = arith.subi %sign3A_865, %sign3A_868 : i32
      %sign3A_870 = arith.constant 0 : i32
      %sign3A_871 = arith.cmpi sgt, %jit3A_861, %sign3A_870 : i32
      %sign3A_872 = arith.extui %sign3A_871 : i1 to i32
      %sign3A_873 = arith.constant 0 : i32
      %sign3A_874 = arith.cmpi slt, %jit3A_861, %sign3A_873 : i32
      %sign3A_875 = arith.extui %sign3A_874 : i1 to i32
      %sign3A_876 = arith.subi %sign3A_872, %sign3A_875 : i32
      %ne3A_877 = arith.cmpi ne, %sign3A_869, %sign3A_876 : i32
      %rem3A_878 = arith.remsi %add3A_860, %jit3A_861 : i32
      %ne3A_879 = arith.constant 0 : i32
      %ne3A_880 = arith.cmpi ne, %rem3A_878, %ne3A_879 : i32
      %and3A_881 = arith.andi %ne3A_877, %ne3A_880 : i1
      %sub3A_882 = arith.constant 1 : i32
      %sub3A_883 = arith.subi %div3A_862, %sub3A_882 : i32
      %select_n3A_884 = arith.select %and3A_881, %sub3A_883, %div3A_862 : i32
      %jit3A_885 = arith.constant 8 : i32
      %eq3A_886 = arith.constant 0 : i32
      %eq3A_887 = arith.cmpi eq, %jit3A_885, %eq3A_886 : i32
      %jit3A_888 = arith.constant 1 : i32
      %select_n3A_889 = arith.select %eq3A_887, %jit3A_888, %jit3A_885 : i32
      %rem3A_890 = arith.remsi %add3A_860, %select_n3A_889 : i32
      %ne3A_891 = arith.constant 0 : i32
      %ne3A_892 = arith.cmpi ne, %rem3A_890, %ne3A_891 : i32
      %lt3A_893 = arith.constant 0 : i32
      %lt3A_894 = arith.cmpi slt, %rem3A_890, %lt3A_893 : i32
      %lt3A_895 = arith.constant 0 : i32
      %lt3A_896 = arith.cmpi slt, %select_n3A_889, %lt3A_895 : i32
      %ne3A_897 = arith.xori %lt3A_894, %lt3A_896 : i1
      %and3A_898 = arith.andi %ne3A_897, %ne3A_892 : i1
      %add3A_899 = arith.addi %rem3A_890, %select_n3A_889 : i32
      %select_n3A_900 = arith.select %and3A_898, %add3A_899, %rem3A_890 : i32
      %mul3A_901 = arith.constant 512 : i32
      %mul3A_902 = arith.muli %select_n3A_900, %mul3A_901 : i32
      %mul3A_903 = arith.constant 4096 : i32
      %mul3A_904 = arith.muli %select_n3A_884, %mul3A_903 : i32
      %add3A_905 = arith.addi %mul3A_904, %mul3A_902 : i32
      %multiple_of3A_906 = tpu.assume_multiple %add3A_905, 512 : i32
      %dma_start3A_907 = tpu.memref_slice %arg2[%multiple_of3A_906] : memref<819200xi32, #tpu.memory_space<hbm>> -> memref<512xi32, #tpu.memory_space<hbm>>
      %dma_start3A_908 = tpu.memref_slice %arg2[%multiple_of3A_906] : memref<819200xi32, #tpu.memory_space<hbm>> -> memref<512xi32, #tpu.memory_space<hbm>>
      tpu.enqueue_dma source(%dma_start3A_908 : memref<512xi32, #tpu.memory_space<hbm>>) target(%arg6 : memref<512xi32, #tpu.memory_space<vmem>>) target_semaphore(%arg13 : memref<!tpu.dma_semaphore, #tpu.memory_space<semaphore_mem>>)
      %dma_wait3A_909 = arith.constant 0 : i32
      %dma_wait3A_910 = arith.constant 0 : i32
      %dma_wait3A_911 = tpu.memref_slice %arg3[%dma_wait3A_909, %dma_wait3A_910] : memref<1000000x32xf32, #tpu.memory_space<hbm>> -> memref<512x32xf32, #tpu.memory_space<hbm>>
      %dma_wait3A_912 = arith.constant 0 : i32
      %dma_wait3A_913 = arith.constant 0 : i32
      %dma_wait3A_914 = tpu.memref_slice %arg3[%dma_wait3A_912, %dma_wait3A_913] : memref<1000000x32xf32, #tpu.memory_space<hbm>> -> memref<512x32xf32, #tpu.memory_space<hbm>>
      tpu.wait_dma2 semaphore(%arg17 : memref<!tpu.dma_semaphore, #tpu.memory_space<semaphore_mem>>) src(%dma_wait3A_914 : memref<512x32xf32, #tpu.memory_space<hbm>>) dst(%arg8 : memref<512x32xf32, #tpu.memory_space<vmem>>)
      %mul3A_915 = arith.constant 32 : i32
      %mul3A_916 = arith.muli %mul3A_813, %mul3A_915 : i32
      %add3A_917 = arith.addi %mul3A_916, %add3A : i32
      %jit3A_918 = arith.constant 8 : i32
      %div3A_919 = arith.divsi %add3A_917, %jit3A_918 : i32
      %sign3A_920 = arith.constant 0 : i32
      %sign3A_921 = arith.cmpi sgt, %add3A_917, %sign3A_920 : i32
      %sign3A_922 = arith.extui %sign3A_921 : i1 to i32
      %sign3A_923 = arith.constant 0 : i32
      %sign3A_924 = arith.cmpi slt, %add3A_917, %sign3A_923 : i32
      %sign3A_925 = arith.extui %sign3A_924 : i1 to i32
      %sign3A_926 = arith.subi %sign3A_922, %sign3A_925 : i32
      %sign3A_927 = arith.constant 0 : i32
      %sign3A_928 = arith.cmpi sgt, %jit3A_918, %sign3A_927 : i32
      %sign3A_929 = arith.extui %sign3A_928 : i1 to i32
      %sign3A_930 = arith.constant 0 : i32
      %sign3A_931 = arith.cmpi slt, %jit3A_918, %sign3A_930 : i32
      %sign3A_932 = arith.extui %sign3A_931 : i1 to i32
      %sign3A_933 = arith.subi %sign3A_929, %sign3A_932 : i32
      %ne3A_934 = arith.cmpi ne, %sign3A_926, %sign3A_933 : i32
      %rem3A_935 = arith.remsi %add3A_917, %jit3A_918 : i32
      %ne3A_936 = arith.constant 0 : i32
      %ne3A_937 = arith.cmpi ne, %rem3A_935, %ne3A_936 : i32
      %and3A_938 = arith.andi %ne3A_934, %ne3A_937 : i1
      %sub3A_939 = arith.constant 1 : i32
      %sub3A_940 = arith.subi %div3A_919, %sub3A_939 : i32
      %select_n3A_941 = arith.select %and3A_938, %sub3A_940, %div3A_919 : i32
      %jit3A_942 = arith.constant 8 : i32
      %eq3A_943 = arith.constant 0 : i32
      %eq3A_944 = arith.cmpi eq, %jit3A_942, %eq3A_943 : i32
      %jit3A_945 = arith.constant 1 : i32
      %select_n3A_946 = arith.select %eq3A_944, %jit3A_945, %jit3A_942 : i32
      %rem3A_947 = arith.remsi %add3A_917, %select_n3A_946 : i32
      %ne3A_948 = arith.constant 0 : i32
      %ne3A_949 = arith.cmpi ne, %rem3A_947, %ne3A_948 : i32
      %lt3A_950 = arith.constant 0 : i32
      %lt3A_951 = arith.cmpi slt, %rem3A_947, %lt3A_950 : i32
      %lt3A_952 = arith.constant 0 : i32
      %lt3A_953 = arith.cmpi slt, %select_n3A_946, %lt3A_952 : i32
      %ne3A_954 = arith.xori %lt3A_951, %lt3A_953 : i1
      %and3A_955 = arith.andi %ne3A_954, %ne3A_949 : i1
      %add3A_956 = arith.addi %rem3A_947, %select_n3A_946 : i32
      %select_n3A_957 = arith.select %and3A_955, %add3A_956, %rem3A_947 : i32
      %mul3A_958 = arith.constant 512 : i32
      %mul3A_959 = arith.muli %select_n3A_957, %mul3A_958 : i32
      %get3A_960 = arith.index_cast %select_n3A_941 : i32 to index
      %get3A_961 = arith.constant 0 : index
      %get3A_962 = tpu.vector_load %arg12[%get3A_960, %get3A_961] {strides = array<i32>} : memref<200x32xf32, #tpu.memory_space<vmem>>, vector<16xf32>,
      %get3A_963 = arith.index_cast %select_n3A_941 : i32 to index
      %get3A_964 = arith.constant 16 : index
      %get3A_965 = tpu.vector_load %arg12[%get3A_963, %get3A_964] {strides = array<i32>} : memref<200x32xf32, #tpu.memory_space<vmem>>, vector<16xf32>,
      %scan3A_966 = arith.constant 0 : i32
      %scan3A_967 = arith.constant 64 : i32
      %scan3A_968 = arith.addi %scan3A_966, %scan3A_967 : i32
      %scan3A_969 = arith.constant 1 : i32
      %scan3A_970 = scf.for %scan3A_1234 = %scan3A_966 to %scan3A_968 step %scan3A_969 iter_args(%scan3A_1235 = %mul3A_3) -> (vector<16xi32>)  : i32 {
        %mul3A_1236 = arith.constant 8 : i32
        %mul3A_1237 = arith.muli %scan3A_1234, %mul3A_1236 : i32
        %add3A_1238 = arith.constant 0 : i32
        %add3A_1239 = arith.addi %mul3A_1237, %add3A_1238 : i32
        %get3A_1240 = arith.index_cast %add3A_1239 : i32 to index
        %get3A_1241 = arith.constant 0 : index
        %get3A_1242 = tpu.vector_load %arg8[%get3A_1240, %get3A_1241] {strides = array<i32>} : memref<512x32xf32, #tpu.memory_space<vmem>>, vector<16xf32>,
        %add3A_1243 = arith.addf %get3A_1242, %get3A_962 : vector<16xf32>
        %get3A_1244 = arith.index_cast %add3A_1239 : i32 to index
        %get3A_1245 = arith.constant 16 : index
        %get3A_1246 = tpu.vector_load %arg8[%get3A_1244, %get3A_1245] {strides = array<i32>} : memref<512x32xf32, #tpu.memory_space<vmem>>, vector<16xf32>,
        %add3A_1247 = arith.addf %get3A_1246, %get3A_965 : vector<16xf32>
        tpu.vector_store_idx %arg10[%scan3A_1235], %add3A_1243 : memref<16640xf32, #tpu.memory_space<vmem>>[vector<16xi32>], vector<16xf32>,
        %add3A_1248 = arith.constant 8320 : i32
        %add3A_1249 = vector.broadcast %add3A_1248 : i32 to vector<16xi32>
        %add3A_1250 = arith.addi %scan3A_1235, %add3A_1249 : vector<16xi32>
        tpu.vector_store_idx %arg10[%add3A_1250], %add3A_1247 : memref<16640xf32, #tpu.memory_space<vmem>>[vector<16xi32>], vector<16xf32>,
        %add3A_1251 = arith.constant 1 : i32
        %add3A_1252 = vector.broadcast %add3A_1251 : i32 to vector<16xi32>
        %add3A_1253 = arith.addi %scan3A_1235, %add3A_1252 : vector<16xi32>
        %add3A_1254 = arith.constant 1 : i32
        %add3A_1255 = arith.addi %mul3A_1237, %add3A_1254 : i32
        %get3A_1256 = arith.index_cast %add3A_1255 : i32 to index
        %get3A_1257 = arith.constant 0 : index
        %get3A_1258 = tpu.vector_load %arg8[%get3A_1256, %get3A_1257] {strides = array<i32>} : memref<512x32xf32, #tpu.memory_space<vmem>>, vector<16xf32>,
        %add3A_1259 = arith.addf %get3A_1258, %get3A_962 : vector<16xf32>
        %get3A_1260 = arith.index_cast %add3A_1255 : i32 to index
        %get3A_1261 = arith.constant 16 : index
        %get3A_1262 = tpu.vector_load %arg8[%get3A_1260, %get3A_1261] {strides = array<i32>} : memref<512x32xf32, #tpu.memory_space<vmem>>, vector<16xf32>,
        %add3A_1263 = arith.addf %get3A_1262, %get3A_965 : vector<16xf32>
        tpu.vector_store_idx %arg10[%add3A_1253], %add3A_1259 : memref<16640xf32, #tpu.memory_space<vmem>>[vector<16xi32>], vector<16xf32>,
        %add3A_1264 = arith.constant 8320 : i32
        %add3A_1265 = vector.broadcast %add3A_1264 : i32 to vector<16xi32>
        %add3A_1266 = arith.addi %add3A_1253, %add3A_1265 : vector<16xi32>
        tpu.vector_store_idx %arg10[%add3A_1266], %add3A_1263 : memref<16640xf32, #tpu.memory_space<vmem>>[vector<16xi32>], vector<16xf32>,
        %add3A_1267 = arith.constant 1 : i32
        %add3A_1268 = vector.broadcast %add3A_1267 : i32 to vector<16xi32>
        %add3A_1269 = arith.addi %add3A_1253, %add3A_1268 : vector<16xi32>
        %add3A_1270 = arith.constant 2 : i32
        %add3A_1271 = arith.addi %mul3A_1237, %add3A_1270 : i32
        %get3A_1272 = arith.index_cast %add3A_1271 : i32 to index
        %get3A_1273 = arith.constant 0 : index
        %get3A_1274 = tpu.vector_load %arg8[%get3A_1272, %get3A_1273] {strides = array<i32>} : memref<512x32xf32, #tpu.memory_space<vmem>>, vector<16xf32>,
        %add3A_1275 = arith.addf %get3A_1274, %get3A_962 : vector<16xf32>
        %get3A_1276 = arith.index_cast %add3A_1271 : i32 to index
        %get3A_1277 = arith.constant 16 : index
        %get3A_1278 = tpu.vector_load %arg8[%get3A_1276, %get3A_1277] {strides = array<i32>} : memref<512x32xf32, #tpu.memory_space<vmem>>, vector<16xf32>,
        %add3A_1279 = arith.addf %get3A_1278, %get3A_965 : vector<16xf32>
        tpu.vector_store_idx %arg10[%add3A_1269], %add3A_1275 : memref<16640xf32, #tpu.memory_space<vmem>>[vector<16xi32>], vector<16xf32>,
        %add3A_1280 = arith.constant 8320 : i32
        %add3A_1281 = vector.broadcast %add3A_1280 : i32 to vector<16xi32>
        %add3A_1282 = arith.addi %add3A_1269, %add3A_1281 : vector<16xi32>
        tpu.vector_store_idx %arg10[%add3A_1282], %add3A_1279 : memref<16640xf32, #tpu.memory_space<vmem>>[vector<16xi32>], vector<16xf32>,
        %add3A_1283 = arith.constant 1 : i32
        %add3A_1284 = vector.broadcast %add3A_1283 : i32 to vector<16xi32>
        %add3A_1285 = arith.addi %add3A_1269, %add3A_1284 : vector<16xi32>
        %add3A_1286 = arith.constant 3 : i32
        %add3A_1287 = arith.addi %mul3A_1237, %add3A_1286 : i32
        %get3A_1288 = arith.index_cast %add3A_1287 : i32 to index
        %get3A_1289 = arith.constant 0 : index
        %get3A_1290 = tpu.vector_load %arg8[%get3A_1288, %get3A_1289] {strides = array<i32>} : memref<512x32xf32, #tpu.memory_space<vmem>>, vector<16xf32>,
        %add3A_1291 = arith.addf %get3A_1290, %get3A_962 : vector<16xf32>
        %get3A_1292 = arith.index_cast %add3A_1287 : i32 to index
        %get3A_1293 = arith.constant 16 : index
        %get3A_1294 = tpu.vector_load %arg8[%get3A_1292, %get3A_1293] {strides = array<i32>} : memref<512x32xf32, #tpu.memory_space<vmem>>, vector<16xf32>,
        %add3A_1295 = arith.addf %get3A_1294, %get3A_965 : vector<16xf32>
        tpu.vector_store_idx %arg10[%add3A_1285], %add3A_1291 : memref<16640xf32, #tpu.memory_space<vmem>>[vector<16xi32>], vector<16xf32>,
        %add3A_1296 = arith.constant 8320 : i32
        %add3A_1297 = vector.broadcast %add3A_1296 : i32 to vector<16xi32>
        %add3A_1298 = arith.addi %add3A_1285, %add3A_1297 : vector<16xi32>
        tpu.vector_store_idx %arg10[%add3A_1298], %add3A_1295 : memref<16640xf32, #tpu.memory_space<vmem>>[vector<16xi32>], vector<16xf32>,
        %add3A_1299 = arith.constant 1 : i32
        %add3A_1300 = vector.broadcast %add3A_1299 : i32 to vector<16xi32>
        %add3A_1301 = arith.addi %add3A_1285, %add3A_1300 : vector<16xi32>
        %add3A_1302 = arith.constant 4 : i32
        %add3A_1303 = arith.addi %mul3A_1237, %add3A_1302 : i32
        %get3A_1304 = arith.index_cast %add3A_1303 : i32 to index
        %get3A_1305 = arith.constant 0 : index
        %get3A_1306 = tpu.vector_load %arg8[%get3A_1304, %get3A_1305] {strides = array<i32>} : memref<512x32xf32, #tpu.memory_space<vmem>>, vector<16xf32>,
        %add3A_1307 = arith.addf %get3A_1306, %get3A_962 : vector<16xf32>
        %get3A_1308 = arith.index_cast %add3A_1303 : i32 to index
        %get3A_1309 = arith.constant 16 : index
        %get3A_1310 = tpu.vector_load %arg8[%get3A_1308, %get3A_1309] {strides = array<i32>} : memref<512x32xf32, #tpu.memory_space<vmem>>, vector<16xf32>,
        %add3A_1311 = arith.addf %get3A_1310, %get3A_965 : vector<16xf32>
        tpu.vector_store_idx %arg10[%add3A_1301], %add3A_1307 : memref<16640xf32, #tpu.memory_space<vmem>>[vector<16xi32>], vector<16xf32>,
        %add3A_1312 = arith.constant 8320 : i32
        %add3A_1313 = vector.broadcast %add3A_1312 : i32 to vector<16xi32>
        %add3A_1314 = arith.addi %add3A_1301, %add3A_1313 : vector<16xi32>
        tpu.vector_store_idx %arg10[%add3A_1314], %add3A_1311 : memref<16640xf32, #tpu.memory_space<vmem>>[vector<16xi32>], vector<16xf32>,
        %add3A_1315 = arith.constant 1 : i32
        %add3A_1316 = vector.broadcast %add3A_1315 : i32 to vector<16xi32>
        %add3A_1317 = arith.addi %add3A_1301, %add3A_1316 : vector<16xi32>
        %add3A_1318 = arith.constant 5 : i32
        %add3A_1319 = arith.addi %mul3A_1237, %add3A_1318 : i32
        %get3A_1320 = arith.index_cast %add3A_1319 : i32 to index
        %get3A_1321 = arith.constant 0 : index
        %get3A_1322 = tpu.vector_load %arg8[%get3A_1320, %get3A_1321] {strides = array<i32>} : memref<512x32xf32, #tpu.memory_space<vmem>>, vector<16xf32>,
        %add3A_1323 = arith.addf %get3A_1322, %get3A_962 : vector<16xf32>
        %get3A_1324 = arith.index_cast %add3A_1319 : i32 to index
        %get3A_1325 = arith.constant 16 : index
        %get3A_1326 = tpu.vector_load %arg8[%get3A_1324, %get3A_1325] {strides = array<i32>} : memref<512x32xf32, #tpu.memory_space<vmem>>, vector<16xf32>,
        %add3A_1327 = arith.addf %get3A_1326, %get3A_965 : vector<16xf32>
        tpu.vector_store_idx %arg10[%add3A_1317], %add3A_1323 : memref<16640xf32, #tpu.memory_space<vmem>>[vector<16xi32>], vector<16xf32>,
        %add3A_1328 = arith.constant 8320 : i32
        %add3A_1329 = vector.broadcast %add3A_1328 : i32 to vector<16xi32>
        %add3A_1330 = arith.addi %add3A_1317, %add3A_1329 : vector<16xi32>
        tpu.vector_store_idx %arg10[%add3A_1330], %add3A_1327 : memref<16640xf32, #tpu.memory_space<vmem>>[vector<16xi32>], vector<16xf32>,
        %add3A_1331 = arith.constant 1 : i32
        %add3A_1332 = vector.broadcast %add3A_1331 : i32 to vector<16xi32>
        %add3A_1333 = arith.addi %add3A_1317, %add3A_1332 : vector<16xi32>
        %add3A_1334 = arith.constant 6 : i32
        %add3A_1335 = arith.addi %mul3A_1237, %add3A_1334 : i32
        %get3A_1336 = arith.index_cast %add3A_1335 : i32 to index
        %get3A_1337 = arith.constant 0 : index
        %get3A_1338 = tpu.vector_load %arg8[%get3A_1336, %get3A_1337] {strides = array<i32>} : memref<512x32xf32, #tpu.memory_space<vmem>>, vector<16xf32>,
        %add3A_1339 = arith.addf %get3A_1338, %get3A_962 : vector<16xf32>
        %get3A_1340 = arith.index_cast %add3A_1335 : i32 to index
        %get3A_1341 = arith.constant 16 : index
        %get3A_1342 = tpu.vector_load %arg8[%get3A_1340, %get3A_1341] {strides = array<i32>} : memref<512x32xf32, #tpu.memory_space<vmem>>, vector<16xf32>,
        %add3A_1343 = arith.addf %get3A_1342, %get3A_965 : vector<16xf32>
        tpu.vector_store_idx %arg10[%add3A_1333], %add3A_1339 : memref<16640xf32, #tpu.memory_space<vmem>>[vector<16xi32>], vector<16xf32>,
        %add3A_1344 = arith.constant 8320 : i32
        %add3A_1345 = vector.broadcast %add3A_1344 : i32 to vector<16xi32>
        %add3A_1346 = arith.addi %add3A_1333, %add3A_1345 : vector<16xi32>
        tpu.vector_store_idx %arg10[%add3A_1346], %add3A_1343 : memref<16640xf32, #tpu.memory_space<vmem>>[vector<16xi32>], vector<16xf32>,
        %add3A_1347 = arith.constant 1 : i32
        %add3A_1348 = vector.broadcast %add3A_1347 : i32 to vector<16xi32>
        %add3A_1349 = arith.addi %add3A_1333, %add3A_1348 : vector<16xi32>
        %add3A_1350 = arith.constant 7 : i32
        %add3A_1351 = arith.addi %mul3A_1237, %add3A_1350 : i32
        %get3A_1352 = arith.index_cast %add3A_1351 : i32 to index
        %get3A_1353 = arith.constant 0 : index
        %get3A_1354 = tpu.vector_load %arg8[%get3A_1352, %get3A_1353] {strides = array<i32>} : memref<512x32xf32, #tpu.memory_space<vmem>>, vector<16xf32>,
        %add3A_1355 = arith.addf %get3A_1354, %get3A_962 : vector<16xf32>
        %get3A_1356 = arith.index_cast %add3A_1351 : i32 to index
        %get3A_1357 = arith.constant 16 : index
        %get3A_1358 = tpu.vector_load %arg8[%get3A_1356, %get3A_1357] {strides = array<i32>} : memref<512x32xf32, #tpu.memory_space<vmem>>, vector<16xf32>,
        %add3A_1359 = arith.addf %get3A_1358, %get3A_965 : vector<16xf32>
        tpu.vector_store_idx %arg10[%add3A_1349], %add3A_1355 : memref<16640xf32, #tpu.memory_space<vmem>>[vector<16xi32>], vector<16xf32>,
        %add3A_1360 = arith.constant 8320 : i32
        %add3A_1361 = vector.broadcast %add3A_1360 : i32 to vector<16xi32>
        %add3A_1362 = arith.addi %add3A_1349, %add3A_1361 : vector<16xi32>
        tpu.vector_store_idx %arg10[%add3A_1362], %add3A_1359 : memref<16640xf32, #tpu.memory_space<vmem>>[vector<16xi32>], vector<16xf32>,
        %add3A_1363 = arith.constant 1 : i32
        %add3A_1364 = vector.broadcast %add3A_1363 : i32 to vector<16xi32>
        %add3A_1365 = arith.addi %add3A_1349, %add3A_1364 : vector<16xi32>
        scf.yield %add3A_1365 : vector<16xi32>
      }
      %scan3A_971 = arith.constant 64 : i32
      %mul3A_972 = arith.constant 32 : i32
      %mul3A_973 = arith.muli %mul3A_813, %mul3A_972 : i32
      %add3A_974 = arith.addi %mul3A_973, %add3A : i32
      %jit3A_975 = arith.constant 8 : i32
      %div3A_976 = arith.divsi %add3A_974, %jit3A_975 : i32
      %sign3A_977 = arith.constant 0 : i32
      %sign3A_978 = arith.cmpi sgt, %add3A_974, %sign3A_977 : i32
      %sign3A_979 = arith.extui %sign3A_978 : i1 to i32
      %sign3A_980 = arith.constant 0 : i32
      %sign3A_981 = arith.cmpi slt, %add3A_974, %sign3A_980 : i32
      %sign3A_982 = arith.extui %sign3A_981 : i1 to i32
      %sign3A_983 = arith.subi %sign3A_979, %sign3A_982 : i32
      %sign3A_984 = arith.constant 0 : i32
      %sign3A_985 = arith.cmpi sgt, %jit3A_975, %sign3A_984 : i32
      %sign3A_986 = arith.extui %sign3A_985 : i1 to i32
      %sign3A_987 = arith.constant 0 : i32
      %sign3A_988 = arith.cmpi slt, %jit3A_975, %sign3A_987 : i32
      %sign3A_989 = arith.extui %sign3A_988 : i1 to i32
      %sign3A_990 = arith.subi %sign3A_986, %sign3A_989 : i32
      %ne3A_991 = arith.cmpi ne, %sign3A_983, %sign3A_990 : i32
      %rem3A_992 = arith.remsi %add3A_974, %jit3A_975 : i32
      %ne3A_993 = arith.constant 0 : i32
      %ne3A_994 = arith.cmpi ne, %rem3A_992, %ne3A_993 : i32
      %and3A_995 = arith.andi %ne3A_991, %ne3A_994 : i1
      %sub3A_996 = arith.constant 1 : i32
      %sub3A_997 = arith.subi %div3A_976, %sub3A_996 : i32
      %select_n3A_998 = arith.select %and3A_995, %sub3A_997, %div3A_976 : i32
      %jit3A_999 = arith.constant 8 : i32
      %eq3A_1000 = arith.constant 0 : i32
      %eq3A_1001 = arith.cmpi eq, %jit3A_999, %eq3A_1000 : i32
      %jit3A_1002 = arith.constant 1 : i32
      %select_n3A_1003 = arith.select %eq3A_1001, %jit3A_1002, %jit3A_999 : i32
      %rem3A_1004 = arith.remsi %add3A_974, %select_n3A_1003 : i32
      %ne3A_1005 = arith.constant 0 : i32
      %ne3A_1006 = arith.cmpi ne, %rem3A_1004, %ne3A_1005 : i32
      %lt3A_1007 = arith.constant 0 : i32
      %lt3A_1008 = arith.cmpi slt, %rem3A_1004, %lt3A_1007 : i32
      %lt3A_1009 = arith.constant 0 : i32
      %lt3A_1010 = arith.cmpi slt, %select_n3A_1003, %lt3A_1009 : i32
      %ne3A_1011 = arith.xori %lt3A_1008, %lt3A_1010 : i1
      %and3A_1012 = arith.andi %ne3A_1011, %ne3A_1006 : i1
      %add3A_1013 = arith.addi %rem3A_1004, %select_n3A_1003 : i32
      %select_n3A_1014 = arith.select %and3A_1012, %add3A_1013, %rem3A_1004 : i32
      %mul3A_1015 = arith.constant 512 : i32
      %mul3A_1016 = arith.muli %select_n3A_1014, %mul3A_1015 : i32
      %scan3A_1017 = arith.constant 0 : i32
      %scan3A_1018 = arith.constant 0 : i32
      %scan3A_1019 = arith.constant 32 : i32
      %scan3A_1020 = arith.addi %scan3A_1018, %scan3A_1019 : i32
      %scan3A_1021 = arith.constant 1 : i32
      scf.for %scan3A_1234 = %scan3A_1018 to %scan3A_1020 step %scan3A_1021  : i32 {
        %mul3A_1235 = arith.constant 520 : i32
        %mul3A_1236 = arith.muli %scan3A_1234, %mul3A_1235 : i32
        %dma_start3A_1237 = tpu.memref_slice %arg10[%mul3A_1236] : memref<16640xf32, #tpu.memory_space<vmem>> -> memref<512xf32, #tpu.memory_space<vmem>>
        %dma_start3A_1238 = tpu.memref_slice %arg5[%select_n3A_998, %scan3A_1234, %mul3A_1016] : memref<200x32x4096xf32, #tpu.memory_space<hbm>> -> memref<1x1x512xf32, #tpu.memory_space<hbm>>
        %dma_start3A_1239 = tpu.memref_squeeze %dma_start3A_1238 : memref<1x1x512xf32, #tpu.memory_space<hbm>> -> memref<512xf32, #tpu.memory_space<hbm>>
        %dma_start3A_1240 = tpu.memref_slice %arg5[%select_n3A_998, %scan3A_1234, %mul3A_1016] : memref<200x32x4096xf32, #tpu.memory_space<hbm>> -> memref<1x1x512xf32, #tpu.memory_space<hbm>>
        %dma_start3A_1241 = tpu.memref_squeeze %dma_start3A_1240 : memref<1x1x512xf32, #tpu.memory_space<hbm>> -> memref<512xf32, #tpu.memory_space<hbm>>
        %dma_start3A_1242 = tpu.memref_slice %arg10[%mul3A_1236] : memref<16640xf32, #tpu.memory_space<vmem>> -> memref<512xf32, #tpu.memory_space<vmem>>
        tpu.enqueue_dma source(%dma_start3A_1242 : memref<512xf32, #tpu.memory_space<vmem>>) target(%dma_start3A_1241 : memref<512xf32, #tpu.memory_space<hbm>>) target_semaphore(%arg17 : memref<!tpu.dma_semaphore, #tpu.memory_space<semaphore_mem>>)
      }
      %scan3A_1022 = arith.constant 32 : i32
      %add3A_1023 = arith.constant 1 : i32
      %add3A_1024 = arith.addi %mul3A_813, %add3A_1023 : i32
      %dma_wait3A_1025 = arith.constant 0 : i32
      %dma_wait3A_1026 = tpu.memref_slice %arg2[%dma_wait3A_1025] : memref<819200xi32, #tpu.memory_space<hbm>> -> memref<512xi32, #tpu.memory_space<hbm>>
      %dma_wait3A_1027 = arith.constant 0 : i32
      %dma_wait3A_1028 = tpu.memref_slice %arg2[%dma_wait3A_1027] : memref<819200xi32, #tpu.memory_space<hbm>> -> memref<512xi32, #tpu.memory_space<hbm>>
      tpu.wait_dma2 semaphore(%arg13 : memref<!tpu.dma_semaphore, #tpu.memory_space<semaphore_mem>>) src(%dma_wait3A_1028 : memref<512xi32, #tpu.memory_space<hbm>>) dst(%arg6 : memref<512xi32, #tpu.memory_space<vmem>>)
      %dma_start3A_1029 = arith.constant 0 : i32
      %dma_start3A_1030 = arith.constant 0 : i32
      %dma_start3A_1031 = tpu.memref_slice %arg8[%dma_start3A_1029, %dma_start3A_1030] : memref<512x32xf32, #tpu.memory_space<vmem>> -> memref<128x32xf32, #tpu.memory_space<vmem>>
      %dma_start3A_1032 = arith.constant 0 : i32
      %dma_start3A_1033 = tpu.memref_slice %arg6[%dma_start3A_1032] : memref<512xi32, #tpu.memory_space<vmem>> -> memref<128xi32, #tpu.memory_space<vmem>>
      %dma_start3A_1034 = arith.constant 0 : i32
      %dma_start3A_1035 = arith.constant 0 : i32
      %dma_start3A_1036 = tpu.memref_slice %arg3[%dma_start3A_1034, %dma_start3A_1035] : memref<1000000x32xf32, #tpu.memory_space<hbm>> -> memref<1000000x32xf32, #tpu.memory_space<hbm>>
      tpu.enqueue_indirect_dma source(%dma_start3A_1036 : memref<1000000x32xf32, #tpu.memory_space<hbm>>) target(%dma_start3A_1031 : memref<128x32xf32, #tpu.memory_space<vmem>>) offsets(%dma_start3A_1033 : memref<128xi32, #tpu.memory_space<vmem>>) semaphore(%arg15 : memref<!tpu.dma_semaphore, #tpu.memory_space<semaphore_mem>>)
      %dma_start3A_1037 = arith.constant 128 : i32
      %dma_start3A_1038 = arith.constant 0 : i32
      %dma_start3A_1039 = tpu.memref_slice %arg8[%dma_start3A_1037, %dma_start3A_1038] : memref<512x32xf32, #tpu.memory_space<vmem>> -> memref<128x32xf32, #tpu.memory_space<vmem>>
      %dma_start3A_1040 = arith.constant 128 : i32
      %dma_start3A_1041 = tpu.memref_slice %arg6[%dma_start3A_1040] : memref<512xi32, #tpu.memory_space<vmem>> -> memref<128xi32, #tpu.memory_space<vmem>>
      %dma_start3A_1042 = arith.constant 0 : i32
      %dma_start3A_1043 = arith.constant 0 : i32
      %dma_start3A_1044 = tpu.memref_slice %arg3[%dma_start3A_1042, %dma_start3A_1043] : memref<1000000x32xf32, #tpu.memory_space<hbm>> -> memref<1000000x32xf32, #tpu.memory_space<hbm>>
      tpu.enqueue_indirect_dma source(%dma_start3A_1044 : memref<1000000x32xf32, #tpu.memory_space<hbm>>) target(%dma_start3A_1039 : memref<128x32xf32, #tpu.memory_space<vmem>>) offsets(%dma_start3A_1041 : memref<128xi32, #tpu.memory_space<vmem>>) semaphore(%arg15 : memref<!tpu.dma_semaphore, #tpu.memory_space<semaphore_mem>>)
      %dma_start3A_1045 = arith.constant 256 : i32
      %dma_start3A_1046 = arith.constant 0 : i32
      %dma_start3A_1047 = tpu.memref_slice %arg8[%dma_start3A_1045, %dma_start3A_1046] : memref<512x32xf32, #tpu.memory_space<vmem>> -> memref<128x32xf32, #tpu.memory_space<vmem>>
      %dma_start3A_1048 = arith.constant 256 : i32
      %dma_start3A_1049 = tpu.memref_slice %arg6[%dma_start3A_1048] : memref<512xi32, #tpu.memory_space<vmem>> -> memref<128xi32, #tpu.memory_space<vmem>>
      %dma_start3A_1050 = arith.constant 0 : i32
      %dma_start3A_1051 = arith.constant 0 : i32
      %dma_start3A_1052 = tpu.memref_slice %arg3[%dma_start3A_1050, %dma_start3A_1051] : memref<1000000x32xf32, #tpu.memory_space<hbm>> -> memref<1000000x32xf32, #tpu.memory_space<hbm>>
      tpu.enqueue_indirect_dma source(%dma_start3A_1052 : memref<1000000x32xf32, #tpu.memory_space<hbm>>) target(%dma_start3A_1047 : memref<128x32xf32, #tpu.memory_space<vmem>>) offsets(%dma_start3A_1049 : memref<128xi32, #tpu.memory_space<vmem>>) semaphore(%arg15 : memref<!tpu.dma_semaphore, #tpu.memory_space<semaphore_mem>>)
      %dma_start3A_1053 = arith.constant 384 : i32
      %dma_start3A_1054 = arith.constant 0 : i32
      %dma_start3A_1055 = tpu.memref_slice %arg8[%dma_start3A_1053, %dma_start3A_1054] : memref<512x32xf32, #tpu.memory_space<vmem>> -> memref<128x32xf32, #tpu.memory_space<vmem>>
      %dma_start3A_1056 = arith.constant 384 : i32
      %dma_start3A_1057 = tpu.memref_slice %arg6[%dma_start3A_1056] : memref<512xi32, #tpu.memory_space<vmem>> -> memref<128xi32, #tpu.memory_space<vmem>>
      %dma_start3A_1058 = arith.constant 0 : i32
      %dma_start3A_1059 = arith.constant 0 : i32
      %dma_start3A_1060 = tpu.memref_slice %arg3[%dma_start3A_1058, %dma_start3A_1059] : memref<1000000x32xf32, #tpu.memory_space<hbm>> -> memref<1000000x32xf32, #tpu.memory_space<hbm>>
      tpu.enqueue_indirect_dma source(%dma_start3A_1060 : memref<1000000x32xf32, #tpu.memory_space<hbm>>) target(%dma_start3A_1055 : memref<128x32xf32, #tpu.memory_space<vmem>>) offsets(%dma_start3A_1057 : memref<128xi32, #tpu.memory_space<vmem>>) semaphore(%arg15 : memref<!tpu.dma_semaphore, #tpu.memory_space<semaphore_mem>>)
      %dma_wait3A_1061 = arith.constant 0 : i32
      %dma_wait3A_1062 = arith.constant 0 : i32
      %dma_wait3A_1063 = tpu.memref_slice %arg3[%dma_wait3A_1061, %dma_wait3A_1062] : memref<1000000x32xf32, #tpu.memory_space<hbm>> -> memref<512x32xf32, #tpu.memory_space<hbm>>
      %dma_wait3A_1064 = arith.constant 0 : i32
      %dma_wait3A_1065 = arith.constant 0 : i32
      %dma_wait3A_1066 = tpu.memref_slice %arg3[%dma_wait3A_1064, %dma_wait3A_1065] : memref<1000000x32xf32, #tpu.memory_space<hbm>> -> memref<512x32xf32, #tpu.memory_space<hbm>>
      tpu.wait_dma2 semaphore(%arg16 : memref<!tpu.dma_semaphore, #tpu.memory_space<semaphore_mem>>) src(%dma_wait3A_1066 : memref<512x32xf32, #tpu.memory_space<hbm>>) dst(%arg9 : memref<512x32xf32, #tpu.memory_space<vmem>>)
      %add3A_1067 = arith.constant 2 : i32
      %add3A_1068 = arith.addi %add3A_1024, %add3A_1067 : i32
      %mul3A_1069 = arith.constant 32 : i32
      %mul3A_1070 = arith.muli %add3A_1068, %mul3A_1069 : i32
      %add3A_1071 = arith.addi %mul3A_1070, %add3A : i32
      %jit3A_1072 = arith.constant 8 : i32
      %div3A_1073 = arith.divsi %add3A_1071, %jit3A_1072 : i32
      %sign3A_1074 = arith.constant 0 : i32
      %sign3A_1075 = arith.cmpi sgt, %add3A_1071, %sign3A_1074 : i32
      %sign3A_1076 = arith.extui %sign3A_1075 : i1 to i32
      %sign3A_1077 = arith.constant 0 : i32
      %sign3A_1078 = arith.cmpi slt, %add3A_1071, %sign3A_1077 : i32
      %sign3A_1079 = arith.extui %sign3A_1078 : i1 to i32
      %sign3A_1080 = arith.subi %sign3A_1076, %sign3A_1079 : i32
      %sign3A_1081 = arith.constant 0 : i32
      %sign3A_1082 = arith.cmpi sgt, %jit3A_1072, %sign3A_1081 : i32
      %sign3A_1083 = arith.extui %sign3A_1082 : i1 to i32
      %sign3A_1084 = arith.constant 0 : i32
      %sign3A_1085 = arith.cmpi slt, %jit3A_1072, %sign3A_1084 : i32
      %sign3A_1086 = arith.extui %sign3A_1085 : i1 to i32
      %sign3A_1087 = arith.subi %sign3A_1083, %sign3A_1086 : i32
      %ne3A_1088 = arith.cmpi ne, %sign3A_1080, %sign3A_1087 : i32
      %rem3A_1089 = arith.remsi %add3A_1071, %jit3A_1072 : i32
      %ne3A_1090 = arith.constant 0 : i32
      %ne3A_1091 = arith.cmpi ne, %rem3A_1089, %ne3A_1090 : i32
      %and3A_1092 = arith.andi %ne3A_1088, %ne3A_1091 : i1
      %sub3A_1093 = arith.constant 1 : i32
      %sub3A_1094 = arith.subi %div3A_1073, %sub3A_1093 : i32
      %select_n3A_1095 = arith.select %and3A_1092, %sub3A_1094, %div3A_1073 : i32
      %jit3A_1096 = arith.constant 8 : i32
      %eq3A_1097 = arith.constant 0 : i32
      %eq3A_1098 = arith.cmpi eq, %jit3A_1096, %eq3A_1097 : i32
      %jit3A_1099 = arith.constant 1 : i32
      %select_n3A_1100 = arith.select %eq3A_1098, %jit3A_1099, %jit3A_1096 : i32
      %rem3A_1101 = arith.remsi %add3A_1071, %select_n3A_1100 : i32
      %ne3A_1102 = arith.constant 0 : i32
      %ne3A_1103 = arith.cmpi ne, %rem3A_1101, %ne3A_1102 : i32
      %lt3A_1104 = arith.constant 0 : i32
      %lt3A_1105 = arith.cmpi slt, %rem3A_1101, %lt3A_1104 : i32
      %lt3A_1106 = arith.constant 0 : i32
      %lt3A_1107 = arith.cmpi slt, %select_n3A_1100, %lt3A_1106 : i32
      %ne3A_1108 = arith.xori %lt3A_1105, %lt3A_1107 : i1
      %and3A_1109 = arith.andi %ne3A_1108, %ne3A_1103 : i1
      %add3A_1110 = arith.addi %rem3A_1101, %select_n3A_1100 : i32
      %select_n3A_1111 = arith.select %and3A_1109, %add3A_1110, %rem3A_1101 : i32
      %mul3A_1112 = arith.constant 512 : i32
      %mul3A_1113 = arith.muli %select_n3A_1111, %mul3A_1112 : i32
      %mul3A_1114 = arith.constant 4096 : i32
      %mul3A_1115 = arith.muli %select_n3A_1095, %mul3A_1114 : i32
      %add3A_1116 = arith.addi %mul3A_1115, %mul3A_1113 : i32
      %multiple_of3A_1117 = tpu.assume_multiple %add3A_1116, 512 : i32
      %dma_start3A_1118 = tpu.memref_slice %arg2[%multiple_of3A_1117] : memref<819200xi32, #tpu.memory_space<hbm>> -> memref<512xi32, #tpu.memory_space<hbm>>
      %dma_start3A_1119 = tpu.memref_slice %arg2[%multiple_of3A_1117] : memref<819200xi32, #tpu.memory_space<hbm>> -> memref<512xi32, #tpu.memory_space<hbm>>
      tpu.enqueue_dma source(%dma_start3A_1119 : memref<512xi32, #tpu.memory_space<hbm>>) target(%arg7 : memref<512xi32, #tpu.memory_space<vmem>>) target_semaphore(%arg14 : memref<!tpu.dma_semaphore, #tpu.memory_space<semaphore_mem>>)
      %dma_wait3A_1120 = arith.constant 0 : i32
      %dma_wait3A_1121 = arith.constant 0 : i32
      %dma_wait3A_1122 = tpu.memref_slice %arg3[%dma_wait3A_1120, %dma_wait3A_1121] : memref<1000000x32xf32, #tpu.memory_space<hbm>> -> memref<512x32xf32, #tpu.memory_space<hbm>>
      %dma_wait3A_1123 = arith.constant 0 : i32
      %dma_wait3A_1124 = arith.constant 0 : i32
      %dma_wait3A_1125 = tpu.memref_slice %arg3[%dma_wait3A_1123, %dma_wait3A_1124] : memref<1000000x32xf32, #tpu.memory_space<hbm>> -> memref<512x32xf32, #tpu.memory_space<hbm>>
      tpu.wait_dma2 semaphore(%arg18 : memref<!tpu.dma_semaphore, #tpu.memory_space<semaphore_mem>>) src(%dma_wait3A_1125 : memref<512x32xf32, #tpu.memory_space<hbm>>) dst(%arg9 : memref<512x32xf32, #tpu.memory_space<vmem>>)
      %mul3A_1126 = arith.constant 32 : i32
      %mul3A_1127 = arith.muli %add3A_1024, %mul3A_1126 : i32
      %add3A_1128 = arith.addi %mul3A_1127, %add3A : i32
      %jit3A_1129 = arith.constant 8 : i32
      %div3A_1130 = arith.divsi %add3A_1128, %jit3A_1129 : i32
      %sign3A_1131 = arith.constant 0 : i32
      %sign3A_1132 = arith.cmpi sgt, %add3A_1128, %sign3A_1131 : i32
      %sign3A_1133 = arith.extui %sign3A_1132 : i1 to i32
      %sign3A_1134 = arith.constant 0 : i32
      %sign3A_1135 = arith.cmpi slt, %add3A_1128, %sign3A_1134 : i32
      %sign3A_1136 = arith.extui %sign3A_1135 : i1 to i32
      %sign3A_1137 = arith.subi %sign3A_1133, %sign3A_1136 : i32
      %sign3A_1138 = arith.constant 0 : i32
      %sign3A_1139 = arith.cmpi sgt, %jit3A_1129, %sign3A_1138 : i32
      %sign3A_1140 = arith.extui %sign3A_1139 : i1 to i32
      %sign3A_1141 = arith.constant 0 : i32
      %sign3A_1142 = arith.cmpi slt, %jit3A_1129, %sign3A_1141 : i32
      %sign3A_1143 = arith.extui %sign3A_1142 : i1 to i32
      %sign3A_1144 = arith.subi %sign3A_1140, %sign3A_1143 : i32
      %ne3A_1145 = arith.cmpi ne, %sign3A_1137, %sign3A_1144 : i32
      %rem3A_1146 = arith.remsi %add3A_1128, %jit3A_1129 : i32
      %ne3A_1147 = arith.constant 0 : i32
      %ne3A_1148 = arith.cmpi ne, %rem3A_1146, %ne3A_1147 : i32
      %and3A_1149 = arith.andi %ne3A_1145, %ne3A_1148 : i1
      %sub3A_1150 = arith.constant 1 : i32
      %sub3A_1151 = arith.subi %div3A_1130, %sub3A_1150 : i32
      %select_n3A_1152 = arith.select %and3A_1149, %sub3A_1151, %div3A_1130 : i32
      %jit3A_1153 = arith.constant 8 : i32
      %eq3A_1154 = arith.constant 0 : i32
      %eq3A_1155 = arith.cmpi eq, %jit3A_1153, %eq3A_1154 : i32
      %jit3A_1156 = arith.constant 1 : i32
      %select_n3A_1157 = arith.select %eq3A_1155, %jit3A_1156, %jit3A_1153 : i32
      %rem3A_1158 = arith.remsi %add3A_1128, %select_n3A_1157 : i32
      %ne3A_1159 = arith.constant 0 : i32
      %ne3A_1160 = arith.cmpi ne, %rem3A_1158, %ne3A_1159 : i32
      %lt3A_1161 = arith.constant 0 : i32
      %lt3A_1162 = arith.cmpi slt, %rem3A_1158, %lt3A_1161 : i32
      %lt3A_1163 = arith.constant 0 : i32
      %lt3A_1164 = arith.cmpi slt, %select_n3A_1157, %lt3A_1163 : i32
      %ne3A_1165 = arith.xori %lt3A_1162, %lt3A_1164 : i1
      %and3A_1166 = arith.andi %ne3A_1165, %ne3A_1160 : i1
      %add3A_1167 = arith.addi %rem3A_1158, %select_n3A_1157 : i32
      %select_n3A_1168 = arith.select %and3A_1166, %add3A_1167, %rem3A_1158 : i32
      %mul3A_1169 = arith.constant 512 : i32
      %mul3A_1170 = arith.muli %select_n3A_1168, %mul3A_1169 : i32
      %get3A_1171 = arith.index_cast %select_n3A_1152 : i32 to index
      %get3A_1172 = arith.constant 0 : index
      %get3A_1173 = tpu.vector_load %arg12[%get3A_1171, %get3A_1172] {strides = array<i32>} : memref<200x32xf32, #tpu.memory_space<vmem>>, vector<16xf32>,
      %get3A_1174 = arith.index_cast %select_n3A_1152 : i32 to index
      %get3A_1175 = arith.constant 16 : index
      %get3A_1176 = tpu.vector_load %arg12[%get3A_1174, %get3A_1175] {strides = array<i32>} : memref<200x32xf32, #tpu.memory_space<vmem>>, vector<16xf32>,
      %scan3A_1177 = arith.constant 0 : i32
      %scan3A_1178 = arith.constant 64 : i32
      %scan3A_1179 = arith.addi %scan3A_1177, %scan3A_1178 : i32
      %scan3A_1180 = arith.constant 1 : i32
      %scan3A_1181 = scf.for %scan3A_1234 = %scan3A_1177 to %scan3A_1179 step %scan3A_1180 iter_args(%scan3A_1235 = %mul3A_3) -> (vector<16xi32>)  : i32 {
        %mul3A_1236 = arith.constant 8 : i32
        %mul3A_1237 = arith.muli %scan3A_1234, %mul3A_1236 : i32
        %add3A_1238 = arith.constant 0 : i32
        %add3A_1239 = arith.addi %mul3A_1237, %add3A_1238 : i32
        %get3A_1240 = arith.index_cast %add3A_1239 : i32 to index
        %get3A_1241 = arith.constant 0 : index
        %get3A_1242 = tpu.vector_load %arg9[%get3A_1240, %get3A_1241] {strides = array<i32>} : memref<512x32xf32, #tpu.memory_space<vmem>>, vector<16xf32>,
        %add3A_1243 = arith.addf %get3A_1242, %get3A_1173 : vector<16xf32>
        %get3A_1244 = arith.index_cast %add3A_1239 : i32 to index
        %get3A_1245 = arith.constant 16 : index
        %get3A_1246 = tpu.vector_load %arg9[%get3A_1244, %get3A_1245] {strides = array<i32>} : memref<512x32xf32, #tpu.memory_space<vmem>>, vector<16xf32>,
        %add3A_1247 = arith.addf %get3A_1246, %get3A_1176 : vector<16xf32>
        tpu.vector_store_idx %arg11[%scan3A_1235], %add3A_1243 : memref<16640xf32, #tpu.memory_space<vmem>>[vector<16xi32>], vector<16xf32>,
        %add3A_1248 = arith.constant 8320 : i32
        %add3A_1249 = vector.broadcast %add3A_1248 : i32 to vector<16xi32>
        %add3A_1250 = arith.addi %scan3A_1235, %add3A_1249 : vector<16xi32>
        tpu.vector_store_idx %arg11[%add3A_1250], %add3A_1247 : memref<16640xf32, #tpu.memory_space<vmem>>[vector<16xi32>], vector<16xf32>,
        %add3A_1251 = arith.constant 1 : i32
        %add3A_1252 = vector.broadcast %add3A_1251 : i32 to vector<16xi32>
        %add3A_1253 = arith.addi %scan3A_1235, %add3A_1252 : vector<16xi32>
        %add3A_1254 = arith.constant 1 : i32
        %add3A_1255 = arith.addi %mul3A_1237, %add3A_1254 : i32
        %get3A_1256 = arith.index_cast %add3A_1255 : i32 to index
        %get3A_1257 = arith.constant 0 : index
        %get3A_1258 = tpu.vector_load %arg9[%get3A_1256, %get3A_1257] {strides = array<i32>} : memref<512x32xf32, #tpu.memory_space<vmem>>, vector<16xf32>,
        %add3A_1259 = arith.addf %get3A_1258, %get3A_1173 : vector<16xf32>
        %get3A_1260 = arith.index_cast %add3A_1255 : i32 to index
        %get3A_1261 = arith.constant 16 : index
        %get3A_1262 = tpu.vector_load %arg9[%get3A_1260, %get3A_1261] {strides = array<i32>} : memref<512x32xf32, #tpu.memory_space<vmem>>, vector<16xf32>,
        %add3A_1263 = arith.addf %get3A_1262, %get3A_1176 : vector<16xf32>
        tpu.vector_store_idx %arg11[%add3A_1253], %add3A_1259 : memref<16640xf32, #tpu.memory_space<vmem>>[vector<16xi32>], vector<16xf32>,
        %add3A_1264 = arith.constant 8320 : i32
        %add3A_1265 = vector.broadcast %add3A_1264 : i32 to vector<16xi32>
        %add3A_1266 = arith.addi %add3A_1253, %add3A_1265 : vector<16xi32>
        tpu.vector_store_idx %arg11[%add3A_1266], %add3A_1263 : memref<16640xf32, #tpu.memory_space<vmem>>[vector<16xi32>], vector<16xf32>,
        %add3A_1267 = arith.constant 1 : i32
        %add3A_1268 = vector.broadcast %add3A_1267 : i32 to vector<16xi32>
        %add3A_1269 = arith.addi %add3A_1253, %add3A_1268 : vector<16xi32>
        %add3A_1270 = arith.constant 2 : i32
        %add3A_1271 = arith.addi %mul3A_1237, %add3A_1270 : i32
        %get3A_1272 = arith.index_cast %add3A_1271 : i32 to index
        %get3A_1273 = arith.constant 0 : index
        %get3A_1274 = tpu.vector_load %arg9[%get3A_1272, %get3A_1273] {strides = array<i32>} : memref<512x32xf32, #tpu.memory_space<vmem>>, vector<16xf32>,
        %add3A_1275 = arith.addf %get3A_1274, %get3A_1173 : vector<16xf32>
        %get3A_1276 = arith.index_cast %add3A_1271 : i32 to index
        %get3A_1277 = arith.constant 16 : index
        %get3A_1278 = tpu.vector_load %arg9[%get3A_1276, %get3A_1277] {strides = array<i32>} : memref<512x32xf32, #tpu.memory_space<vmem>>, vector<16xf32>,
        %add3A_1279 = arith.addf %get3A_1278, %get3A_1176 : vector<16xf32>
        tpu.vector_store_idx %arg11[%add3A_1269], %add3A_1275 : memref<16640xf32, #tpu.memory_space<vmem>>[vector<16xi32>], vector<16xf32>,
        %add3A_1280 = arith.constant 8320 : i32
        %add3A_1281 = vector.broadcast %add3A_1280 : i32 to vector<16xi32>
        %add3A_1282 = arith.addi %add3A_1269, %add3A_1281 : vector<16xi32>
        tpu.vector_store_idx %arg11[%add3A_1282], %add3A_1279 : memref<16640xf32, #tpu.memory_space<vmem>>[vector<16xi32>], vector<16xf32>,
        %add3A_1283 = arith.constant 1 : i32
        %add3A_1284 = vector.broadcast %add3A_1283 : i32 to vector<16xi32>
        %add3A_1285 = arith.addi %add3A_1269, %add3A_1284 : vector<16xi32>
        %add3A_1286 = arith.constant 3 : i32
        %add3A_1287 = arith.addi %mul3A_1237, %add3A_1286 : i32
        %get3A_1288 = arith.index_cast %add3A_1287 : i32 to index
        %get3A_1289 = arith.constant 0 : index
        %get3A_1290 = tpu.vector_load %arg9[%get3A_1288, %get3A_1289] {strides = array<i32>} : memref<512x32xf32, #tpu.memory_space<vmem>>, vector<16xf32>,
        %add3A_1291 = arith.addf %get3A_1290, %get3A_1173 : vector<16xf32>
        %get3A_1292 = arith.index_cast %add3A_1287 : i32 to index
        %get3A_1293 = arith.constant 16 : index
        %get3A_1294 = tpu.vector_load %arg9[%get3A_1292, %get3A_1293] {strides = array<i32>} : memref<512x32xf32, #tpu.memory_space<vmem>>, vector<16xf32>,
        %add3A_1295 = arith.addf %get3A_1294, %get3A_1176 : vector<16xf32>
        tpu.vector_store_idx %arg11[%add3A_1285], %add3A_1291 : memref<16640xf32, #tpu.memory_space<vmem>>[vector<16xi32>], vector<16xf32>,
        %add3A_1296 = arith.constant 8320 : i32
        %add3A_1297 = vector.broadcast %add3A_1296 : i32 to vector<16xi32>
        %add3A_1298 = arith.addi %add3A_1285, %add3A_1297 : vector<16xi32>
        tpu.vector_store_idx %arg11[%add3A_1298], %add3A_1295 : memref<16640xf32, #tpu.memory_space<vmem>>[vector<16xi32>], vector<16xf32>,
        %add3A_1299 = arith.constant 1 : i32
        %add3A_1300 = vector.broadcast %add3A_1299 : i32 to vector<16xi32>
        %add3A_1301 = arith.addi %add3A_1285, %add3A_1300 : vector<16xi32>
        %add3A_1302 = arith.constant 4 : i32
        %add3A_1303 = arith.addi %mul3A_1237, %add3A_1302 : i32
        %get3A_1304 = arith.index_cast %add3A_1303 : i32 to index
        %get3A_1305 = arith.constant 0 : index
        %get3A_1306 = tpu.vector_load %arg9[%get3A_1304, %get3A_1305] {strides = array<i32>} : memref<512x32xf32, #tpu.memory_space<vmem>>, vector<16xf32>,
        %add3A_1307 = arith.addf %get3A_1306, %get3A_1173 : vector<16xf32>
        %get3A_1308 = arith.index_cast %add3A_1303 : i32 to index
        %get3A_1309 = arith.constant 16 : index
        %get3A_1310 = tpu.vector_load %arg9[%get3A_1308, %get3A_1309] {strides = array<i32>} : memref<512x32xf32, #tpu.memory_space<vmem>>, vector<16xf32>,
        %add3A_1311 = arith.addf %get3A_1310, %get3A_1176 : vector<16xf32>
        tpu.vector_store_idx %arg11[%add3A_1301], %add3A_1307 : memref<16640xf32, #tpu.memory_space<vmem>>[vector<16xi32>], vector<16xf32>,
        %add3A_1312 = arith.constant 8320 : i32
        %add3A_1313 = vector.broadcast %add3A_1312 : i32 to vector<16xi32>
        %add3A_1314 = arith.addi %add3A_1301, %add3A_1313 : vector<16xi32>
        tpu.vector_store_idx %arg11[%add3A_1314], %add3A_1311 : memref<16640xf32, #tpu.memory_space<vmem>>[vector<16xi32>], vector<16xf32>,
        %add3A_1315 = arith.constant 1 : i32
        %add3A_1316 = vector.broadcast %add3A_1315 : i32 to vector<16xi32>
        %add3A_1317 = arith.addi %add3A_1301, %add3A_1316 : vector<16xi32>
        %add3A_1318 = arith.constant 5 : i32
        %add3A_1319 = arith.addi %mul3A_1237, %add3A_1318 : i32
        %get3A_1320 = arith.index_cast %add3A_1319 : i32 to index
        %get3A_1321 = arith.constant 0 : index
        %get3A_1322 = tpu.vector_load %arg9[%get3A_1320, %get3A_1321] {strides = array<i32>} : memref<512x32xf32, #tpu.memory_space<vmem>>, vector<16xf32>,
        %add3A_1323 = arith.addf %get3A_1322, %get3A_1173 : vector<16xf32>
        %get3A_1324 = arith.index_cast %add3A_1319 : i32 to index
        %get3A_1325 = arith.constant 16 : index
        %get3A_1326 = tpu.vector_load %arg9[%get3A_1324, %get3A_1325] {strides = array<i32>} : memref<512x32xf32, #tpu.memory_space<vmem>>, vector<16xf32>,
        %add3A_1327 = arith.addf %get3A_1326, %get3A_1176 : vector<16xf32>
        tpu.vector_store_idx %arg11[%add3A_1317], %add3A_1323 : memref<16640xf32, #tpu.memory_space<vmem>>[vector<16xi32>], vector<16xf32>,
        %add3A_1328 = arith.constant 8320 : i32
        %add3A_1329 = vector.broadcast %add3A_1328 : i32 to vector<16xi32>
        %add3A_1330 = arith.addi %add3A_1317, %add3A_1329 : vector<16xi32>
        tpu.vector_store_idx %arg11[%add3A_1330], %add3A_1327 : memref<16640xf32, #tpu.memory_space<vmem>>[vector<16xi32>], vector<16xf32>,
        %add3A_1331 = arith.constant 1 : i32
        %add3A_1332 = vector.broadcast %add3A_1331 : i32 to vector<16xi32>
        %add3A_1333 = arith.addi %add3A_1317, %add3A_1332 : vector<16xi32>
        %add3A_1334 = arith.constant 6 : i32
        %add3A_1335 = arith.addi %mul3A_1237, %add3A_1334 : i32
        %get3A_1336 = arith.index_cast %add3A_1335 : i32 to index
        %get3A_1337 = arith.constant 0 : index
        %get3A_1338 = tpu.vector_load %arg9[%get3A_1336, %get3A_1337] {strides = array<i32>} : memref<512x32xf32, #tpu.memory_space<vmem>>, vector<16xf32>,
        %add3A_1339 = arith.addf %get3A_1338, %get3A_1173 : vector<16xf32>
        %get3A_1340 = arith.index_cast %add3A_1335 : i32 to index
        %get3A_1341 = arith.constant 16 : index
        %get3A_1342 = tpu.vector_load %arg9[%get3A_1340, %get3A_1341] {strides = array<i32>} : memref<512x32xf32, #tpu.memory_space<vmem>>, vector<16xf32>,
        %add3A_1343 = arith.addf %get3A_1342, %get3A_1176 : vector<16xf32>
        tpu.vector_store_idx %arg11[%add3A_1333], %add3A_1339 : memref<16640xf32, #tpu.memory_space<vmem>>[vector<16xi32>], vector<16xf32>,
        %add3A_1344 = arith.constant 8320 : i32
        %add3A_1345 = vector.broadcast %add3A_1344 : i32 to vector<16xi32>
        %add3A_1346 = arith.addi %add3A_1333, %add3A_1345 : vector<16xi32>
        tpu.vector_store_idx %arg11[%add3A_1346], %add3A_1343 : memref<16640xf32, #tpu.memory_space<vmem>>[vector<16xi32>], vector<16xf32>,
        %add3A_1347 = arith.constant 1 : i32
        %add3A_1348 = vector.broadcast %add3A_1347 : i32 to vector<16xi32>
        %add3A_1349 = arith.addi %add3A_1333, %add3A_1348 : vector<16xi32>
        %add3A_1350 = arith.constant 7 : i32
        %add3A_1351 = arith.addi %mul3A_1237, %add3A_1350 : i32
        %get3A_1352 = arith.index_cast %add3A_1351 : i32 to index
        %get3A_1353 = arith.constant 0 : index
        %get3A_1354 = tpu.vector_load %arg9[%get3A_1352, %get3A_1353] {strides = array<i32>} : memref<512x32xf32, #tpu.memory_space<vmem>>, vector<16xf32>,
        %add3A_1355 = arith.addf %get3A_1354, %get3A_1173 : vector<16xf32>
        %get3A_1356 = arith.index_cast %add3A_1351 : i32 to index
        %get3A_1357 = arith.constant 16 : index
        %get3A_1358 = tpu.vector_load %arg9[%get3A_1356, %get3A_1357] {strides = array<i32>} : memref<512x32xf32, #tpu.memory_space<vmem>>, vector<16xf32>,
        %add3A_1359 = arith.addf %get3A_1358, %get3A_1176 : vector<16xf32>
        tpu.vector_store_idx %arg11[%add3A_1349], %add3A_1355 : memref<16640xf32, #tpu.memory_space<vmem>>[vector<16xi32>], vector<16xf32>,
        %add3A_1360 = arith.constant 8320 : i32
        %add3A_1361 = vector.broadcast %add3A_1360 : i32 to vector<16xi32>
        %add3A_1362 = arith.addi %add3A_1349, %add3A_1361 : vector<16xi32>
        tpu.vector_store_idx %arg11[%add3A_1362], %add3A_1359 : memref<16640xf32, #tpu.memory_space<vmem>>[vector<16xi32>], vector<16xf32>,
        %add3A_1363 = arith.constant 1 : i32
        %add3A_1364 = vector.broadcast %add3A_1363 : i32 to vector<16xi32>
        %add3A_1365 = arith.addi %add3A_1349, %add3A_1364 : vector<16xi32>
        scf.yield %add3A_1365 : vector<16xi32>
      }
      %scan3A_1182 = arith.constant 64 : i32
      %mul3A_1183 = arith.constant 32 : i32
      %mul3A_1184 = arith.muli %add3A_1024, %mul3A_1183 : i32
      %add3A_1185 = arith.addi %mul3A_1184, %add3A : i32
      %jit3A_1186 = arith.constant 8 : i32
      %div3A_1187 = arith.divsi %add3A_1185, %jit3A_1186 : i32
      %sign3A_1188 = arith.constant 0 : i32
      %sign3A_1189 = arith.cmpi sgt, %add3A_1185, %sign3A_1188 : i32
      %sign3A_1190 = arith.extui %sign3A_1189 : i1 to i32
      %sign3A_1191 = arith.constant 0 : i32
      %sign3A_1192 = arith.cmpi slt, %add3A_1185, %sign3A_1191 : i32
      %sign3A_1193 = arith.extui %sign3A_1192 : i1 to i32
      %sign3A_1194 = arith.subi %sign3A_1190, %sign3A_1193 : i32
      %sign3A_1195 = arith.constant 0 : i32
      %sign3A_1196 = arith.cmpi sgt, %jit3A_1186, %sign3A_1195 : i32
      %sign3A_1197 = arith.extui %sign3A_1196 : i1 to i32
      %sign3A_1198 = arith.constant 0 : i32
      %sign3A_1199 = arith.cmpi slt, %jit3A_1186, %sign3A_1198 : i32
      %sign3A_1200 = arith.extui %sign3A_1199 : i1 to i32
      %sign3A_1201 = arith.subi %sign3A_1197, %sign3A_1200 : i32
      %ne3A_1202 = arith.cmpi ne, %sign3A_1194, %sign3A_1201 : i32
      %rem3A_1203 = arith.remsi %add3A_1185, %jit3A_1186 : i32
      %ne3A_1204 = arith.constant 0 : i32
      %ne3A_1205 = arith.cmpi ne, %rem3A_1203, %ne3A_1204 : i32
      %and3A_1206 = arith.andi %ne3A_1202, %ne3A_1205 : i1
      %sub3A_1207 = arith.constant 1 : i32
      %sub3A_1208 = arith.subi %div3A_1187, %sub3A_1207 : i32
      %select_n3A_1209 = arith.select %and3A_1206, %sub3A_1208, %div3A_1187 : i32
      %jit3A_1210 = arith.constant 8 : i32
      %eq3A_1211 = arith.constant 0 : i32
      %eq3A_1212 = arith.cmpi eq, %jit3A_1210, %eq3A_1211 : i32
      %jit3A_1213 = arith.constant 1 : i32
      %select_n3A_1214 = arith.select %eq3A_1212, %jit3A_1213, %jit3A_1210 : i32
      %rem3A_1215 = arith.remsi %add3A_1185, %select_n3A_1214 : i32
      %ne3A_1216 = arith.constant 0 : i32
      %ne3A_1217 = arith.cmpi ne, %rem3A_1215, %ne3A_1216 : i32
      %lt3A_1218 = arith.constant 0 : i32
      %lt3A_1219 = arith.cmpi slt, %rem3A_1215, %lt3A_1218 : i32
      %lt3A_1220 = arith.constant 0 : i32
      %lt3A_1221 = arith.cmpi slt, %select_n3A_1214, %lt3A_1220 : i32
      %ne3A_1222 = arith.xori %lt3A_1219, %lt3A_1221 : i1
      %and3A_1223 = arith.andi %ne3A_1222, %ne3A_1217 : i1
      %add3A_1224 = arith.addi %rem3A_1215, %select_n3A_1214 : i32
      %select_n3A_1225 = arith.select %and3A_1223, %add3A_1224, %rem3A_1215 : i32
      %mul3A_1226 = arith.constant 512 : i32
      %mul3A_1227 = arith.muli %select_n3A_1225, %mul3A_1226 : i32
      %scan3A_1228 = arith.constant 0 : i32
      %scan3A_1229 = arith.constant 0 : i32
      %scan3A_1230 = arith.constant 32 : i32
      %scan3A_1231 = arith.addi %scan3A_1229, %scan3A_1230 : i32
      %scan3A_1232 = arith.constant 1 : i32
      scf.for %scan3A_1234 = %scan3A_1229 to %scan3A_1231 step %scan3A_1232  : i32 {
        %mul3A_1235 = arith.constant 520 : i32
        %mul3A_1236 = arith.muli %scan3A_1234, %mul3A_1235 : i32
        %dma_start3A_1237 = tpu.memref_slice %arg11[%mul3A_1236] : memref<16640xf32, #tpu.memory_space<vmem>> -> memref<512xf32, #tpu.memory_space<vmem>>
        %dma_start3A_1238 = tpu.memref_slice %arg5[%select_n3A_1209, %scan3A_1234, %mul3A_1227] : memref<200x32x4096xf32, #tpu.memory_space<hbm>> -> memref<1x1x512xf32, #tpu.memory_space<hbm>>
        %dma_start3A_1239 = tpu.memref_squeeze %dma_start3A_1238 : memref<1x1x512xf32, #tpu.memory_space<hbm>> -> memref<512xf32, #tpu.memory_space<hbm>>
        %dma_start3A_1240 = tpu.memref_slice %arg5[%select_n3A_1209, %scan3A_1234, %mul3A_1227] : memref<200x32x4096xf32, #tpu.memory_space<hbm>> -> memref<1x1x512xf32, #tpu.memory_space<hbm>>
        %dma_start3A_1241 = tpu.memref_squeeze %dma_start3A_1240 : memref<1x1x512xf32, #tpu.memory_space<hbm>> -> memref<512xf32, #tpu.memory_space<hbm>>
        %dma_start3A_1242 = tpu.memref_slice %arg11[%mul3A_1236] : memref<16640xf32, #tpu.memory_space<vmem>> -> memref<512xf32, #tpu.memory_space<vmem>>
        tpu.enqueue_dma source(%dma_start3A_1242 : memref<512xf32, #tpu.memory_space<vmem>>) target(%dma_start3A_1241 : memref<512xf32, #tpu.memory_space<hbm>>) target_semaphore(%arg18 : memref<!tpu.dma_semaphore, #tpu.memory_space<semaphore_mem>>)
      }
      %scan3A_1233 = arith.constant 32 : i32
    }
    %scan3A_526 = arith.constant 23 : i32
    %dma_wait3A_527 = arith.constant 0 : i32
    %dma_wait3A_528 = tpu.memref_slice %arg2[%dma_wait3A_527] : memref<819200xi32, #tpu.memory_space<hbm>> -> memref<512xi32, #tpu.memory_space<hbm>>
    %dma_wait3A_529 = arith.constant 0 : i32
    %dma_wait3A_530 = tpu.memref_slice %arg2[%dma_wait3A_529] : memref<819200xi32, #tpu.memory_space<hbm>> -> memref<512xi32, #tpu.memory_space<hbm>>
    tpu.wait_dma2 semaphore(%arg14 : memref<!tpu.dma_semaphore, #tpu.memory_space<semaphore_mem>>) src(%dma_wait3A_530 : memref<512xi32, #tpu.memory_space<hbm>>) dst(%arg7 : memref<512xi32, #tpu.memory_space<vmem>>)
    %dma_start3A_531 = arith.constant 0 : i32
    %dma_start3A_532 = arith.constant 0 : i32
    %dma_start3A_533 = tpu.memref_slice %arg9[%dma_start3A_531, %dma_start3A_532] : memref<512x32xf32, #tpu.memory_space<vmem>> -> memref<128x32xf32, #tpu.memory_space<vmem>>
    %dma_start3A_534 = arith.constant 0 : i32
    %dma_start3A_535 = tpu.memref_slice %arg7[%dma_start3A_534] : memref<512xi32, #tpu.memory_space<vmem>> -> memref<128xi32, #tpu.memory_space<vmem>>
    %dma_start3A_536 = arith.constant 0 : i32
    %dma_start3A_537 = arith.constant 0 : i32
    %dma_start3A_538 = tpu.memref_slice %arg3[%dma_start3A_536, %dma_start3A_537] : memref<1000000x32xf32, #tpu.memory_space<hbm>> -> memref<1000000x32xf32, #tpu.memory_space<hbm>>
    tpu.enqueue_indirect_dma source(%dma_start3A_538 : memref<1000000x32xf32, #tpu.memory_space<hbm>>) target(%dma_start3A_533 : memref<128x32xf32, #tpu.memory_space<vmem>>) offsets(%dma_start3A_535 : memref<128xi32, #tpu.memory_space<vmem>>) semaphore(%arg16 : memref<!tpu.dma_semaphore, #tpu.memory_space<semaphore_mem>>)
    %dma_start3A_539 = arith.constant 128 : i32
    %dma_start3A_540 = arith.constant 0 : i32
    %dma_start3A_541 = tpu.memref_slice %arg9[%dma_start3A_539, %dma_start3A_540] : memref<512x32xf32, #tpu.memory_space<vmem>> -> memref<128x32xf32, #tpu.memory_space<vmem>>
    %dma_start3A_542 = arith.constant 128 : i32
    %dma_start3A_543 = tpu.memref_slice %arg7[%dma_start3A_542] : memref<512xi32, #tpu.memory_space<vmem>> -> memref<128xi32, #tpu.memory_space<vmem>>
    %dma_start3A_544 = arith.constant 0 : i32
    %dma_start3A_545 = arith.constant 0 : i32
    %dma_start3A_546 = tpu.memref_slice %arg3[%dma_start3A_544, %dma_start3A_545] : memref<1000000x32xf32, #tpu.memory_space<hbm>> -> memref<1000000x32xf32, #tpu.memory_space<hbm>>
    tpu.enqueue_indirect_dma source(%dma_start3A_546 : memref<1000000x32xf32, #tpu.memory_space<hbm>>) target(%dma_start3A_541 : memref<128x32xf32, #tpu.memory_space<vmem>>) offsets(%dma_start3A_543 : memref<128xi32, #tpu.memory_space<vmem>>) semaphore(%arg16 : memref<!tpu.dma_semaphore, #tpu.memory_space<semaphore_mem>>)
    %dma_start3A_547 = arith.constant 256 : i32
    %dma_start3A_548 = arith.constant 0 : i32
    %dma_start3A_549 = tpu.memref_slice %arg9[%dma_start3A_547, %dma_start3A_548] : memref<512x32xf32, #tpu.memory_space<vmem>> -> memref<128x32xf32, #tpu.memory_space<vmem>>
    %dma_start3A_550 = arith.constant 256 : i32
    %dma_start3A_551 = tpu.memref_slice %arg7[%dma_start3A_550] : memref<512xi32, #tpu.memory_space<vmem>> -> memref<128xi32, #tpu.memory_space<vmem>>
    %dma_start3A_552 = arith.constant 0 : i32
    %dma_start3A_553 = arith.constant 0 : i32
    %dma_start3A_554 = tpu.memref_slice %arg3[%dma_start3A_552, %dma_start3A_553] : memref<1000000x32xf32, #tpu.memory_space<hbm>> -> memref<1000000x32xf32, #tpu.memory_space<hbm>>
    tpu.enqueue_indirect_dma source(%dma_start3A_554 : memref<1000000x32xf32, #tpu.memory_space<hbm>>) target(%dma_start3A_549 : memref<128x32xf32, #tpu.memory_space<vmem>>) offsets(%dma_start3A_551 : memref<128xi32, #tpu.memory_space<vmem>>) semaphore(%arg16 : memref<!tpu.dma_semaphore, #tpu.memory_space<semaphore_mem>>)
    %dma_start3A_555 = arith.constant 384 : i32
    %dma_start3A_556 = arith.constant 0 : i32
    %dma_start3A_557 = tpu.memref_slice %arg9[%dma_start3A_555, %dma_start3A_556] : memref<512x32xf32, #tpu.memory_space<vmem>> -> memref<128x32xf32, #tpu.memory_space<vmem>>
    %dma_start3A_558 = arith.constant 384 : i32
    %dma_start3A_559 = tpu.memref_slice %arg7[%dma_start3A_558] : memref<512xi32, #tpu.memory_space<vmem>> -> memref<128xi32, #tpu.memory_space<vmem>>
    %dma_start3A_560 = arith.constant 0 : i32
    %dma_start3A_561 = arith.constant 0 : i32
    %dma_start3A_562 = tpu.memref_slice %arg3[%dma_start3A_560, %dma_start3A_561] : memref<1000000x32xf32, #tpu.memory_space<hbm>> -> memref<1000000x32xf32, #tpu.memory_space<hbm>>
    tpu.enqueue_indirect_dma source(%dma_start3A_562 : memref<1000000x32xf32, #tpu.memory_space<hbm>>) target(%dma_start3A_557 : memref<128x32xf32, #tpu.memory_space<vmem>>) offsets(%dma_start3A_559 : memref<128xi32, #tpu.memory_space<vmem>>) semaphore(%arg16 : memref<!tpu.dma_semaphore, #tpu.memory_space<semaphore_mem>>)
    %dma_wait3A_563 = arith.constant 0 : i32
    %dma_wait3A_564 = arith.constant 0 : i32
    %dma_wait3A_565 = tpu.memref_slice %arg3[%dma_wait3A_563, %dma_wait3A_564] : memref<1000000x32xf32, #tpu.memory_space<hbm>> -> memref<512x32xf32, #tpu.memory_space<hbm>>
    %dma_wait3A_566 = arith.constant 0 : i32
    %dma_wait3A_567 = arith.constant 0 : i32
    %dma_wait3A_568 = tpu.memref_slice %arg3[%dma_wait3A_566, %dma_wait3A_567] : memref<1000000x32xf32, #tpu.memory_space<hbm>> -> memref<512x32xf32, #tpu.memory_space<hbm>>
    tpu.wait_dma2 semaphore(%arg15 : memref<!tpu.dma_semaphore, #tpu.memory_space<semaphore_mem>>) src(%dma_wait3A_568 : memref<512x32xf32, #tpu.memory_space<hbm>>) dst(%arg8 : memref<512x32xf32, #tpu.memory_space<vmem>>)
    %dma_wait3A_569 = arith.constant 0 : i32
    %dma_wait3A_570 = arith.constant 0 : i32
    %dma_wait3A_571 = tpu.memref_slice %arg3[%dma_wait3A_569, %dma_wait3A_570] : memref<1000000x32xf32, #tpu.memory_space<hbm>> -> memref<512x32xf32, #tpu.memory_space<hbm>>
    %dma_wait3A_572 = arith.constant 0 : i32
    %dma_wait3A_573 = arith.constant 0 : i32
    %dma_wait3A_574 = tpu.memref_slice %arg3[%dma_wait3A_572, %dma_wait3A_573] : memref<1000000x32xf32, #tpu.memory_space<hbm>> -> memref<512x32xf32, #tpu.memory_space<hbm>>
    tpu.wait_dma2 semaphore(%arg17 : memref<!tpu.dma_semaphore, #tpu.memory_space<semaphore_mem>>) src(%dma_wait3A_574 : memref<512x32xf32, #tpu.memory_space<hbm>>) dst(%arg8 : memref<512x32xf32, #tpu.memory_space<vmem>>)
    %add3A_575 = arith.constant 1536 : i32
    %add3A_576 = arith.addi %add3A_575, %add3A : i32
    %jit3A_577 = arith.constant 8 : i32
    %div3A_578 = arith.divsi %add3A_576, %jit3A_577 : i32
    %sign3A_579 = arith.constant 0 : i32
    %sign3A_580 = arith.cmpi sgt, %add3A_576, %sign3A_579 : i32
    %sign3A_581 = arith.extui %sign3A_580 : i1 to i32
    %sign3A_582 = arith.constant 0 : i32
    %sign3A_583 = arith.cmpi slt, %add3A_576, %sign3A_582 : i32
    %sign3A_584 = arith.extui %sign3A_583 : i1 to i32
    %sign3A_585 = arith.subi %sign3A_581, %sign3A_584 : i32
    %sign3A_586 = arith.constant 0 : i32
    %sign3A_587 = arith.cmpi sgt, %jit3A_577, %sign3A_586 : i32
    %sign3A_588 = arith.extui %sign3A_587 : i1 to i32
    %sign3A_589 = arith.constant 0 : i32
    %sign3A_590 = arith.cmpi slt, %jit3A_577, %sign3A_589 : i32
    %sign3A_591 = arith.extui %sign3A_590 : i1 to i32
    %sign3A_592 = arith.subi %sign3A_588, %sign3A_591 : i32
    %ne3A_593 = arith.cmpi ne, %sign3A_585, %sign3A_592 : i32
    %rem3A_594 = arith.remsi %add3A_576, %jit3A_577 : i32
    %ne3A_595 = arith.constant 0 : i32
    %ne3A_596 = arith.cmpi ne, %rem3A_594, %ne3A_595 : i32
    %and3A_597 = arith.andi %ne3A_593, %ne3A_596 : i1
    %sub3A_598 = arith.constant 1 : i32
    %sub3A_599 = arith.subi %div3A_578, %sub3A_598 : i32
    %select_n3A_600 = arith.select %and3A_597, %sub3A_599, %div3A_578 : i32
    %jit3A_601 = arith.constant 8 : i32
    %eq3A_602 = arith.constant 0 : i32
    %eq3A_603 = arith.cmpi eq, %jit3A_601, %eq3A_602 : i32
    %jit3A_604 = arith.constant 1 : i32
    %select_n3A_605 = arith.select %eq3A_603, %jit3A_604, %jit3A_601 : i32
    %rem3A_606 = arith.remsi %add3A_576, %select_n3A_605 : i32
    %ne3A_607 = arith.constant 0 : i32
    %ne3A_608 = arith.cmpi ne, %rem3A_606, %ne3A_607 : i32
    %lt3A_609 = arith.constant 0 : i32
    %lt3A_610 = arith.cmpi slt, %rem3A_606, %lt3A_609 : i32
    %lt3A_611 = arith.constant 0 : i32
    %lt3A_612 = arith.cmpi slt, %select_n3A_605, %lt3A_611 : i32
    %ne3A_613 = arith.xori %lt3A_610, %lt3A_612 : i1
    %and3A_614 = arith.andi %ne3A_613, %ne3A_608 : i1
    %add3A_615 = arith.addi %rem3A_606, %select_n3A_605 : i32
    %select_n3A_616 = arith.select %and3A_614, %add3A_615, %rem3A_606 : i32
    %mul3A_617 = arith.constant 512 : i32
    %mul3A_618 = arith.muli %select_n3A_616, %mul3A_617 : i32
    %get3A_619 = arith.index_cast %select_n3A_600 : i32 to index
    %get3A_620 = arith.constant 0 : index
    %get3A_621 = tpu.vector_load %arg12[%get3A_619, %get3A_620] {strides = array<i32>} : memref<200x32xf32, #tpu.memory_space<vmem>>, vector<16xf32>,
    %get3A_622 = arith.index_cast %select_n3A_600 : i32 to index
    %get3A_623 = arith.constant 16 : index
    %get3A_624 = tpu.vector_load %arg12[%get3A_622, %get3A_623] {strides = array<i32>} : memref<200x32xf32, #tpu.memory_space<vmem>>, vector<16xf32>,
    %scan3A_625 = arith.constant 0 : i32
    %scan3A_626 = arith.constant 64 : i32
    %scan3A_627 = arith.addi %scan3A_625, %scan3A_626 : i32
    %scan3A_628 = arith.constant 1 : i32
    %scan3A_629 = scf.for %scan3A_811 = %scan3A_625 to %scan3A_627 step %scan3A_628 iter_args(%scan3A_812 = %mul3A_3) -> (vector<16xi32>)  : i32 {
      %mul3A_813 = arith.constant 8 : i32
      %mul3A_814 = arith.muli %scan3A_811, %mul3A_813 : i32
      %add3A_815 = arith.constant 0 : i32
      %add3A_816 = arith.addi %mul3A_814, %add3A_815 : i32
      %get3A_817 = arith.index_cast %add3A_816 : i32 to index
      %get3A_818 = arith.constant 0 : index
      %get3A_819 = tpu.vector_load %arg8[%get3A_817, %get3A_818] {strides = array<i32>} : memref<512x32xf32, #tpu.memory_space<vmem>>, vector<16xf32>,
      %add3A_820 = arith.addf %get3A_819, %get3A_621 : vector<16xf32>
      %get3A_821 = arith.index_cast %add3A_816 : i32 to index
      %get3A_822 = arith.constant 16 : index
      %get3A_823 = tpu.vector_load %arg8[%get3A_821, %get3A_822] {strides = array<i32>} : memref<512x32xf32, #tpu.memory_space<vmem>>, vector<16xf32>,
      %add3A_824 = arith.addf %get3A_823, %get3A_624 : vector<16xf32>
      tpu.vector_store_idx %arg10[%scan3A_812], %add3A_820 : memref<16640xf32, #tpu.memory_space<vmem>>[vector<16xi32>], vector<16xf32>,
      %add3A_825 = arith.constant 8320 : i32
      %add3A_826 = vector.broadcast %add3A_825 : i32 to vector<16xi32>
      %add3A_827 = arith.addi %scan3A_812, %add3A_826 : vector<16xi32>
      tpu.vector_store_idx %arg10[%add3A_827], %add3A_824 : memref<16640xf32, #tpu.memory_space<vmem>>[vector<16xi32>], vector<16xf32>,
      %add3A_828 = arith.constant 1 : i32
      %add3A_829 = vector.broadcast %add3A_828 : i32 to vector<16xi32>
      %add3A_830 = arith.addi %scan3A_812, %add3A_829 : vector<16xi32>
      %add3A_831 = arith.constant 1 : i32
      %add3A_832 = arith.addi %mul3A_814, %add3A_831 : i32
      %get3A_833 = arith.index_cast %add3A_832 : i32 to index
      %get3A_834 = arith.constant 0 : index
      %get3A_835 = tpu.vector_load %arg8[%get3A_833, %get3A_834] {strides = array<i32>} : memref<512x32xf32, #tpu.memory_space<vmem>>, vector<16xf32>,
      %add3A_836 = arith.addf %get3A_835, %get3A_621 : vector<16xf32>
      %get3A_837 = arith.index_cast %add3A_832 : i32 to index
      %get3A_838 = arith.constant 16 : index
      %get3A_839 = tpu.vector_load %arg8[%get3A_837, %get3A_838] {strides = array<i32>} : memref<512x32xf32, #tpu.memory_space<vmem>>, vector<16xf32>,
      %add3A_840 = arith.addf %get3A_839, %get3A_624 : vector<16xf32>
      tpu.vector_store_idx %arg10[%add3A_830], %add3A_836 : memref<16640xf32, #tpu.memory_space<vmem>>[vector<16xi32>], vector<16xf32>,
      %add3A_841 = arith.constant 8320 : i32
      %add3A_842 = vector.broadcast %add3A_841 : i32 to vector<16xi32>
      %add3A_843 = arith.addi %add3A_830, %add3A_842 : vector<16xi32>
      tpu.vector_store_idx %arg10[%add3A_843], %add3A_840 : memref<16640xf32, #tpu.memory_space<vmem>>[vector<16xi32>], vector<16xf32>,
      %add3A_844 = arith.constant 1 : i32
      %add3A_845 = vector.broadcast %add3A_844 : i32 to vector<16xi32>
      %add3A_846 = arith.addi %add3A_830, %add3A_845 : vector<16xi32>
      %add3A_847 = arith.constant 2 : i32
      %add3A_848 = arith.addi %mul3A_814, %add3A_847 : i32
      %get3A_849 = arith.index_cast %add3A_848 : i32 to index
      %get3A_850 = arith.constant 0 : index
      %get3A_851 = tpu.vector_load %arg8[%get3A_849, %get3A_850] {strides = array<i32>} : memref<512x32xf32, #tpu.memory_space<vmem>>, vector<16xf32>,
      %add3A_852 = arith.addf %get3A_851, %get3A_621 : vector<16xf32>
      %get3A_853 = arith.index_cast %add3A_848 : i32 to index
      %get3A_854 = arith.constant 16 : index
      %get3A_855 = tpu.vector_load %arg8[%get3A_853, %get3A_854] {strides = array<i32>} : memref<512x32xf32, #tpu.memory_space<vmem>>, vector<16xf32>,
      %add3A_856 = arith.addf %get3A_855, %get3A_624 : vector<16xf32>
      tpu.vector_store_idx %arg10[%add3A_846], %add3A_852 : memref<16640xf32, #tpu.memory_space<vmem>>[vector<16xi32>], vector<16xf32>,
      %add3A_857 = arith.constant 8320 : i32
      %add3A_858 = vector.broadcast %add3A_857 : i32 to vector<16xi32>
      %add3A_859 = arith.addi %add3A_846, %add3A_858 : vector<16xi32>
      tpu.vector_store_idx %arg10[%add3A_859], %add3A_856 : memref<16640xf32, #tpu.memory_space<vmem>>[vector<16xi32>], vector<16xf32>,
      %add3A_860 = arith.constant 1 : i32
      %add3A_861 = vector.broadcast %add3A_860 : i32 to vector<16xi32>
      %add3A_862 = arith.addi %add3A_846, %add3A_861 : vector<16xi32>
      %add3A_863 = arith.constant 3 : i32
      %add3A_864 = arith.addi %mul3A_814, %add3A_863 : i32
      %get3A_865 = arith.index_cast %add3A_864 : i32 to index
      %get3A_866 = arith.constant 0 : index
      %get3A_867 = tpu.vector_load %arg8[%get3A_865, %get3A_866] {strides = array<i32>} : memref<512x32xf32, #tpu.memory_space<vmem>>, vector<16xf32>,
      %add3A_868 = arith.addf %get3A_867, %get3A_621 : vector<16xf32>
      %get3A_869 = arith.index_cast %add3A_864 : i32 to index
      %get3A_870 = arith.constant 16 : index
      %get3A_871 = tpu.vector_load %arg8[%get3A_869, %get3A_870] {strides = array<i32>} : memref<512x32xf32, #tpu.memory_space<vmem>>, vector<16xf32>,
      %add3A_872 = arith.addf %get3A_871, %get3A_624 : vector<16xf32>
      tpu.vector_store_idx %arg10[%add3A_862], %add3A_868 : memref<16640xf32, #tpu.memory_space<vmem>>[vector<16xi32>], vector<16xf32>,
      %add3A_873 = arith.constant 8320 : i32
      %add3A_874 = vector.broadcast %add3A_873 : i32 to vector<16xi32>
      %add3A_875 = arith.addi %add3A_862, %add3A_874 : vector<16xi32>
      tpu.vector_store_idx %arg10[%add3A_875], %add3A_872 : memref<16640xf32, #tpu.memory_space<vmem>>[vector<16xi32>], vector<16xf32>,
      %add3A_876 = arith.constant 1 : i32
      %add3A_877 = vector.broadcast %add3A_876 : i32 to vector<16xi32>
      %add3A_878 = arith.addi %add3A_862, %add3A_877 : vector<16xi32>
      %add3A_879 = arith.constant 4 : i32
      %add3A_880 = arith.addi %mul3A_814, %add3A_879 : i32
      %get3A_881 = arith.index_cast %add3A_880 : i32 to index
      %get3A_882 = arith.constant 0 : index
      %get3A_883 = tpu.vector_load %arg8[%get3A_881, %get3A_882] {strides = array<i32>} : memref<512x32xf32, #tpu.memory_space<vmem>>, vector<16xf32>,
      %add3A_884 = arith.addf %get3A_883, %get3A_621 : vector<16xf32>
      %get3A_885 = arith.index_cast %add3A_880 : i32 to index
      %get3A_886 = arith.constant 16 : index
      %get3A_887 = tpu.vector_load %arg8[%get3A_885, %get3A_886] {strides = array<i32>} : memref<512x32xf32, #tpu.memory_space<vmem>>, vector<16xf32>,
      %add3A_888 = arith.addf %get3A_887, %get3A_624 : vector<16xf32>
      tpu.vector_store_idx %arg10[%add3A_878], %add3A_884 : memref<16640xf32, #tpu.memory_space<vmem>>[vector<16xi32>], vector<16xf32>,
      %add3A_889 = arith.constant 8320 : i32
      %add3A_890 = vector.broadcast %add3A_889 : i32 to vector<16xi32>
      %add3A_891 = arith.addi %add3A_878, %add3A_890 : vector<16xi32>
      tpu.vector_store_idx %arg10[%add3A_891], %add3A_888 : memref<16640xf32, #tpu.memory_space<vmem>>[vector<16xi32>], vector<16xf32>,
      %add3A_892 = arith.constant 1 : i32
      %add3A_893 = vector.broadcast %add3A_892 : i32 to vector<16xi32>
      %add3A_894 = arith.addi %add3A_878, %add3A_893 : vector<16xi32>
      %add3A_895 = arith.constant 5 : i32
      %add3A_896 = arith.addi %mul3A_814, %add3A_895 : i32
      %get3A_897 = arith.index_cast %add3A_896 : i32 to index
      %get3A_898 = arith.constant 0 : index
      %get3A_899 = tpu.vector_load %arg8[%get3A_897, %get3A_898] {strides = array<i32>} : memref<512x32xf32, #tpu.memory_space<vmem>>, vector<16xf32>,
      %add3A_900 = arith.addf %get3A_899, %get3A_621 : vector<16xf32>
      %get3A_901 = arith.index_cast %add3A_896 : i32 to index
      %get3A_902 = arith.constant 16 : index
      %get3A_903 = tpu.vector_load %arg8[%get3A_901, %get3A_902] {strides = array<i32>} : memref<512x32xf32, #tpu.memory_space<vmem>>, vector<16xf32>,
      %add3A_904 = arith.addf %get3A_903, %get3A_624 : vector<16xf32>
      tpu.vector_store_idx %arg10[%add3A_894], %add3A_900 : memref<16640xf32, #tpu.memory_space<vmem>>[vector<16xi32>], vector<16xf32>,
      %add3A_905 = arith.constant 8320 : i32
      %add3A_906 = vector.broadcast %add3A_905 : i32 to vector<16xi32>
      %add3A_907 = arith.addi %add3A_894, %add3A_906 : vector<16xi32>
      tpu.vector_store_idx %arg10[%add3A_907], %add3A_904 : memref<16640xf32, #tpu.memory_space<vmem>>[vector<16xi32>], vector<16xf32>,
      %add3A_908 = arith.constant 1 : i32
      %add3A_909 = vector.broadcast %add3A_908 : i32 to vector<16xi32>
      %add3A_910 = arith.addi %add3A_894, %add3A_909 : vector<16xi32>
      %add3A_911 = arith.constant 6 : i32
      %add3A_912 = arith.addi %mul3A_814, %add3A_911 : i32
      %get3A_913 = arith.index_cast %add3A_912 : i32 to index
      %get3A_914 = arith.constant 0 : index
      %get3A_915 = tpu.vector_load %arg8[%get3A_913, %get3A_914] {strides = array<i32>} : memref<512x32xf32, #tpu.memory_space<vmem>>, vector<16xf32>,
      %add3A_916 = arith.addf %get3A_915, %get3A_621 : vector<16xf32>
      %get3A_917 = arith.index_cast %add3A_912 : i32 to index
      %get3A_918 = arith.constant 16 : index
      %get3A_919 = tpu.vector_load %arg8[%get3A_917, %get3A_918] {strides = array<i32>} : memref<512x32xf32, #tpu.memory_space<vmem>>, vector<16xf32>,
      %add3A_920 = arith.addf %get3A_919, %get3A_624 : vector<16xf32>
      tpu.vector_store_idx %arg10[%add3A_910], %add3A_916 : memref<16640xf32, #tpu.memory_space<vmem>>[vector<16xi32>], vector<16xf32>,
      %add3A_921 = arith.constant 8320 : i32
      %add3A_922 = vector.broadcast %add3A_921 : i32 to vector<16xi32>
      %add3A_923 = arith.addi %add3A_910, %add3A_922 : vector<16xi32>
      tpu.vector_store_idx %arg10[%add3A_923], %add3A_920 : memref<16640xf32, #tpu.memory_space<vmem>>[vector<16xi32>], vector<16xf32>,
      %add3A_924 = arith.constant 1 : i32
      %add3A_925 = vector.broadcast %add3A_924 : i32 to vector<16xi32>
      %add3A_926 = arith.addi %add3A_910, %add3A_925 : vector<16xi32>
      %add3A_927 = arith.constant 7 : i32
      %add3A_928 = arith.addi %mul3A_814, %add3A_927 : i32
      %get3A_929 = arith.index_cast %add3A_928 : i32 to index
      %get3A_930 = arith.constant 0 : index
      %get3A_931 = tpu.vector_load %arg8[%get3A_929, %get3A_930] {strides = array<i32>} : memref<512x32xf32, #tpu.memory_space<vmem>>, vector<16xf32>,
      %add3A_932 = arith.addf %get3A_931, %get3A_621 : vector<16xf32>
      %get3A_933 = arith.index_cast %add3A_928 : i32 to index
      %get3A_934 = arith.constant 16 : index
      %get3A_935 = tpu.vector_load %arg8[%get3A_933, %get3A_934] {strides = array<i32>} : memref<512x32xf32, #tpu.memory_space<vmem>>, vector<16xf32>,
      %add3A_936 = arith.addf %get3A_935, %get3A_624 : vector<16xf32>
      tpu.vector_store_idx %arg10[%add3A_926], %add3A_932 : memref<16640xf32, #tpu.memory_space<vmem>>[vector<16xi32>], vector<16xf32>,
      %add3A_937 = arith.constant 8320 : i32
      %add3A_938 = vector.broadcast %add3A_937 : i32 to vector<16xi32>
      %add3A_939 = arith.addi %add3A_926, %add3A_938 : vector<16xi32>
      tpu.vector_store_idx %arg10[%add3A_939], %add3A_936 : memref<16640xf32, #tpu.memory_space<vmem>>[vector<16xi32>], vector<16xf32>,
      %add3A_940 = arith.constant 1 : i32
      %add3A_941 = vector.broadcast %add3A_940 : i32 to vector<16xi32>
      %add3A_942 = arith.addi %add3A_926, %add3A_941 : vector<16xi32>
      scf.yield %add3A_942 : vector<16xi32>
    }
    %scan3A_630 = arith.constant 64 : i32
    %add3A_631 = arith.constant 1536 : i32
    %add3A_632 = arith.addi %add3A_631, %add3A : i32
    %jit3A_633 = arith.constant 8 : i32
    %div3A_634 = arith.divsi %add3A_632, %jit3A_633 : i32
    %sign3A_635 = arith.constant 0 : i32
    %sign3A_636 = arith.cmpi sgt, %add3A_632, %sign3A_635 : i32
    %sign3A_637 = arith.extui %sign3A_636 : i1 to i32
    %sign3A_638 = arith.constant 0 : i32
    %sign3A_639 = arith.cmpi slt, %add3A_632, %sign3A_638 : i32
    %sign3A_640 = arith.extui %sign3A_639 : i1 to i32
    %sign3A_641 = arith.subi %sign3A_637, %sign3A_640 : i32
    %sign3A_642 = arith.constant 0 : i32
    %sign3A_643 = arith.cmpi sgt, %jit3A_633, %sign3A_642 : i32
    %sign3A_644 = arith.extui %sign3A_643 : i1 to i32
    %sign3A_645 = arith.constant 0 : i32
    %sign3A_646 = arith.cmpi slt, %jit3A_633, %sign3A_645 : i32
    %sign3A_647 = arith.extui %sign3A_646 : i1 to i32
    %sign3A_648 = arith.subi %sign3A_644, %sign3A_647 : i32
    %ne3A_649 = arith.cmpi ne, %sign3A_641, %sign3A_648 : i32
    %rem3A_650 = arith.remsi %add3A_632, %jit3A_633 : i32
    %ne3A_651 = arith.constant 0 : i32
    %ne3A_652 = arith.cmpi ne, %rem3A_650, %ne3A_651 : i32
    %and3A_653 = arith.andi %ne3A_649, %ne3A_652 : i1
    %sub3A_654 = arith.constant 1 : i32
    %sub3A_655 = arith.subi %div3A_634, %sub3A_654 : i32
    %select_n3A_656 = arith.select %and3A_653, %sub3A_655, %div3A_634 : i32
    %jit3A_657 = arith.constant 8 : i32
    %eq3A_658 = arith.constant 0 : i32
    %eq3A_659 = arith.cmpi eq, %jit3A_657, %eq3A_658 : i32
    %jit3A_660 = arith.constant 1 : i32
    %select_n3A_661 = arith.select %eq3A_659, %jit3A_660, %jit3A_657 : i32
    %rem3A_662 = arith.remsi %add3A_632, %select_n3A_661 : i32
    %ne3A_663 = arith.constant 0 : i32
    %ne3A_664 = arith.cmpi ne, %rem3A_662, %ne3A_663 : i32
    %lt3A_665 = arith.constant 0 : i32
    %lt3A_666 = arith.cmpi slt, %rem3A_662, %lt3A_665 : i32
    %lt3A_667 = arith.constant 0 : i32
    %lt3A_668 = arith.cmpi slt, %select_n3A_661, %lt3A_667 : i32
    %ne3A_669 = arith.xori %lt3A_666, %lt3A_668 : i1
    %and3A_670 = arith.andi %ne3A_669, %ne3A_664 : i1
    %add3A_671 = arith.addi %rem3A_662, %select_n3A_661 : i32
    %select_n3A_672 = arith.select %and3A_670, %add3A_671, %rem3A_662 : i32
    %mul3A_673 = arith.constant 512 : i32
    %mul3A_674 = arith.muli %select_n3A_672, %mul3A_673 : i32
    %scan3A_675 = arith.constant 0 : i32
    %scan3A_676 = arith.constant 0 : i32
    %scan3A_677 = arith.constant 32 : i32
    %scan3A_678 = arith.addi %scan3A_676, %scan3A_677 : i32
    %scan3A_679 = arith.constant 1 : i32
    scf.for %scan3A_811 = %scan3A_676 to %scan3A_678 step %scan3A_679  : i32 {
      %mul3A_812 = arith.constant 520 : i32
      %mul3A_813 = arith.muli %scan3A_811, %mul3A_812 : i32
      %dma_start3A_814 = tpu.memref_slice %arg10[%mul3A_813] : memref<16640xf32, #tpu.memory_space<vmem>> -> memref<512xf32, #tpu.memory_space<vmem>>
      %dma_start3A_815 = tpu.memref_slice %arg5[%select_n3A_656, %scan3A_811, %mul3A_674] : memref<200x32x4096xf32, #tpu.memory_space<hbm>> -> memref<1x1x512xf32, #tpu.memory_space<hbm>>
      %dma_start3A_816 = tpu.memref_squeeze %dma_start3A_815 : memref<1x1x512xf32, #tpu.memory_space<hbm>> -> memref<512xf32, #tpu.memory_space<hbm>>
      %dma_start3A_817 = tpu.memref_slice %arg5[%select_n3A_656, %scan3A_811, %mul3A_674] : memref<200x32x4096xf32, #tpu.memory_space<hbm>> -> memref<1x1x512xf32, #tpu.memory_space<hbm>>
      %dma_start3A_818 = tpu.memref_squeeze %dma_start3A_817 : memref<1x1x512xf32, #tpu.memory_space<hbm>> -> memref<512xf32, #tpu.memory_space<hbm>>
      %dma_start3A_819 = tpu.memref_slice %arg10[%mul3A_813] : memref<16640xf32, #tpu.memory_space<vmem>> -> memref<512xf32, #tpu.memory_space<vmem>>
      tpu.enqueue_dma source(%dma_start3A_819 : memref<512xf32, #tpu.memory_space<vmem>>) target(%dma_start3A_818 : memref<512xf32, #tpu.memory_space<hbm>>) target_semaphore(%arg17 : memref<!tpu.dma_semaphore, #tpu.memory_space<semaphore_mem>>)
    }
    %scan3A_680 = arith.constant 32 : i32
    %dma_wait3A_681 = arith.constant 0 : i32
    %dma_wait3A_682 = arith.constant 0 : i32
    %dma_wait3A_683 = tpu.memref_slice %arg3[%dma_wait3A_681, %dma_wait3A_682] : memref<1000000x32xf32, #tpu.memory_space<hbm>> -> memref<512x32xf32, #tpu.memory_space<hbm>>
    %dma_wait3A_684 = arith.constant 0 : i32
    %dma_wait3A_685 = arith.constant 0 : i32
    %dma_wait3A_686 = tpu.memref_slice %arg3[%dma_wait3A_684, %dma_wait3A_685] : memref<1000000x32xf32, #tpu.memory_space<hbm>> -> memref<512x32xf32, #tpu.memory_space<hbm>>
    tpu.wait_dma2 semaphore(%arg16 : memref<!tpu.dma_semaphore, #tpu.memory_space<semaphore_mem>>) src(%dma_wait3A_686 : memref<512x32xf32, #tpu.memory_space<hbm>>) dst(%arg9 : memref<512x32xf32, #tpu.memory_space<vmem>>)
    %dma_wait3A_687 = arith.constant 0 : i32
    %dma_wait3A_688 = arith.constant 0 : i32
    %dma_wait3A_689 = tpu.memref_slice %arg3[%dma_wait3A_687, %dma_wait3A_688] : memref<1000000x32xf32, #tpu.memory_space<hbm>> -> memref<512x32xf32, #tpu.memory_space<hbm>>
    %dma_wait3A_690 = arith.constant 0 : i32
    %dma_wait3A_691 = arith.constant 0 : i32
    %dma_wait3A_692 = tpu.memref_slice %arg3[%dma_wait3A_690, %dma_wait3A_691] : memref<1000000x32xf32, #tpu.memory_space<hbm>> -> memref<512x32xf32, #tpu.memory_space<hbm>>
    tpu.wait_dma2 semaphore(%arg18 : memref<!tpu.dma_semaphore, #tpu.memory_space<semaphore_mem>>) src(%dma_wait3A_692 : memref<512x32xf32, #tpu.memory_space<hbm>>) dst(%arg9 : memref<512x32xf32, #tpu.memory_space<vmem>>)
    %add3A_693 = arith.constant 1568 : i32
    %add3A_694 = arith.addi %add3A_693, %add3A : i32
    %jit3A_695 = arith.constant 8 : i32
    %div3A_696 = arith.divsi %add3A_694, %jit3A_695 : i32
    %sign3A_697 = arith.constant 0 : i32
    %sign3A_698 = arith.cmpi sgt, %add3A_694, %sign3A_697 : i32
    %sign3A_699 = arith.extui %sign3A_698 : i1 to i32
    %sign3A_700 = arith.constant 0 : i32
    %sign3A_701 = arith.cmpi slt, %add3A_694, %sign3A_700 : i32
    %sign3A_702 = arith.extui %sign3A_701 : i1 to i32
    %sign3A_703 = arith.subi %sign3A_699, %sign3A_702 : i32
    %sign3A_704 = arith.constant 0 : i32
    %sign3A_705 = arith.cmpi sgt, %jit3A_695, %sign3A_704 : i32
    %sign3A_706 = arith.extui %sign3A_705 : i1 to i32
    %sign3A_707 = arith.constant 0 : i32
    %sign3A_708 = arith.cmpi slt, %jit3A_695, %sign3A_707 : i32
    %sign3A_709 = arith.extui %sign3A_708 : i1 to i32
    %sign3A_710 = arith.subi %sign3A_706, %sign3A_709 : i32
    %ne3A_711 = arith.cmpi ne, %sign3A_703, %sign3A_710 : i32
    %rem3A_712 = arith.remsi %add3A_694, %jit3A_695 : i32
    %ne3A_713 = arith.constant 0 : i32
    %ne3A_714 = arith.cmpi ne, %rem3A_712, %ne3A_713 : i32
    %and3A_715 = arith.andi %ne3A_711, %ne3A_714 : i1
    %sub3A_716 = arith.constant 1 : i32
    %sub3A_717 = arith.subi %div3A_696, %sub3A_716 : i32
    %select_n3A_718 = arith.select %and3A_715, %sub3A_717, %div3A_696 : i32
    %jit3A_719 = arith.constant 8 : i32
    %eq3A_720 = arith.constant 0 : i32
    %eq3A_721 = arith.cmpi eq, %jit3A_719, %eq3A_720 : i32
    %jit3A_722 = arith.constant 1 : i32
    %select_n3A_723 = arith.select %eq3A_721, %jit3A_722, %jit3A_719 : i32
    %rem3A_724 = arith.remsi %add3A_694, %select_n3A_723 : i32
    %ne3A_725 = arith.constant 0 : i32
    %ne3A_726 = arith.cmpi ne, %rem3A_724, %ne3A_725 : i32
    %lt3A_727 = arith.constant 0 : i32
    %lt3A_728 = arith.cmpi slt, %rem3A_724, %lt3A_727 : i32
    %lt3A_729 = arith.constant 0 : i32
    %lt3A_730 = arith.cmpi slt, %select_n3A_723, %lt3A_729 : i32
    %ne3A_731 = arith.xori %lt3A_728, %lt3A_730 : i1
    %and3A_732 = arith.andi %ne3A_731, %ne3A_726 : i1
    %add3A_733 = arith.addi %rem3A_724, %select_n3A_723 : i32
    %select_n3A_734 = arith.select %and3A_732, %add3A_733, %rem3A_724 : i32
    %mul3A_735 = arith.constant 512 : i32
    %mul3A_736 = arith.muli %select_n3A_734, %mul3A_735 : i32
    %get3A_737 = arith.index_cast %select_n3A_718 : i32 to index
    %get3A_738 = arith.constant 0 : index
    %get3A_739 = tpu.vector_load %arg12[%get3A_737, %get3A_738] {strides = array<i32>} : memref<200x32xf32, #tpu.memory_space<vmem>>, vector<16xf32>,
    %get3A_740 = arith.index_cast %select_n3A_718 : i32 to index
    %get3A_741 = arith.constant 16 : index
    %get3A_742 = tpu.vector_load %arg12[%get3A_740, %get3A_741] {strides = array<i32>} : memref<200x32xf32, #tpu.memory_space<vmem>>, vector<16xf32>,
    %scan3A_743 = arith.constant 0 : i32
    %scan3A_744 = arith.constant 64 : i32
    %scan3A_745 = arith.addi %scan3A_743, %scan3A_744 : i32
    %scan3A_746 = arith.constant 1 : i32
    %scan3A_747 = scf.for %scan3A_811 = %scan3A_743 to %scan3A_745 step %scan3A_746 iter_args(%scan3A_812 = %mul3A_3) -> (vector<16xi32>)  : i32 {
      %mul3A_813 = arith.constant 8 : i32
      %mul3A_814 = arith.muli %scan3A_811, %mul3A_813 : i32
      %add3A_815 = arith.constant 0 : i32
      %add3A_816 = arith.addi %mul3A_814, %add3A_815 : i32
      %get3A_817 = arith.index_cast %add3A_816 : i32 to index
      %get3A_818 = arith.constant 0 : index
      %get3A_819 = tpu.vector_load %arg9[%get3A_817, %get3A_818] {strides = array<i32>} : memref<512x32xf32, #tpu.memory_space<vmem>>, vector<16xf32>,
      %add3A_820 = arith.addf %get3A_819, %get3A_739 : vector<16xf32>
      %get3A_821 = arith.index_cast %add3A_816 : i32 to index
      %get3A_822 = arith.constant 16 : index
      %get3A_823 = tpu.vector_load %arg9[%get3A_821, %get3A_822] {strides = array<i32>} : memref<512x32xf32, #tpu.memory_space<vmem>>, vector<16xf32>,
      %add3A_824 = arith.addf %get3A_823, %get3A_742 : vector<16xf32>
      tpu.vector_store_idx %arg11[%scan3A_812], %add3A_820 : memref<16640xf32, #tpu.memory_space<vmem>>[vector<16xi32>], vector<16xf32>,
      %add3A_825 = arith.constant 8320 : i32
      %add3A_826 = vector.broadcast %add3A_825 : i32 to vector<16xi32>
      %add3A_827 = arith.addi %scan3A_812, %add3A_826 : vector<16xi32>
      tpu.vector_store_idx %arg11[%add3A_827], %add3A_824 : memref<16640xf32, #tpu.memory_space<vmem>>[vector<16xi32>], vector<16xf32>,
      %add3A_828 = arith.constant 1 : i32
      %add3A_829 = vector.broadcast %add3A_828 : i32 to vector<16xi32>
      %add3A_830 = arith.addi %scan3A_812, %add3A_829 : vector<16xi32>
      %add3A_831 = arith.constant 1 : i32
      %add3A_832 = arith.addi %mul3A_814, %add3A_831 : i32
      %get3A_833 = arith.index_cast %add3A_832 : i32 to index
      %get3A_834 = arith.constant 0 : index
      %get3A_835 = tpu.vector_load %arg9[%get3A_833, %get3A_834] {strides = array<i32>} : memref<512x32xf32, #tpu.memory_space<vmem>>, vector<16xf32>,
      %add3A_836 = arith.addf %get3A_835, %get3A_739 : vector<16xf32>
      %get3A_837 = arith.index_cast %add3A_832 : i32 to index
      %get3A_838 = arith.constant 16 : index
      %get3A_839 = tpu.vector_load %arg9[%get3A_837, %get3A_838] {strides = array<i32>} : memref<512x32xf32, #tpu.memory_space<vmem>>, vector<16xf32>,
      %add3A_840 = arith.addf %get3A_839, %get3A_742 : vector<16xf32>
      tpu.vector_store_idx %arg11[%add3A_830], %add3A_836 : memref<16640xf32, #tpu.memory_space<vmem>>[vector<16xi32>], vector<16xf32>,
      %add3A_841 = arith.constant 8320 : i32
      %add3A_842 = vector.broadcast %add3A_841 : i32 to vector<16xi32>
      %add3A_843 = arith.addi %add3A_830, %add3A_842 : vector<16xi32>
      tpu.vector_store_idx %arg11[%add3A_843], %add3A_840 : memref<16640xf32, #tpu.memory_space<vmem>>[vector<16xi32>], vector<16xf32>,
      %add3A_844 = arith.constant 1 : i32
      %add3A_845 = vector.broadcast %add3A_844 : i32 to vector<16xi32>
      %add3A_846 = arith.addi %add3A_830, %add3A_845 : vector<16xi32>
      %add3A_847 = arith.constant 2 : i32
      %add3A_848 = arith.addi %mul3A_814, %add3A_847 : i32
      %get3A_849 = arith.index_cast %add3A_848 : i32 to index
      %get3A_850 = arith.constant 0 : index
      %get3A_851 = tpu.vector_load %arg9[%get3A_849, %get3A_850] {strides = array<i32>} : memref<512x32xf32, #tpu.memory_space<vmem>>, vector<16xf32>,
      %add3A_852 = arith.addf %get3A_851, %get3A_739 : vector<16xf32>
      %get3A_853 = arith.index_cast %add3A_848 : i32 to index
      %get3A_854 = arith.constant 16 : index
      %get3A_855 = tpu.vector_load %arg9[%get3A_853, %get3A_854] {strides = array<i32>} : memref<512x32xf32, #tpu.memory_space<vmem>>, vector<16xf32>,
      %add3A_856 = arith.addf %get3A_855, %get3A_742 : vector<16xf32>
      tpu.vector_store_idx %arg11[%add3A_846], %add3A_852 : memref<16640xf32, #tpu.memory_space<vmem>>[vector<16xi32>], vector<16xf32>,
      %add3A_857 = arith.constant 8320 : i32
      %add3A_858 = vector.broadcast %add3A_857 : i32 to vector<16xi32>
      %add3A_859 = arith.addi %add3A_846, %add3A_858 : vector<16xi32>
      tpu.vector_store_idx %arg11[%add3A_859], %add3A_856 : memref<16640xf32, #tpu.memory_space<vmem>>[vector<16xi32>], vector<16xf32>,
      %add3A_860 = arith.constant 1 : i32
      %add3A_861 = vector.broadcast %add3A_860 : i32 to vector<16xi32>
      %add3A_862 = arith.addi %add3A_846, %add3A_861 : vector<16xi32>
      %add3A_863 = arith.constant 3 : i32
      %add3A_864 = arith.addi %mul3A_814, %add3A_863 : i32
      %get3A_865 = arith.index_cast %add3A_864 : i32 to index
      %get3A_866 = arith.constant 0 : index
      %get3A_867 = tpu.vector_load %arg9[%get3A_865, %get3A_866] {strides = array<i32>} : memref<512x32xf32, #tpu.memory_space<vmem>>, vector<16xf32>,
      %add3A_868 = arith.addf %get3A_867, %get3A_739 : vector<16xf32>
      %get3A_869 = arith.index_cast %add3A_864 : i32 to index
      %get3A_870 = arith.constant 16 : index
      %get3A_871 = tpu.vector_load %arg9[%get3A_869, %get3A_870] {strides = array<i32>} : memref<512x32xf32, #tpu.memory_space<vmem>>, vector<16xf32>,
      %add3A_872 = arith.addf %get3A_871, %get3A_742 : vector<16xf32>
      tpu.vector_store_idx %arg11[%add3A_862], %add3A_868 : memref<16640xf32, #tpu.memory_space<vmem>>[vector<16xi32>], vector<16xf32>,
      %add3A_873 = arith.constant 8320 : i32
      %add3A_874 = vector.broadcast %add3A_873 : i32 to vector<16xi32>
      %add3A_875 = arith.addi %add3A_862, %add3A_874 : vector<16xi32>
      tpu.vector_store_idx %arg11[%add3A_875], %add3A_872 : memref<16640xf32, #tpu.memory_space<vmem>>[vector<16xi32>], vector<16xf32>,
      %add3A_876 = arith.constant 1 : i32
      %add3A_877 = vector.broadcast %add3A_876 : i32 to vector<16xi32>
      %add3A_878 = arith.addi %add3A_862, %add3A_877 : vector<16xi32>
      %add3A_879 = arith.constant 4 : i32
      %add3A_880 = arith.addi %mul3A_814, %add3A_879 : i32
      %get3A_881 = arith.index_cast %add3A_880 : i32 to index
      %get3A_882 = arith.constant 0 : index
      %get3A_883 = tpu.vector_load %arg9[%get3A_881, %get3A_882] {strides = array<i32>} : memref<512x32xf32, #tpu.memory_space<vmem>>, vector<16xf32>,
      %add3A_884 = arith.addf %get3A_883, %get3A_739 : vector<16xf32>
      %get3A_885 = arith.index_cast %add3A_880 : i32 to index
      %get3A_886 = arith.constant 16 : index
      %get3A_887 = tpu.vector_load %arg9[%get3A_885, %get3A_886] {strides = array<i32>} : memref<512x32xf32, #tpu.memory_space<vmem>>, vector<16xf32>,
      %add3A_888 = arith.addf %get3A_887, %get3A_742 : vector<16xf32>
      tpu.vector_store_idx %arg11[%add3A_878], %add3A_884 : memref<16640xf32, #tpu.memory_space<vmem>>[vector<16xi32>], vector<16xf32>,
      %add3A_889 = arith.constant 8320 : i32
      %add3A_890 = vector.broadcast %add3A_889 : i32 to vector<16xi32>
      %add3A_891 = arith.addi %add3A_878, %add3A_890 : vector<16xi32>
      tpu.vector_store_idx %arg11[%add3A_891], %add3A_888 : memref<16640xf32, #tpu.memory_space<vmem>>[vector<16xi32>], vector<16xf32>,
      %add3A_892 = arith.constant 1 : i32
      %add3A_893 = vector.broadcast %add3A_892 : i32 to vector<16xi32>
      %add3A_894 = arith.addi %add3A_878, %add3A_893 : vector<16xi32>
      %add3A_895 = arith.constant 5 : i32
      %add3A_896 = arith.addi %mul3A_814, %add3A_895 : i32
      %get3A_897 = arith.index_cast %add3A_896 : i32 to index
      %get3A_898 = arith.constant 0 : index
      %get3A_899 = tpu.vector_load %arg9[%get3A_897, %get3A_898] {strides = array<i32>} : memref<512x32xf32, #tpu.memory_space<vmem>>, vector<16xf32>,
      %add3A_900 = arith.addf %get3A_899, %get3A_739 : vector<16xf32>
      %get3A_901 = arith.index_cast %add3A_896 : i32 to index
      %get3A_902 = arith.constant 16 : index
      %get3A_903 = tpu.vector_load %arg9[%get3A_901, %get3A_902] {strides = array<i32>} : memref<512x32xf32, #tpu.memory_space<vmem>>, vector<16xf32>,
      %add3A_904 = arith.addf %get3A_903, %get3A_742 : vector<16xf32>
      tpu.vector_store_idx %arg11[%add3A_894], %add3A_900 : memref<16640xf32, #tpu.memory_space<vmem>>[vector<16xi32>], vector<16xf32>,
      %add3A_905 = arith.constant 8320 : i32
      %add3A_906 = vector.broadcast %add3A_905 : i32 to vector<16xi32>
      %add3A_907 = arith.addi %add3A_894, %add3A_906 : vector<16xi32>
      tpu.vector_store_idx %arg11[%add3A_907], %add3A_904 : memref<16640xf32, #tpu.memory_space<vmem>>[vector<16xi32>], vector<16xf32>,
      %add3A_908 = arith.constant 1 : i32
      %add3A_909 = vector.broadcast %add3A_908 : i32 to vector<16xi32>
      %add3A_910 = arith.addi %add3A_894, %add3A_909 : vector<16xi32>
      %add3A_911 = arith.constant 6 : i32
      %add3A_912 = arith.addi %mul3A_814, %add3A_911 : i32
      %get3A_913 = arith.index_cast %add3A_912 : i32 to index
      %get3A_914 = arith.constant 0 : index
      %get3A_915 = tpu.vector_load %arg9[%get3A_913, %get3A_914] {strides = array<i32>} : memref<512x32xf32, #tpu.memory_space<vmem>>, vector<16xf32>,
      %add3A_916 = arith.addf %get3A_915, %get3A_739 : vector<16xf32>
      %get3A_917 = arith.index_cast %add3A_912 : i32 to index
      %get3A_918 = arith.constant 16 : index
      %get3A_919 = tpu.vector_load %arg9[%get3A_917, %get3A_918] {strides = array<i32>} : memref<512x32xf32, #tpu.memory_space<vmem>>, vector<16xf32>,
      %add3A_920 = arith.addf %get3A_919, %get3A_742 : vector<16xf32>
      tpu.vector_store_idx %arg11[%add3A_910], %add3A_916 : memref<16640xf32, #tpu.memory_space<vmem>>[vector<16xi32>], vector<16xf32>,
      %add3A_921 = arith.constant 8320 : i32
      %add3A_922 = vector.broadcast %add3A_921 : i32 to vector<16xi32>
      %add3A_923 = arith.addi %add3A_910, %add3A_922 : vector<16xi32>
      tpu.vector_store_idx %arg11[%add3A_923], %add3A_920 : memref<16640xf32, #tpu.memory_space<vmem>>[vector<16xi32>], vector<16xf32>,
      %add3A_924 = arith.constant 1 : i32
      %add3A_925 = vector.broadcast %add3A_924 : i32 to vector<16xi32>
      %add3A_926 = arith.addi %add3A_910, %add3A_925 : vector<16xi32>
      %add3A_927 = arith.constant 7 : i32
      %add3A_928 = arith.addi %mul3A_814, %add3A_927 : i32
      %get3A_929 = arith.index_cast %add3A_928 : i32 to index
      %get3A_930 = arith.constant 0 : index
      %get3A_931 = tpu.vector_load %arg9[%get3A_929, %get3A_930] {strides = array<i32>} : memref<512x32xf32, #tpu.memory_space<vmem>>, vector<16xf32>,
      %add3A_932 = arith.addf %get3A_931, %get3A_739 : vector<16xf32>
      %get3A_933 = arith.index_cast %add3A_928 : i32 to index
      %get3A_934 = arith.constant 16 : index
      %get3A_935 = tpu.vector_load %arg9[%get3A_933, %get3A_934] {strides = array<i32>} : memref<512x32xf32, #tpu.memory_space<vmem>>, vector<16xf32>,
      %add3A_936 = arith.addf %get3A_935, %get3A_742 : vector<16xf32>
      tpu.vector_store_idx %arg11[%add3A_926], %add3A_932 : memref<16640xf32, #tpu.memory_space<vmem>>[vector<16xi32>], vector<16xf32>,
      %add3A_937 = arith.constant 8320 : i32
      %add3A_938 = vector.broadcast %add3A_937 : i32 to vector<16xi32>
      %add3A_939 = arith.addi %add3A_926, %add3A_938 : vector<16xi32>
      tpu.vector_store_idx %arg11[%add3A_939], %add3A_936 : memref<16640xf32, #tpu.memory_space<vmem>>[vector<16xi32>], vector<16xf32>,
      %add3A_940 = arith.constant 1 : i32
      %add3A_941 = vector.broadcast %add3A_940 : i32 to vector<16xi32>
      %add3A_942 = arith.addi %add3A_926, %add3A_941 : vector<16xi32>
      scf.yield %add3A_942 : vector<16xi32>
    }
    %scan3A_748 = arith.constant 64 : i32
    %add3A_749 = arith.constant 1568 : i32
    %add3A_750 = arith.addi %add3A_749, %add3A : i32
    %jit3A_751 = arith.constant 8 : i32
    %div3A_752 = arith.divsi %add3A_750, %jit3A_751 : i32
    %sign3A_753 = arith.constant 0 : i32
    %sign3A_754 = arith.cmpi sgt, %add3A_750, %sign3A_753 : i32
    %sign3A_755 = arith.extui %sign3A_754 : i1 to i32
    %sign3A_756 = arith.constant 0 : i32
    %sign3A_757 = arith.cmpi slt, %add3A_750, %sign3A_756 : i32
    %sign3A_758 = arith.extui %sign3A_757 : i1 to i32
    %sign3A_759 = arith.subi %sign3A_755, %sign3A_758 : i32
    %sign3A_760 = arith.constant 0 : i32
    %sign3A_761 = arith.cmpi sgt, %jit3A_751, %sign3A_760 : i32
    %sign3A_762 = arith.extui %sign3A_761 : i1 to i32
    %sign3A_763 = arith.constant 0 : i32
    %sign3A_764 = arith.cmpi slt, %jit3A_751, %sign3A_763 : i32
    %sign3A_765 = arith.extui %sign3A_764 : i1 to i32
    %sign3A_766 = arith.subi %sign3A_762, %sign3A_765 : i32
    %ne3A_767 = arith.cmpi ne, %sign3A_759, %sign3A_766 : i32
    %rem3A_768 = arith.remsi %add3A_750, %jit3A_751 : i32
    %ne3A_769 = arith.constant 0 : i32
    %ne3A_770 = arith.cmpi ne, %rem3A_768, %ne3A_769 : i32
    %and3A_771 = arith.andi %ne3A_767, %ne3A_770 : i1
    %sub3A_772 = arith.constant 1 : i32
    %sub3A_773 = arith.subi %div3A_752, %sub3A_772 : i32
    %select_n3A_774 = arith.select %and3A_771, %sub3A_773, %div3A_752 : i32
    %jit3A_775 = arith.constant 8 : i32
    %eq3A_776 = arith.constant 0 : i32
    %eq3A_777 = arith.cmpi eq, %jit3A_775, %eq3A_776 : i32
    %jit3A_778 = arith.constant 1 : i32
    %select_n3A_779 = arith.select %eq3A_777, %jit3A_778, %jit3A_775 : i32
    %rem3A_780 = arith.remsi %add3A_750, %select_n3A_779 : i32
    %ne3A_781 = arith.constant 0 : i32
    %ne3A_782 = arith.cmpi ne, %rem3A_780, %ne3A_781 : i32
    %lt3A_783 = arith.constant 0 : i32
    %lt3A_784 = arith.cmpi slt, %rem3A_780, %lt3A_783 : i32
    %lt3A_785 = arith.constant 0 : i32
    %lt3A_786 = arith.cmpi slt, %select_n3A_779, %lt3A_785 : i32
    %ne3A_787 = arith.xori %lt3A_784, %lt3A_786 : i1
    %and3A_788 = arith.andi %ne3A_787, %ne3A_782 : i1
    %add3A_789 = arith.addi %rem3A_780, %select_n3A_779 : i32
    %select_n3A_790 = arith.select %and3A_788, %add3A_789, %rem3A_780 : i32
    %mul3A_791 = arith.constant 512 : i32
    %mul3A_792 = arith.muli %select_n3A_790, %mul3A_791 : i32
    %scan3A_793 = arith.constant 0 : i32
    %scan3A_794 = arith.constant 0 : i32
    %scan3A_795 = arith.constant 32 : i32
    %scan3A_796 = arith.addi %scan3A_794, %scan3A_795 : i32
    %scan3A_797 = arith.constant 1 : i32
    scf.for %scan3A_811 = %scan3A_794 to %scan3A_796 step %scan3A_797  : i32 {
      %mul3A_812 = arith.constant 520 : i32
      %mul3A_813 = arith.muli %scan3A_811, %mul3A_812 : i32
      %dma_start3A_814 = tpu.memref_slice %arg11[%mul3A_813] : memref<16640xf32, #tpu.memory_space<vmem>> -> memref<512xf32, #tpu.memory_space<vmem>>
      %dma_start3A_815 = tpu.memref_slice %arg5[%select_n3A_774, %scan3A_811, %mul3A_792] : memref<200x32x4096xf32, #tpu.memory_space<hbm>> -> memref<1x1x512xf32, #tpu.memory_space<hbm>>
      %dma_start3A_816 = tpu.memref_squeeze %dma_start3A_815 : memref<1x1x512xf32, #tpu.memory_space<hbm>> -> memref<512xf32, #tpu.memory_space<hbm>>
      %dma_start3A_817 = tpu.memref_slice %arg5[%select_n3A_774, %scan3A_811, %mul3A_792] : memref<200x32x4096xf32, #tpu.memory_space<hbm>> -> memref<1x1x512xf32, #tpu.memory_space<hbm>>
      %dma_start3A_818 = tpu.memref_squeeze %dma_start3A_817 : memref<1x1x512xf32, #tpu.memory_space<hbm>> -> memref<512xf32, #tpu.memory_space<hbm>>
      %dma_start3A_819 = tpu.memref_slice %arg11[%mul3A_813] : memref<16640xf32, #tpu.memory_space<vmem>> -> memref<512xf32, #tpu.memory_space<vmem>>
      tpu.enqueue_dma source(%dma_start3A_819 : memref<512xf32, #tpu.memory_space<vmem>>) target(%dma_start3A_818 : memref<512xf32, #tpu.memory_space<hbm>>) target_semaphore(%arg18 : memref<!tpu.dma_semaphore, #tpu.memory_space<semaphore_mem>>)
    }
    %scan3A_798 = arith.constant 32 : i32
    %dma_wait3A_799 = arith.constant 0 : i32
    %dma_wait3A_800 = arith.constant 0 : i32
    %dma_wait3A_801 = tpu.memref_slice %arg3[%dma_wait3A_799, %dma_wait3A_800] : memref<1000000x32xf32, #tpu.memory_space<hbm>> -> memref<512x32xf32, #tpu.memory_space<hbm>>
    %dma_wait3A_802 = arith.constant 0 : i32
    %dma_wait3A_803 = arith.constant 0 : i32
    %dma_wait3A_804 = tpu.memref_slice %arg3[%dma_wait3A_802, %dma_wait3A_803] : memref<1000000x32xf32, #tpu.memory_space<hbm>> -> memref<512x32xf32, #tpu.memory_space<hbm>>
    tpu.wait_dma2 semaphore(%arg17 : memref<!tpu.dma_semaphore, #tpu.memory_space<semaphore_mem>>) src(%dma_wait3A_804 : memref<512x32xf32, #tpu.memory_space<hbm>>) dst(%arg8 : memref<512x32xf32, #tpu.memory_space<vmem>>)
    %dma_wait3A_805 = arith.constant 0 : i32
    %dma_wait3A_806 = arith.constant 0 : i32
    %dma_wait3A_807 = tpu.memref_slice %arg3[%dma_wait3A_805, %dma_wait3A_806] : memref<1000000x32xf32, #tpu.memory_space<hbm>> -> memref<512x32xf32, #tpu.memory_space<hbm>>
    %dma_wait3A_808 = arith.constant 0 : i32
    %dma_wait3A_809 = arith.constant 0 : i32
    %dma_wait3A_810 = tpu.memref_slice %arg3[%dma_wait3A_808, %dma_wait3A_809] : memref<1000000x32xf32, #tpu.memory_space<hbm>> -> memref<512x32xf32, #tpu.memory_space<hbm>>
    tpu.wait_dma2 semaphore(%arg18 : memref<!tpu.dma_semaphore, #tpu.memory_space<semaphore_mem>>) src(%dma_wait3A_810 : memref<512x32xf32, #tpu.memory_space<hbm>>) dst(%arg9 : memref<512x32xf32, #tpu.memory_space<vmem>>)
    return
  }
}

</mosaic_0001>

<sc_bundles>
// kernel: _embed.3.cloned.1.call-start
scs
__scs_entry_jumppad:
0x0: {  	(pc) =	sbr.rel $0x88, $3  }
0x1: {  	(tag) =	ssettag $0x0;
	lr =	simm.s32 $0x1  }
0x2: {  	[smem:$0x3F9E] =	sst lr;
	_ =	strace $0xD0000000  }
0x3: {  	_ = 	snop  }
0x4: {  	_ = 	snop  }
0x5: {  	_ = 	snop  }
0x6: {  	_ = 	snop  }
0x7: {  	_ = 	snop  }
__scs_overlays_trampoline_lowered:
0x8: {  	[smem:$0x3FAD] =	sst s0  }
0x9: {  	[smem:$0x3FAE] =	sst s1  }
0xa: {  	[smem:$0x3FAF] =	sst s2  }
0xb: {  	[smem:$0x3FB0] =	sst s3  }
0xc: {  	[smem:$0x3FB1] =	sst s4  }
0xd: {  	[smem:$0x3FB2] =	sst s5  }
0xe: {  	[smem:$0x3FB3] =	sst s6  }
0xf: {  	[smem:$0x3FB4] =	sst s7  }
0x10: {  	[smem:$0x3FB5] =	sst s8  }
0x11: {  	[smem:$0x3FB6] =	sst s9;
	s0 =	simm.s32 @!p0 $0x0  }
0x12: {  	s1 =	sld [smem:$0x3F9C];
	s0 =	simm.s32 @p0 $0x1  }
0x13: {  	[smem:$0x3FB7] =	sst s0;
	s0 =	simm.s32 @!p1 $0x0  }
0x14: {  	s2 =	sld [smem:$0x3F9B];
	s0 =	simm.s32 @p1 $0x1  }
0x15: {  	[smem:$0x3FB8] =	sst s0;
	s0 =	simm.s32 @!p2 $0x0  }
0x16: {  	s3 =	sld [smem:$0x3FDB];
	s0 =	simm.s32 @p2 $0x1  }
0x17: {  	s4 =	simm.s32 $0x1BF5;
	[smem:$0x3FBA] =	sst s0  }
0x18: {  	s0 =	sld [smem:$0x3F9D];
	_ =	swait.ge [sflag:s4], $0x0  }
0x19: {  	s7 =	sld [smem:$0x3F9E]  }
0x1a: {  	s8 =	sadd.s32 $0xFFFFE003, lr  }
0x1b: {  	s9 =	sadd.s32 $0xFFFFFEF7, lr;
	s5 =	simm.s32 $0xFFFFFFFF;
	p2 =	slt.u32 s8, $0xFFFFF086  }
0x1c: {  	p1 =	slt.u32 s9, $0xF7A;
	s5 =	simm.s32 @!p2 $0x0  }
0x1d: {  	s5 =	simm.s32 @p1 $0x1;
	p0 =	seq.s32 s7, s2  }
0x1e: {  	s7 =	smul.u32 @!p0 $0xF7A, s2;
	p2 =	seq.s32 @!p0 s5, $0x0  }
0x1f: {  	s9 =	smul.u32 $0xF7A, s1;
	s8 =	simm.s32 @!p0 $0x1BF5;
	p2 =	por !p2, p0  }
0x20: {  	[sflag:s8] =	ssyncset.s32 @!p0 $0xFFFFF086;
	s6 =	sadd.s32 @!p0 s3, s7;
	s7 =	simm.s32 @!p0 $0x108  }
0x21: {  	s3 =	sadd.s32 s3, s9;
	s6 =	sadd.s32 @!p0 $0x88, s6;
	s7 =	simm.s32 @p2 $0x1082  }
0x22: {  	[simem:s7], [sflag:s8] =	dma.local @!p0 [hbm:s6], $0xF7A  }
0x23: {  	s9 =	sor.u32 $0xD0000000, s2;
	s6 =	simm.s32 $0x108;
	_ =	swait.ge @!p0 [sflag:s8], $0x0  }
0x24: {  	s3 =	sadd.s32 $0x88, s3;
	s6 =	simm.s32 @!p1 $0x1082;
	[sflag:s4] =	ssyncset.s32 $0xFFFFF086  }
0x25: {  	[simem:s6], [sflag:s4] =	dma.local [hbm:s3], $0xF7A  }
0x26: {  	[smem:$0x3F9E] =	sst s1;
	(tag) =	ssettag s2;
	_ =	strace s9  }
0x27: {  	s1 =	sld [smem:$0x3FAE]  }
0x28: {  	s2 =	sld [smem:$0x3FAF]  }
0x29: {  	s4 =	sld [smem:$0x3FB1]  }
0x2a: {  	p0 =	seq.s32 s5, $0x0;
	s5 =	sld [smem:$0x3FB2]  }
0x2b: {  	s6 =	sld [smem:$0x3FB3]  }
0x2c: {  	s7 =	sld [smem:$0x3FB4]  }
0x2d: {  	s3 =	simm.s32 $0x108;
	s8 =	sld [smem:$0x3FB5]  }
0x2e: {  	s3 =	simm.s32 @!p0 $0x1082;
	s9 =	sld [smem:$0x3FB6]  }
0x2f: {  	lr =	sadd.s32 s0, s3;
	s0 =	sld [smem:$0x3FAD]  }
0x30: {  	s3 =	sld [smem:$0x3FB0]  }
0x31: {  	[smem:$0x3FB9] =	sst s10  }
0x32: {  	s10 =	sld [smem:$0x3FB7];
	_ =	sdelay $0x3  }
0x33: {  	p0 =	seq.s32 s10, $0x1;
	s10 =	sld [smem:$0x3FB9];
	_ =	sdelay $0x3  }
0x34: {  	[smem:$0x3FB9] =	sst s10  }
0x35: {  	s10 =	sld [smem:$0x3FB8];
	_ =	sdelay $0x3  }
0x36: {  	p1 =	seq.s32 s10, $0x1;
	s10 =	sld [smem:$0x3FB9];
	_ =	sdelay $0x3  }
0x37: {  	[smem:$0x3FB9] =	sst s10  }
0x38: {  	s10 =	sld [smem:$0x3FBA]  }
0x39: {  	_ = 	snop;
	(pc) =	sbr.ind lr, $3  }
0x3a: {  	_ = 	snop  }
0x3b: {  	_ = 	snop  }
0x3c: {  	p2 =	seq.s32 s10, $0x1;
	s10 =	sld [smem:$0x3FB9]  }
0x3d: {  	_ =	shalt  }
0x3e: {  	_ =	shalt  }
0x3f: {  	_ =	shalt  }
0x40: {  	_ =	shalt  }
0x41: {  	_ =	shalt  }
0x42: {  	_ =	shalt  }
0x43: {  	_ =	shalt  }
0x44: {  	_ =	shalt  }
0x45: {  	_ =	shalt  }
0x46: {  	_ =	shalt  }
0x47: {  	_ =	shalt  }
0x48: {  	_ =	shalt  }
0x49: {  	_ =	shalt  }
0x4a: {  	_ =	shalt  }
0x4b: {  	_ =	shalt  }
0x4c: {  	_ =	shalt  }
0x4d: {  	_ =	shalt  }
0x4e: {  	_ =	shalt  }
0x4f: {  	_ =	shalt  }
0x50: {  	_ =	shalt  }
0x51: {  	_ =	shalt  }
0x52: {  	_ =	shalt  }
0x53: {  	_ =	shalt  }
0x54: {  	_ =	shalt  }
0x55: {  	_ =	shalt  }
0x56: {  	_ =	shalt  }
0x57: {  	_ =	shalt  }
0x58: {  	_ =	shalt  }
0x59: {  	_ =	shalt  }
0x5a: {  	_ =	shalt  }
0x5b: {  	_ =	shalt  }
0x5c: {  	_ =	shalt  }
0x5d: {  	_ =	shalt  }
0x5e: {  	_ =	shalt  }
0x5f: {  	_ =	shalt  }
0x60: {  	_ =	shalt  }
0x61: {  	_ =	shalt  }
0x62: {  	_ =	shalt  }
0x63: {  	_ =	shalt  }
0x64: {  	_ =	shalt  }
0x65: {  	_ =	shalt  }
0x66: {  	_ =	shalt  }
0x67: {  	_ =	shalt  }
0x68: {  	_ =	shalt  }
0x69: {  	_ =	shalt  }
0x6a: {  	_ =	shalt  }
0x6b: {  	_ =	shalt  }
0x6c: {  	_ =	shalt  }
0x6d: {  	_ =	shalt  }
0x6e: {  	_ =	shalt  }
0x6f: {  	_ =	shalt  }
0x70: {  	_ =	shalt  }
0x71: {  	_ =	shalt  }
0x72: {  	_ =	shalt  }
0x73: {  	_ =	shalt  }
0x74: {  	_ =	shalt  }
0x75: {  	_ =	shalt  }
0x76: {  	_ =	shalt  }
0x77: {  	_ =	shalt  }
0x78: {  	_ =	shalt  }
0x79: {  	_ =	shalt  }
0x7a: {  	_ =	shalt  }
0x7b: {  	_ =	shalt  }
0x7c: {  	_ =	shalt  }
0x7d: {  	_ =	shalt  }
0x7e: {  	_ =	shalt  }
0x7f: {  	_ =	shalt  }
0x80: {  	_ =	shalt  }
0x81: {  	_ =	shalt  }
0x82: {  	_ =	shalt  }
0x83: {  	_ =	shalt  }
0x84: {  	_ =	shalt  }
0x85: {  	_ =	shalt  }
0x86: {  	_ =	shalt  }
0x87: {  	_ =	shalt  }
.Lfunc_end0:
.L_simem_size_0:
called_computation_lowered:
.L_overlay_start_0:
0x88: {  	s2 =	sld [smem:$0x3FD9]  }
0x89: {  	s3 =	sld [smem:$0x3FFE];
	_ =	sdelay $0x1  }
0x8a: {  	s1 =	srdreg.scid  }
0x8b: {  	s0 =	sand.u32 $0x1, s1  }
0x8c: {  	s17 =	sshll.u32 s0, $0xA;
	s2 =	sadd.s32 s3, s2  }
0x8d: {  	s2 =	sadd.s32 s2, s17  }
0x8e: {  	[smem:$0x3FC5] =	sst s2  }
0x8f: {  	_ = 	snop  }
0x90: {  	s2 =	sld [smem:$0x3FC9]  }
0x91: {  	s18 =	sld [smem:$0x3FD0];
	(tm) =	ssettm $0x1  }
0x92: {  	s4 =	sld [smem:$0x3FFB];
	_ =	sdelay $0x3  }
0x93: {  	_ =	strace s4  }
0x94: {  	s4 =	sld [smem:$0x3FFC];
	_ =	sdelay $0x3  }
0x95: {  	_ =	strace s4  }
0x96: {  	s4 =	sld [smem:$0x3FFD];
	_ =	sdelay $0x3  }
0x97: {  	_ =	strace s4  }
0x98: {  	_ =	strace $0x8FFFFFFF  }
0x99: {  	s19 =	sld [smem:$0x3FDB];
	_ =	sdelay $0x1  }
0x9a: {  	s5 =	simm.s32 $_scs_section_size  }
0x9b: {  	s6 =	simm.s32 $_size__tile_overlayer_lowered;
	s7 =	simm.s32 $_tile_overlayer_lowered  }
0x9c: {  	s22 =	simm.s32 $0x1BFF;
	s21 =	sshll.u32 s7, $0x1;
	s4 =	sadd.s32 s5, s19  }
0x9d: {  	s8 =	simm.s32 $0x0;
	s20 =	sshll.u32 s6, $0x1;
	s6 =	sadd.s32 s21, s4  }
0x9e: {  	[timem:s8], [sflag:s22] =	dma.local [hbm:s6], s20  }
0x9f: {  	_ =	swait.ge [sflag:s22], s20  }
0xa0: {  	s5 =	ssub.s32 $0x0, s20;
	[sflag:s22] =	ssyncset.done $0x0  }
0xa1: {  	[sflag:s22] =	ssyncadd.s32 s5;
	_ =	sdelay $0x1  }
0xa2: {  	s23 =	simm.s32 $0x1B8B  }
0xa3: {  	_ =	swait.ge [sflag:s23], $0x1  }
0xa4: {  	[sflag:s23] =	ssyncset.done $0x0  }
0xa5: {  	s25 =	simm.s32 $0x1B8E;
	s24 =	sld [smem:$0x3FFE];
	[sflag:s23] =	ssyncadd.s32 $0xFFFFFFFF  }
0xa6: {  	s26 =	simm.s32 $execute0_lowered;
	[smem:$0x3FD2] =	sst s25  }
0xa7: {  	s6 =	sshll.u32 s26, $0x1;
	_ =	strace $0x80000046;
	[dreg:$0x1] =	wrdreg $0xFFFFFFFF  }
0xa8: {  	s28 =	simm.s32 $_size_execute0_lowered;
	s4 =	sadd.s32 s4, s6;
	[dreg:$0x0] =	wrdreg $0x0  }
0xa9: {  	s6 =	sshll.u32 s28, $0x1;
	[dreg:$0x2] =	wrdreg s4  }
0xaa: {  	[dreg:$0x3] =	wrdreg s6  }
0xab: {  	[dreg:$0x4] =	wrdreg $0xC0  }
0xac: {  	_ =	task [dreg:s8], $0x5FFFF  }
0xad: {  	[dreg:$0x1] =	wrdreg $0xFFFFFFFF  }
0xae: {  	[dreg:$0x0] =	wrdreg $0x60  }
0xaf: {  	[dreg:$0x2] =	wrdreg s2  }
0xb0: {  	[dreg:$0x3] =	wrdreg s24  }
0xb1: {  	[dreg:$0x4] =	wrdreg s18  }
0xb2: {  	[dreg:$0x5] =	wrdreg $0x9  }
0xb3: {  	_ =	task.clear_ibuf [dreg:s8], $0x6FFFF;
	_ =	strace $0x90000046  }
0xb4: {  	s29 =	simm.s32 $0x9;
	_ =	strace $0x80000048  }
0xb5: {  	_ =	swait.ge [sflag:s29], $0x1  }
0xb6: {  	[sflag:s29] =	ssyncadd.s32 $0xFFFFFFFF  }
0xb7: {  	_ =	strace $0x90000048  }
0xb8: {  	_ =	sfence  }
0xb9: {  	s30 =	sld [smem:$0x0];
	_ =	sdelay $0x2  }
0xba: {  	s31 =	sshll.u32 s1, $0xD;
	s1 =	sshrl.u32 s1, $0x2  }
0xbb: {  	s3 =	sand.u32 $0x4000, s31;
	s1 =	sadd.s32 s1, s30  }
0xbc: {  	s0 =	sor.u32 s3, s0;
	s1 =	sshll.u32 s1, $0x11  }
0xbd: {  	s0 =	sor.u32 s1, s0  }
0xbe: {  	s0 =	sadd.s32 $0x8F2B, s0  }
0xbf: {  	[sflag:s0] =	ssyncadd.remote.s32 $0x1  }
0xc0: {  	_ =	sfence.sel $0xFFFF  }
0xc1: {  	[dreg:$0x0] =	wrdreg $0xFFFFFFFF;
	(pc) =	sbr.abs _section_cstart, $3  }
0xc2: {  	[dreg:$0x1] =	wrdreg $0xFFFFFFFF  }
0xc3: {  	_ =	task.clear_ibuf [dreg:s8], $0x2FFFF;
	_ =	strace $0x9FFFFFFF  }
0xc4: {  	(tm) =	ssettm $0x7FFFFFFF  }
0xc5: {  	_ =	shalt  }
tec
execute0_lowered:
.L_overlay_start_1:
0x0: {  	(tag) =	ssettag $0x1  }
0x1: {  	s0 =	rddreg [dreg:$0x0]  }
0x2: {  	s1 =	rddreg [dreg:$0x1]  }
0x3: {  	s3 =	simm.s32 $0x0;
	s2 =	srdreg.scid;
	s16 =	stileid.u32  }
0x4: {  	s28 =	simm.s32 $0x1;
	s29 =	simm.s32 $0x80;
	[smem:$0x7FF] =	sst s3  }
0x5: {  	s2 =	sand.u32 $0x1, s2;
	s4 =	sshll.u32 s16, $0x1;
	s5 =	sadd.s32 $0xF42A00, s1  }
0x6: {  	s8 =	sshrl.u32 s16, $0x2;
	s1 =	sadd.s32 $0x600, s1;
	s15 =	sshll.u32 s16, $0x7  }
0x7: {  	_ =	strace $0x80000047;
	s6 =	sor.u32 s2, s4;
	s7 =	ssub.s32 $0x2, s2  }
0x8: {  	s11 =	sshll.u32 s8, $0xC;
	s24 =	sor.u32 $0x4, s8;
	s13 =	sand.u32 $0x600, s15  }
0x9: {  	s17 =	sshll.u32 s8, $0x5;
	s31 =	sshll.u32 s8, $0x11;
	s14 =	sshll.u32 s2, $0x9  }
0xa: {  	s2 =	sshll.u32 s2, $0x6;
	s9 =	sshll.u32 s6, $0x9;
	s10 =	sshrl.u32 s7, $0x1  }
0xb: {  	s6 =	sshll.u32 s6, $0x6;
	s12 =	sshll.u32 s24, $0xC;
	s18 =	sshll.u32 s24, $0x5  }
0xc: {  	s20 =	sor.u32 $0x1800, s17;
	[dreg:$0x7] =	wrdreg s17;
	s22 =	sor.u32 $0x1880, s17  }
0xd: {  	s2 =	sor.u32 s2, s15;
	s17 =	simm.s32 $0x300;
	[dreg:$0x9] =	wrdreg s18  }
0xe: {  	s15 =	simm.s32 $0x4;
	s9 =	sand.u32 $0xE00, s9;
	[dreg:$0xa] =	wrdreg s20  }
0xf: {  	s7 =	ssub.s32 s7, s10;
	s6 =	sand.u32 $0x1C0, s6;
	[dreg:$0xb] =	wrdreg s22  }
0x10: {  	s2 =	sand.u32 $0x1C0, s2;
	s20 =	simm.s32 $0x380;
	s23 =	sor.u32 s11, s9  }
0x11: {  	s9 =	sor.u32 s12, s9;
	s25 =	sor.u32 s13, s6;
	s13 =	sshll.u32 s16, $0xA  }
0x12: {  	s12 =	sor.u32 $0x40, s4;
	s11 =	simm.s32 $0x3;
	s10 =	sshrl.u32 s23, $0x3  }
0x13: {  	s9 =	sshrl.u32 s9, $0x3;
	s26 =	sadd.s32 s25, s0;
	s19 =	sor.u32 s14, s13  }
0x14: {  	s13 =	sor.u32 $0x60, s4;
	s14 =	sadd.s32 s0, s6;
	s23 =	smax.u32 s7, $0x1  }
0x15: {  	s25 =	sshll.u32 s16, $0xC;
	s10 =	sadd.s32 s0, s10;
	[dreg:$0xc] =	wrdreg s23  }
0x16: {  	s16 =	simm.s32 $0x5;
	s9 =	sadd.s32 s0, s9;
	[dreg:$0x4] =	wrdreg s10  }
0x17: {  	s30 =	sadd.s32 $0x1000, s26;
	s6 =	sor.u32 $0x20000, s25;
	[dreg:$0x5] =	wrdreg s9  }
0x18: {  	s25 =	simm.s32 $0x7400;
	[dreg:$0x6] =	wrdreg s30;
	s10 =	sadd.s32 $0x1800, s26  }
0x19: {  	s6 =	sand.u32 $0x2C000, s6;
	s26 =	sshll.u32 s8, $0xE;
	s9 =	simm.s32 $0x6  }
0x1a: {  	[dreg:$0x8] =	wrdreg s10;
	s10 =	sand.u32 $0xE00, s19;
	s6 =	sadd.s32 s6, s1  }
0x1b: {  	s7 =	sadd.s32 s26, s1;
	s26 =	simm.s32 $0x200;
	s21 =	sor.u32 s10, s31  }
0x1c: {  	s30 =	sadd.s32 s2, s6;
	s31 =	sadd.s32 s2, s7;
	s6 =	simm.s32 $0x2  }
0x1d: {  	s24 =	sshrl.u32 s21, $0x3;
	s0 =	sor.u32 $0x80000, s21;
	[dreg:$0xd] =	wrdreg s30  }
0x1e: {  	s22 =	sadd.s32 $0x300000, s31;
	s23 =	sadd.s32 $0x310000, s31;
	s0 =	sshrl.u32 s0, $0x3  }
0x1f: {  	v0 =	vlaneseq.u32;
	s18 =	sadd.s32 s24, s1;
	s19 =	sadd.s32 s0, s1;
	s1 =	sadd.s32 $0x10000, s30  }
0x20: {  	v0 =	vmul.u32 $0x208, v0;
	s21 =	simm.s32 $0x6400;
	[dreg:$0xe] =	wrdreg s1;
	s1 =	simm.s32 $0x0  }
.LBB2_1:
0x21: {  	[dreg:$0xf] =	wrdreg s1  }
0x22: {  	s0 =	rddreg [dreg:$0x2];
	s31 =	simm.s32 $0x10600;
	s2 =	simm.s32 $0x7  }
0x23: {  	[tilespmem:s31], [sflag:$0x7] =	stream.linear.gather [hbm4b:s0+s3], $0x1900, $0x38;
	[tilespmem:$0x11F00] =	vst v63  }
0x24: {  	_ =	swait.ge [sflag:s2], $0x1900  }
0x25: {  	[sflag:s2] =	ssyncset.done $0x0  }
0x26: {  	s7 =	rddreg [dreg:$0x4];
	[sflag:s2] =	ssyncadd.s32 $0xFFFFE700  }
0x27: {  	[tilespmem:s3], [sflag:$0x1] =	stream.linear.gather [hbm4b:s7+s3], $0x200, $0x38;
	[tilespmem:$0x11F00] =	vst v63  }
0x28: {  	s8 =	rddreg [dreg:$0x5]  }
0x29: {  	[tilespmem:s26], [sflag:$0x2] =	stream.linear.gather [hbm4b:s8+s3], $0x200, $0x38;
	[tilespmem:$0x11F00] =	vst v63  }
0x2a: {  	_ =	swait.ge [sflag:s28], $0x200  }
0x2b: {  	[sflag:s28] =	ssyncset.done $0x0  }
0x2c: {  	s10 =	simm.s32 $0x400;
	[sflag:s28] =	ssyncadd.s32 $0xFFFFFE00  }
0x2d: {  	[tilespmem:s10], [sflag:$0x3] =	stream.indirect.gather [hbm4b:s5+s29], $0x20, s3, s29, $0xb8;
	[tilespmem:$0x11F00] =	vst v63  }
0x2e: {  	s24 =	simm.s32 $0x1400  }
0x2f: {  	[tilespmem:s24], [sflag:$0x3] =	stream.indirect.gather [hbm4b:s5+s29], $0x20, s29, s29, $0xb8;
	[tilespmem:$0x11F00] =	vst v63  }
0x30: {  	s30 =	simm.s32 $0x100;
	s31 =	simm.s32 $0x2400  }
0x31: {  	[tilespmem:s31], [sflag:$0x3] =	stream.indirect.gather [hbm4b:s5+s29], $0x20, s30, s29, $0xb8;
	[tilespmem:$0x11F00] =	vst v63  }
0x32: {  	s1 =	simm.s32 $0x180;
	s2 =	simm.s32 $0x3400  }
0x33: {  	[tilespmem:s2], [sflag:$0x3] =	stream.indirect.gather [hbm4b:s5+s29], $0x20, s1, s29, $0xb8;
	[tilespmem:$0x11F00] =	vst v63  }
0x34: {  	_ =	swait.ge [sflag:s6], $0x200  }
0x35: {  	[sflag:s6] =	ssyncset.done $0x0  }
0x36: {  	s7 =	simm.s32 $0x4400;
	[sflag:s6] =	ssyncadd.s32 $0xFFFFFE00  }
0x37: {  	[tilespmem:s7], [sflag:$0x4] =	stream.indirect.gather [hbm4b:s5+s29], $0x20, s26, s29, $0xb8;
	[tilespmem:$0x11F00] =	vst v63  }
0x38: {  	s8 =	simm.s32 $0x280;
	s10 =	simm.s32 $0x5400  }
0x39: {  	[tilespmem:s10], [sflag:$0x4] =	stream.indirect.gather [hbm4b:s5+s29], $0x20, s8, s29, $0xb8;
	[tilespmem:$0x11F00] =	vst v63  }
0x3a: {  	_ = 	snop  }
0x3b: {  	[tilespmem:s21], [sflag:$0x4] =	stream.indirect.gather [hbm4b:s5+s29], $0x20, s17, s29, $0xb8;
	[tilespmem:$0x11F00] =	vst v63  }
0x3c: {  	_ = 	snop  }
0x3d: {  	[tilespmem:s25], [sflag:$0x4] =	stream.indirect.gather [hbm4b:s5+s29], $0x20, s20, s29, $0xb8;
	[tilespmem:$0x11F00] =	vst v63  }
0x3e: {  	_ =	swait.ge [sflag:s11], $0x4000  }
0x3f: {  	[sflag:s11] =	ssyncset.done $0x0;
	s24 =	rddreg [dreg:$0x6]  }
0x40: {  	s30 =	rddreg [dreg:$0x7];
	[sflag:s11] =	ssyncadd.s32 $0xFFFFC000  }
0x41: {  	[tilespmem:s3], [sflag:$0x1] =	stream.linear.gather [hbm4b:s24+s3], $0x200, $0x38;
	[tilespmem:$0x11F00] =	vst v63  }
0x42: {  	v15 =	vld [tilespmem:s30+$0x10600]  }
0x43: {  	s31 =	simm.s32 $0x0;
	v16 =	vld [tilespmem:s30+$0x10610]  }
0x44: {  	v2 =	vld [tilespmem:s31+$0x400]  }
0x45: {  	v3 =	vld [tilespmem:s31+$0x410];
	_ =	sdelay $0x1  }
0x46: {  	v1 =	vadd.s32 $0x2080, v0;
	_ =	sdelay $0x1  }
0x47: {  	v2 =	vadd.f32 v2, v15  }
0x48: {  	s0 =	simm.s32 $0x8400;
	v3 =	vadd.f32 v3, v16  }
0x49: {  	[tilespmem:v0+s0+$0x0] =	vst.idx.msk $0xffff, v2  }
0x4a: {  	[tilespmem:v1+s0+$0x0] =	vst.idx.msk $0xffff, v3  }
0x4b: {  	v4 =	vld [tilespmem:s31+$0x420]  }
0x4c: {  	v5 =	vld [tilespmem:s31+$0x430]  }
0x4d: {  	v2 =	vor.u32 $0x1, v0  }
0x4e: {  	v3 =	vadd.s32 $0x2081, v0;
	_ =	sdelay $0x1  }
0x4f: {  	v4 =	vadd.f32 v4, v15  }
0x50: {  	v5 =	vadd.f32 v5, v16  }
0x51: {  	[tilespmem:v2+s0+$0x0] =	vst.idx.msk $0xffff, v4  }
0x52: {  	[tilespmem:v3+s0+$0x0] =	vst.idx.msk $0xffff, v5  }
0x53: {  	v6 =	vld [tilespmem:s31+$0x440]  }
0x54: {  	v7 =	vld [tilespmem:s31+$0x450]  }
0x55: {  	v4 =	vor.u32 $0x2, v0  }
0x56: {  	v5 =	vadd.s32 $0x2082, v0;
	_ =	sdelay $0x1  }
0x57: {  	v6 =	vadd.f32 v6, v15  }
0x58: {  	v7 =	vadd.f32 v7, v16  }
0x59: {  	[tilespmem:v4+s0+$0x0] =	vst.idx.msk $0xffff, v6  }
0x5a: {  	[tilespmem:v5+s0+$0x0] =	vst.idx.msk $0xffff, v7  }
0x5b: {  	v8 =	vld [tilespmem:s31+$0x460]  }
0x5c: {  	v9 =	vld [tilespmem:s31+$0x470]  }
0x5d: {  	v6 =	vor.u32 $0x3, v0  }
0x5e: {  	v7 =	vadd.s32 $0x2083, v0;
	_ =	sdelay $0x1  }
0x5f: {  	v8 =	vadd.f32 v8, v15  }
0x60: {  	v9 =	vadd.f32 v9, v16  }
0x61: {  	[tilespmem:v6+s0+$0x0] =	vst.idx.msk $0xffff, v8  }
0x62: {  	[tilespmem:v7+s0+$0x0] =	vst.idx.msk $0xffff, v9  }
0x63: {  	v10 =	vld [tilespmem:s31+$0x480]  }
0x64: {  	v11 =	vld [tilespmem:s31+$0x490]  }
0x65: {  	v8 =	vor.u32 $0x4, v0  }
0x66: {  	v9 =	vadd.s32 $0x2084, v0;
	_ =	sdelay $0x1  }
0x67: {  	v10 =	vadd.f32 v10, v15  }
0x68: {  	v11 =	vadd.f32 v11, v16  }
0x69: {  	[tilespmem:v8+s0+$0x0] =	vst.idx.msk $0xffff, v10  }
0x6a: {  	[tilespmem:v9+s0+$0x0] =	vst.idx.msk $0xffff, v11  }
0x6b: {  	v12 =	vld [tilespmem:s31+$0x4A0]  }
0x6c: {  	v13 =	vld [tilespmem:s31+$0x4B0]  }
0x6d: {  	v10 =	vor.u32 $0x5, v0  }
0x6e: {  	v11 =	vadd.s32 $0x2085, v0;
	_ =	sdelay $0x1  }
0x6f: {  	v12 =	vadd.f32 v12, v15  }
0x70: {  	v13 =	vadd.f32 v13, v16  }
0x71: {  	[tilespmem:v10+s0+$0x0] =	vst.idx.msk $0xffff, v12  }
0x72: {  	[tilespmem:v11+s0+$0x0] =	vst.idx.msk $0xffff, v13  }
0x73: {  	v12 =	vld [tilespmem:s31+$0x4C0]  }
0x74: {  	v17 =	vld [tilespmem:s31+$0x4D0]  }
0x75: {  	v13 =	vor.u32 $0x6, v0  }
0x76: {  	v14 =	vadd.s32 $0x2086, v0;
	_ =	sdelay $0x1  }
0x77: {  	v12 =	vadd.f32 v12, v15  }
0x78: {  	v17 =	vadd.f32 v17, v16  }
0x79: {  	[tilespmem:v13+s0+$0x0] =	vst.idx.msk $0xffff, v12  }
0x7a: {  	[tilespmem:v14+s0+$0x0] =	vst.idx.msk $0xffff, v17  }
0x7b: {  	v17 =	vld [tilespmem:s31+$0x4E0];
	_ =	sdelay $0x3  }
0x7c: {  	v12 =	vor.u32 $0x7, v0;
	v19 =	vld [tilespmem:s31+$0x4F0]  }
0x7d: {  	v17 =	vadd.f32 v17, v15  }
0x7e: {  	v18 =	vadd.s32 $0x2087, v0;
	_ =	sdelay $0x2  }
0x7f: {  	s2 =	simm.s32 $0x400;
	s1 =	simm.s32 $0x800;
	v19 =	vadd.f32 v19, v16;
	[tilespmem:v12+s0+$0x0] =	vst.idx.msk $0xffff, v17;
	v17 =	vmov v0  }
.LBB2_2:
0x80: {  	p0 =	sne.s32 s1, $0xFC00  }
0x81: {  	s7 =	sshra.s32 s2, $0x2;
	[tilespmem:v18+s0+$0x0] =	vst.idx.msk $0xffff, v19;
	v17 =	vadd.s32 $0x8, v17;
	s2 =	smov.u32 s1;
	s1 =	sadd.s32 $0x400, s1  }
0x82: {  	v18 =	vld [tilespmem:s7+$0x400]  }
0x83: {  	v19 =	vld [tilespmem:s7+$0x410];
	_ =	sdelay $0x1  }
0x84: {  	v20 =	vadd.s32 $0x2080, v17;
	_ =	sdelay $0x1  }
0x85: {  	v18 =	vadd.f32 v18, v15  }
0x86: {  	v19 =	vadd.f32 v19, v16  }
0x87: {  	[tilespmem:v17+s0+$0x0] =	vst.idx.msk $0xffff, v18  }
0x88: {  	[tilespmem:v20+s0+$0x0] =	vst.idx.msk $0xffff, v19  }
0x89: {  	v18 =	vld [tilespmem:s7+$0x420]  }
0x8a: {  	v19 =	vld [tilespmem:s7+$0x430]  }
0x8b: {  	v20 =	vor.u32 $0x1, v17  }
0x8c: {  	v21 =	vadd.s32 $0x2081, v17;
	_ =	sdelay $0x1  }
0x8d: {  	v18 =	vadd.f32 v18, v15  }
0x8e: {  	v19 =	vadd.f32 v19, v16  }
0x8f: {  	[tilespmem:v20+s0+$0x0] =	vst.idx.msk $0xffff, v18  }
0x90: {  	[tilespmem:v21+s0+$0x0] =	vst.idx.msk $0xffff, v19  }
0x91: {  	v18 =	vld [tilespmem:s7+$0x440]  }
0x92: {  	v19 =	vld [tilespmem:s7+$0x450]  }
0x93: {  	v20 =	vor.u32 $0x2, v17  }
0x94: {  	v21 =	vadd.s32 $0x2082, v17;
	_ =	sdelay $0x1  }
0x95: {  	v18 =	vadd.f32 v18, v15  }
0x96: {  	v19 =	vadd.f32 v19, v16  }
0x97: {  	[tilespmem:v20+s0+$0x0] =	vst.idx.msk $0xffff, v18  }
0x98: {  	[tilespmem:v21+s0+$0x0] =	vst.idx.msk $0xffff, v19  }
0x99: {  	v18 =	vld [tilespmem:s7+$0x460]  }
0x9a: {  	v19 =	vld [tilespmem:s7+$0x470]  }
0x9b: {  	v20 =	vor.u32 $0x3, v17  }
0x9c: {  	v21 =	vadd.s32 $0x2083, v17;
	_ =	sdelay $0x1  }
0x9d: {  	v18 =	vadd.f32 v18, v15  }
0x9e: {  	v19 =	vadd.f32 v19, v16  }
0x9f: {  	[tilespmem:v20+s0+$0x0] =	vst.idx.msk $0xffff, v18  }
0xa0: {  	[tilespmem:v21+s0+$0x0] =	vst.idx.msk $0xffff, v19  }
0xa1: {  	v18 =	vld [tilespmem:s7+$0x480]  }
0xa2: {  	v19 =	vld [tilespmem:s7+$0x490]  }
0xa3: {  	v20 =	vor.u32 $0x4, v17  }
0xa4: {  	v21 =	vadd.s32 $0x2084, v17;
	_ =	sdelay $0x1  }
0xa5: {  	v18 =	vadd.f32 v18, v15  }
0xa6: {  	v19 =	vadd.f32 v19, v16  }
0xa7: {  	[tilespmem:v20+s0+$0x0] =	vst.idx.msk $0xffff, v18  }
0xa8: {  	[tilespmem:v21+s0+$0x0] =	vst.idx.msk $0xffff, v19  }
0xa9: {  	v18 =	vld [tilespmem:s7+$0x4A0]  }
0xaa: {  	v19 =	vld [tilespmem:s7+$0x4B0]  }
0xab: {  	v20 =	vor.u32 $0x5, v17  }
0xac: {  	v21 =	vadd.s32 $0x2085, v17;
	_ =	sdelay $0x1  }
0xad: {  	v18 =	vadd.f32 v18, v15  }
0xae: {  	v19 =	vadd.f32 v19, v16  }
0xaf: {  	[tilespmem:v20+s0+$0x0] =	vst.idx.msk $0xffff, v18  }
0xb0: {  	[tilespmem:v21+s0+$0x0] =	vst.idx.msk $0xffff, v19  }
0xb1: {  	v18 =	vld [tilespmem:s7+$0x4C0]  }
0xb2: {  	v19 =	vld [tilespmem:s7+$0x4D0]  }
0xb3: {  	v20 =	vor.u32 $0x6, v17  }
0xb4: {  	v21 =	vadd.s32 $0x2086, v17;
	_ =	sdelay $0x1  }
0xb5: {  	v18 =	vadd.f32 v18, v15  }
0xb6: {  	v19 =	vadd.f32 v19, v16  }
0xb7: {  	[tilespmem:v20+s0+$0x0] =	vst.idx.msk $0xffff, v18  }
0xb8: {  	[tilespmem:v21+s0+$0x0] =	vst.idx.msk $0xffff, v19  }
0xb9: {  	v19 =	vld [tilespmem:s7+$0x4E0]  }
0xba: {  	v20 =	vld [tilespmem:s7+$0x4F0]  }
0xbb: {  	v21 =	vor.u32 $0x7, v17  }
.Ltmp0:
0xbc: {  	v18 =	vadd.s32 $0x2087, v17;
	(pc) =	sbr.rel @p0 .LBB2_2-.Ltmp0, $4  }
0xbd: {  	_ = 	snop  }
0xbe: {  	v22 =	vadd.f32 v19, v15  }
0xbf: {  	v19 =	vadd.f32 v20, v16  }
0xc0: {  	[tilespmem:v21+s0+$0x0] =	vst.idx.msk $0xffff, v22  }
0xc1: {  	_ =	sdelay $0x3  }
0xc2: {  	s1 =	sshra.s32 s2, $0x2;
	[tilespmem:v18+s0+$0x0] =	vst.idx.msk $0xffff, v19  }
0xc3: {  	v18 =	vld [tilespmem:s1+$0x400]  }
0xc4: {  	v19 =	vld [tilespmem:s1+$0x410]  }
0xc5: {  	v17 =	vadd.s32 $0x8, v17  }
0xc6: {  	v20 =	vadd.s32 $0x2080, v17;
	_ =	sdelay $0x1  }
0xc7: {  	v18 =	vadd.f32 v18, v15  }
0xc8: {  	s0 =	simm.s32 $0x8400;
	v19 =	vadd.f32 v19, v16  }
0xc9: {  	[tilespmem:v17+s0+$0x0] =	vst.idx.msk $0xffff, v18  }
0xca: {  	[tilespmem:v20+s0+$0x0] =	vst.idx.msk $0xffff, v19  }
0xcb: {  	v18 =	vld [tilespmem:s1+$0x420]  }
0xcc: {  	v19 =	vld [tilespmem:s1+$0x430]  }
0xcd: {  	v51 =	vor.u32 $0x1, v17  }
0xce: {  	v21 =	vadd.s32 $0x2081, v17;
	_ =	sdelay $0x1  }
0xcf: {  	v18 =	vadd.f32 v18, v15  }
0xd0: {  	v19 =	vadd.f32 v19, v16  }
0xd1: {  	[tilespmem:v51+s0+$0x0] =	vst.idx.msk $0xffff, v18  }
0xd2: {  	[tilespmem:v21+s0+$0x0] =	vst.idx.msk $0xffff, v19  }
0xd3: {  	v18 =	vld [tilespmem:s1+$0x440]  }
0xd4: {  	v19 =	vld [tilespmem:s1+$0x450]  }
0xd5: {  	v52 =	vor.u32 $0x2, v17  }
0xd6: {  	v53 =	vadd.s32 $0x2082, v17;
	_ =	sdelay $0x1  }
0xd7: {  	v18 =	vadd.f32 v18, v15  }
0xd8: {  	v19 =	vadd.f32 v19, v16  }
0xd9: {  	[tilespmem:v52+s0+$0x0] =	vst.idx.msk $0xffff, v18  }
0xda: {  	[tilespmem:v53+s0+$0x0] =	vst.idx.msk $0xffff, v19  }
0xdb: {  	v18 =	vld [tilespmem:s1+$0x460]  }
0xdc: {  	v19 =	vld [tilespmem:s1+$0x470]  }
0xdd: {  	v54 =	vor.u32 $0x3, v17  }
0xde: {  	v55 =	vadd.s32 $0x2083, v17;
	_ =	sdelay $0x1  }
0xdf: {  	v18 =	vadd.f32 v18, v15  }
0xe0: {  	v19 =	vadd.f32 v19, v16  }
0xe1: {  	[tilespmem:v54+s0+$0x0] =	vst.idx.msk $0xffff, v18  }
0xe2: {  	[tilespmem:v55+s0+$0x0] =	vst.idx.msk $0xffff, v19  }
0xe3: {  	v18 =	vld [tilespmem:s1+$0x480]  }
0xe4: {  	v19 =	vld [tilespmem:s1+$0x490]  }
0xe5: {  	v56 =	vor.u32 $0x4, v17  }
0xe6: {  	v57 =	vadd.s32 $0x2084, v17;
	_ =	sdelay $0x1  }
0xe7: {  	v18 =	vadd.f32 v18, v15  }
0xe8: {  	v19 =	vadd.f32 v19, v16  }
0xe9: {  	[tilespmem:v56+s0+$0x0] =	vst.idx.msk $0xffff, v18  }
0xea: {  	[tilespmem:v57+s0+$0x0] =	vst.idx.msk $0xffff, v19  }
0xeb: {  	v18 =	vld [tilespmem:s1+$0x4A0]  }
0xec: {  	v19 =	vld [tilespmem:s1+$0x4B0]  }
0xed: {  	v58 =	vor.u32 $0x5, v17  }
0xee: {  	v59 =	vadd.s32 $0x2085, v17;
	_ =	sdelay $0x1  }
0xef: {  	v18 =	vadd.f32 v18, v15  }
0xf0: {  	v19 =	vadd.f32 v19, v16  }
0xf1: {  	[tilespmem:v58+s0+$0x0] =	vst.idx.msk $0xffff, v18  }
0xf2: {  	[tilespmem:v59+s0+$0x0] =	vst.idx.msk $0xffff, v19  }
0xf3: {  	v18 =	vld [tilespmem:s1+$0x4C0]  }
0xf4: {  	v19 =	vld [tilespmem:s1+$0x4D0]  }
0xf5: {  	v60 =	vor.u32 $0x6, v17  }
0xf6: {  	v61 =	vadd.s32 $0x2086, v17;
	_ =	sdelay $0x1  }
0xf7: {  	v18 =	vadd.f32 v18, v15  }
0xf8: {  	v19 =	vadd.f32 v19, v16  }
0xf9: {  	[tilespmem:v60+s0+$0x0] =	vst.idx.msk $0xffff, v18  }
0xfa: {  	[tilespmem:v61+s0+$0x0] =	vst.idx.msk $0xffff, v19  }
0xfb: {  	v18 =	vld [tilespmem:s1+$0x4E0]  }
0xfc: {  	v19 =	vld [tilespmem:s1+$0x4F0]  }
0xfd: {  	v62 =	vor.u32 $0x7, v17  }
0xfe: {  	v17 =	vadd.s32 $0x2087, v17;
	_ =	sdelay $0x1  }
0xff: {  	v15 =	vadd.f32 v18, v15  }
0x100: {  	v63 =	vadd.f32 v19, v16  }
0x101: {  	[tilespmem:v62+s0+$0x0] =	vst.idx.msk $0xffff, v15  }
0x102: {  	s7 =	sadd.s32 $0x0, s18;
	s2 =	simm.s32 $0x8608;
	s1 =	simm.s32 $0x200;
	[tilespmem:v17+s0+$0x0] =	vst.idx.msk $0xffff, v63  }
.LBB2_4:
0x103: {  	[hbm4b:s7+s3] =	stream.linear.scatter [tilespmem:s0], [sflag:$0x5], $0x200, $0x38;
	[tilespmem:$0x11F00] =	vst v63  }
0x104: {  	s7 =	smov.u32 s1;
	s0 =	smov.u32 s2;
	p0 =	sne.s32 s1, $0x3E00  }
.Ltmp1:
0x105: {  	s1 =	sadd.s32 $0x200, s1;
	(pc) =	sbr.rel @p0 .LBB2_4-.Ltmp1, $2  }
0x106: {  	_ =	sdelay $0x2  }
0x107: {  	s2 =	sadd.s32 $0x208, s2;
	s7 =	sadd.s32 s7, s18  }
0x108: {  	[hbm4b:s7+s3] =	stream.linear.scatter [tilespmem:s0], [sflag:$0x5], $0x200, $0x38;
	[tilespmem:$0x11F00] =	vst v63  }
0x109: {  	_ =	swait.ge [sflag:s28], $0x200  }
0x10a: {  	[sflag:s28] =	ssyncset.done $0x0  }
0x10b: {  	s0 =	simm.s32 $0x0;
	s1 =	simm.s32 $0x400;
	[sflag:s28] =	ssyncadd.s32 $0xFFFFFE00  }
0x10c: {  	[tilespmem:s1], [sflag:$0x3] =	stream.indirect.gather [hbm4b:s5+s29], $0x20, s0, s29, $0xb8;
	[tilespmem:$0x11F00] =	vst v63  }
0x10d: {  	s2 =	simm.s32 $0x1400  }
0x10e: {  	[tilespmem:s2], [sflag:$0x3] =	stream.indirect.gather [hbm4b:s5+s29], $0x20, s29, s29, $0xb8;
	[tilespmem:$0x11F00] =	vst v63  }
0x10f: {  	s7 =	simm.s32 $0x100;
	s2 =	simm.s32 $0x2400  }
0x110: {  	[tilespmem:s2], [sflag:$0x3] =	stream.indirect.gather [hbm4b:s5+s29], $0x20, s7, s29, $0xb8;
	[tilespmem:$0x11F00] =	vst v63  }
0x111: {  	s8 =	simm.s32 $0x180;
	s10 =	simm.s32 $0x3400  }
0x112: {  	[tilespmem:s10], [sflag:$0x3] =	stream.indirect.gather [hbm4b:s5+s29], $0x20, s8, s29, $0xb8;
	[tilespmem:$0x11F00] =	vst v63  }
0x113: {  	_ =	swait.ge [sflag:s15], $0x4000  }
0x114: {  	[sflag:s15] =	ssyncset.done $0x0;
	s24 =	rddreg [dreg:$0x8]  }
0x115: {  	s30 =	rddreg [dreg:$0x9];
	[sflag:s15] =	ssyncadd.s32 $0xFFFFC000  }
0x116: {  	[tilespmem:s26], [sflag:$0x2] =	stream.linear.gather [hbm4b:s24+s0], $0x200, $0x38;
	[tilespmem:$0x11F00] =	vst v63  }
0x117: {  	v15 =	vld [tilespmem:s30+$0x10600]  }
0x118: {  	s31 =	simm.s32 $0x0;
	v16 =	vld [tilespmem:s30+$0x10610]  }
0x119: {  	v17 =	vld [tilespmem:s31+$0x4400]  }
0x11a: {  	v18 =	vld [tilespmem:s31+$0x4410];
	_ =	sdelay $0x3  }
0x11b: {  	v17 =	vadd.f32 v17, v15  }
0x11c: {  	s1 =	simm.s32 $0xC500;
	v18 =	vadd.f32 v18, v16  }
0x11d: {  	[tilespmem:v0+s1+$0x0] =	vst.idx.msk $0xffff, v17  }
0x11e: {  	[tilespmem:v1+s1+$0x0] =	vst.idx.msk $0xffff, v18  }
0x11f: {  	v17 =	vld [tilespmem:s31+$0x4420]  }
0x120: {  	v18 =	vld [tilespmem:s31+$0x4430];
	_ =	sdelay $0x3  }
0x121: {  	v17 =	vadd.f32 v17, v15  }
0x122: {  	v18 =	vadd.f32 v18, v16  }
0x123: {  	[tilespmem:v2+s1+$0x0] =	vst.idx.msk $0xffff, v17  }
0x124: {  	[tilespmem:v3+s1+$0x0] =	vst.idx.msk $0xffff, v18  }
0x125: {  	v17 =	vld [tilespmem:s31+$0x4440]  }
0x126: {  	v18 =	vld [tilespmem:s31+$0x4450];
	_ =	sdelay $0x3  }
0x127: {  	v17 =	vadd.f32 v17, v15  }
0x128: {  	v18 =	vadd.f32 v18, v16  }
0x129: {  	[tilespmem:v4+s1+$0x0] =	vst.idx.msk $0xffff, v17  }
0x12a: {  	[tilespmem:v5+s1+$0x0] =	vst.idx.msk $0xffff, v18  }
0x12b: {  	v17 =	vld [tilespmem:s31+$0x4460]  }
0x12c: {  	v18 =	vld [tilespmem:s31+$0x4470];
	_ =	sdelay $0x3  }
0x12d: {  	v17 =	vadd.f32 v17, v15  }
0x12e: {  	v18 =	vadd.f32 v18, v16  }
0x12f: {  	[tilespmem:v6+s1+$0x0] =	vst.idx.msk $0xffff, v17  }
0x130: {  	[tilespmem:v7+s1+$0x0] =	vst.idx.msk $0xffff, v18  }
0x131: {  	v17 =	vld [tilespmem:s31+$0x4480]  }
0x132: {  	v18 =	vld [tilespmem:s31+$0x4490];
	_ =	sdelay $0x3  }
0x133: {  	v17 =	vadd.f32 v17, v15  }
0x134: {  	v18 =	vadd.f32 v18, v16  }
0x135: {  	[tilespmem:v8+s1+$0x0] =	vst.idx.msk $0xffff, v17  }
0x136: {  	[tilespmem:v9+s1+$0x0] =	vst.idx.msk $0xffff, v18  }
0x137: {  	v17 =	vld [tilespmem:s31+$0x44A0]  }
0x138: {  	v18 =	vld [tilespmem:s31+$0x44B0];
	_ =	sdelay $0x3  }
0x139: {  	v17 =	vadd.f32 v17, v15  }
0x13a: {  	v18 =	vadd.f32 v18, v16  }
0x13b: {  	[tilespmem:v10+s1+$0x0] =	vst.idx.msk $0xffff, v17  }
0x13c: {  	[tilespmem:v11+s1+$0x0] =	vst.idx.msk $0xffff, v18  }
0x13d: {  	v17 =	vld [tilespmem:s31+$0x44C0]  }
0x13e: {  	v18 =	vld [tilespmem:s31+$0x44D0];
	_ =	sdelay $0x3  }
0x13f: {  	v17 =	vadd.f32 v17, v15  }
0x140: {  	v18 =	vadd.f32 v18, v16  }
0x141: {  	[tilespmem:v13+s1+$0x0] =	vst.idx.msk $0xffff, v17  }
0x142: {  	[tilespmem:v14+s1+$0x0] =	vst.idx.msk $0xffff, v18  }
0x143: {  	v17 =	vld [tilespmem:s31+$0x44E0];
	_ =	sdelay $0x3  }
0x144: {  	v19 =	vld [tilespmem:s31+$0x44F0]  }
0x145: {  	v17 =	vadd.f32 v17, v15  }
0x146: {  	v18 =	vadd.s32 $0x2087, v0;
	_ =	sdelay $0x2  }
0x147: {  	s7 =	simm.s32 $0x400;
	s2 =	simm.s32 $0x800;
	v19 =	vadd.f32 v19, v16;
	[tilespmem:v12+s1+$0x0] =	vst.idx.msk $0xffff, v17;
	v17 =	vmov v0  }
.LBB2_6:
0x148: {  	p0 =	sne.s32 s2, $0xFC00  }
0x149: {  	s8 =	sshra.s32 s7, $0x2;
	[tilespmem:v18+s1+$0x0] =	vst.idx.msk $0xffff, v19;
	v17 =	vadd.s32 $0x8, v17;
	s7 =	smov.u32 s2;
	s2 =	sadd.s32 $0x400, s2  }
0x14a: {  	v18 =	vld [tilespmem:s8+$0x4400]  }
0x14b: {  	v19 =	vld [tilespmem:s8+$0x4410];
	_ =	sdelay $0x1  }
0x14c: {  	v20 =	vadd.s32 $0x2080, v17;
	_ =	sdelay $0x1  }
0x14d: {  	v18 =	vadd.f32 v18, v15  }
0x14e: {  	v19 =	vadd.f32 v19, v16  }
0x14f: {  	[tilespmem:v17+s1+$0x0] =	vst.idx.msk $0xffff, v18  }
0x150: {  	[tilespmem:v20+s1+$0x0] =	vst.idx.msk $0xffff, v19  }
0x151: {  	v18 =	vld [tilespmem:s8+$0x4420]  }
0x152: {  	v19 =	vld [tilespmem:s8+$0x4430]  }
0x153: {  	v20 =	vor.u32 $0x1, v17  }
0x154: {  	v21 =	vadd.s32 $0x2081, v17;
	_ =	sdelay $0x1  }
0x155: {  	v18 =	vadd.f32 v18, v15  }
0x156: {  	v19 =	vadd.f32 v19, v16  }
0x157: {  	[tilespmem:v20+s1+$0x0] =	vst.idx.msk $0xffff, v18  }
0x158: {  	[tilespmem:v21+s1+$0x0] =	vst.idx.msk $0xffff, v19  }
0x159: {  	v18 =	vld [tilespmem:s8+$0x4440]  }
0x15a: {  	v19 =	vld [tilespmem:s8+$0x4450]  }
0x15b: {  	v20 =	vor.u32 $0x2, v17  }
0x15c: {  	v21 =	vadd.s32 $0x2082, v17;
	_ =	sdelay $0x1  }
0x15d: {  	v18 =	vadd.f32 v18, v15  }
0x15e: {  	v19 =	vadd.f32 v19, v16  }
0x15f: {  	[tilespmem:v20+s1+$0x0] =	vst.idx.msk $0xffff, v18  }
0x160: {  	[tilespmem:v21+s1+$0x0] =	vst.idx.msk $0xffff, v19  }
0x161: {  	v18 =	vld [tilespmem:s8+$0x4460]  }
0x162: {  	v19 =	vld [tilespmem:s8+$0x4470]  }
0x163: {  	v20 =	vor.u32 $0x3, v17  }
0x164: {  	v21 =	vadd.s32 $0x2083, v17;
	_ =	sdelay $0x1  }
0x165: {  	v18 =	vadd.f32 v18, v15  }
0x166: {  	v19 =	vadd.f32 v19, v16  }
0x167: {  	[tilespmem:v20+s1+$0x0] =	vst.idx.msk $0xffff, v18  }
0x168: {  	[tilespmem:v21+s1+$0x0] =	vst.idx.msk $0xffff, v19  }
0x169: {  	v18 =	vld [tilespmem:s8+$0x4480]  }
0x16a: {  	v19 =	vld [tilespmem:s8+$0x4490]  }
0x16b: {  	v20 =	vor.u32 $0x4, v17  }
0x16c: {  	v21 =	vadd.s32 $0x2084, v17;
	_ =	sdelay $0x1  }
0x16d: {  	v18 =	vadd.f32 v18, v15  }
0x16e: {  	v19 =	vadd.f32 v19, v16  }
0x16f: {  	[tilespmem:v20+s1+$0x0] =	vst.idx.msk $0xffff, v18  }
0x170: {  	[tilespmem:v21+s1+$0x0] =	vst.idx.msk $0xffff, v19  }
0x171: {  	v18 =	vld [tilespmem:s8+$0x44A0]  }
0x172: {  	v19 =	vld [tilespmem:s8+$0x44B0]  }
0x173: {  	v20 =	vor.u32 $0x5, v17  }
0x174: {  	v21 =	vadd.s32 $0x2085, v17;
	_ =	sdelay $0x1  }
0x175: {  	v18 =	vadd.f32 v18, v15  }
0x176: {  	v19 =	vadd.f32 v19, v16  }
0x177: {  	[tilespmem:v20+s1+$0x0] =	vst.idx.msk $0xffff, v18  }
0x178: {  	[tilespmem:v21+s1+$0x0] =	vst.idx.msk $0xffff, v19  }
0x179: {  	v18 =	vld [tilespmem:s8+$0x44C0]  }
0x17a: {  	v19 =	vld [tilespmem:s8+$0x44D0]  }
0x17b: {  	v20 =	vor.u32 $0x6, v17  }
0x17c: {  	v21 =	vadd.s32 $0x2086, v17;
	_ =	sdelay $0x1  }
0x17d: {  	v18 =	vadd.f32 v18, v15  }
0x17e: {  	v19 =	vadd.f32 v19, v16  }
0x17f: {  	[tilespmem:v20+s1+$0x0] =	vst.idx.msk $0xffff, v18  }
0x180: {  	[tilespmem:v21+s1+$0x0] =	vst.idx.msk $0xffff, v19  }
0x181: {  	v19 =	vld [tilespmem:s8+$0x44E0]  }
0x182: {  	v20 =	vld [tilespmem:s8+$0x44F0]  }
0x183: {  	v21 =	vor.u32 $0x7, v17  }
.Ltmp2:
0x184: {  	v18 =	vadd.s32 $0x2087, v17;
	(pc) =	sbr.rel @p0 .LBB2_6-.Ltmp2, $4  }
0x185: {  	_ = 	snop  }
0x186: {  	v22 =	vadd.f32 v19, v15  }
0x187: {  	v19 =	vadd.f32 v20, v16  }
0x188: {  	[tilespmem:v21+s1+$0x0] =	vst.idx.msk $0xffff, v22  }
0x189: {  	_ =	sdelay $0x3  }
0x18a: {  	s2 =	sshra.s32 s7, $0x2;
	[tilespmem:v18+s1+$0x0] =	vst.idx.msk $0xffff, v19  }
0x18b: {  	v18 =	vld [tilespmem:s2+$0x4400]  }
0x18c: {  	v19 =	vld [tilespmem:s2+$0x4410]  }
0x18d: {  	v17 =	vadd.s32 $0x8, v17  }
0x18e: {  	v20 =	vadd.s32 $0x2080, v17;
	_ =	sdelay $0x1  }
0x18f: {  	v18 =	vadd.f32 v18, v15  }
0x190: {  	s1 =	simm.s32 $0xC500;
	v19 =	vadd.f32 v19, v16  }
0x191: {  	[tilespmem:v17+s1+$0x0] =	vst.idx.msk $0xffff, v18  }
0x192: {  	[tilespmem:v20+s1+$0x0] =	vst.idx.msk $0xffff, v19  }
0x193: {  	v18 =	vld [tilespmem:s2+$0x4420]  }
0x194: {  	v19 =	vld [tilespmem:s2+$0x4430]  }
0x195: {  	v51 =	vor.u32 $0x1, v17  }
0x196: {  	v21 =	vadd.s32 $0x2081, v17;
	_ =	sdelay $0x1  }
0x197: {  	v18 =	vadd.f32 v18, v15  }
0x198: {  	v19 =	vadd.f32 v19, v16  }
0x199: {  	[tilespmem:v51+s1+$0x0] =	vst.idx.msk $0xffff, v18  }
0x19a: {  	[tilespmem:v21+s1+$0x0] =	vst.idx.msk $0xffff, v19  }
0x19b: {  	v18 =	vld [tilespmem:s2+$0x4440]  }
0x19c: {  	v19 =	vld [tilespmem:s2+$0x4450]  }
0x19d: {  	v52 =	vor.u32 $0x2, v17  }
0x19e: {  	v53 =	vadd.s32 $0x2082, v17;
	_ =	sdelay $0x1  }
0x19f: {  	v18 =	vadd.f32 v18, v15  }
0x1a0: {  	v19 =	vadd.f32 v19, v16  }
0x1a1: {  	[tilespmem:v52+s1+$0x0] =	vst.idx.msk $0xffff, v18  }
0x1a2: {  	[tilespmem:v53+s1+$0x0] =	vst.idx.msk $0xffff, v19  }
0x1a3: {  	v18 =	vld [tilespmem:s2+$0x4460]  }
0x1a4: {  	v19 =	vld [tilespmem:s2+$0x4470]  }
0x1a5: {  	v54 =	vor.u32 $0x3, v17  }
0x1a6: {  	v55 =	vadd.s32 $0x2083, v17;
	_ =	sdelay $0x1  }
0x1a7: {  	v18 =	vadd.f32 v18, v15  }
0x1a8: {  	v19 =	vadd.f32 v19, v16  }
0x1a9: {  	[tilespmem:v54+s1+$0x0] =	vst.idx.msk $0xffff, v18  }
0x1aa: {  	[tilespmem:v55+s1+$0x0] =	vst.idx.msk $0xffff, v19  }
0x1ab: {  	v18 =	vld [tilespmem:s2+$0x4480]  }
0x1ac: {  	v19 =	vld [tilespmem:s2+$0x4490]  }
0x1ad: {  	v56 =	vor.u32 $0x4, v17  }
0x1ae: {  	v57 =	vadd.s32 $0x2084, v17;
	_ =	sdelay $0x1  }
0x1af: {  	v18 =	vadd.f32 v18, v15  }
0x1b0: {  	v19 =	vadd.f32 v19, v16  }
0x1b1: {  	[tilespmem:v56+s1+$0x0] =	vst.idx.msk $0xffff, v18  }
0x1b2: {  	[tilespmem:v57+s1+$0x0] =	vst.idx.msk $0xffff, v19  }
0x1b3: {  	v18 =	vld [tilespmem:s2+$0x44A0]  }
0x1b4: {  	v19 =	vld [tilespmem:s2+$0x44B0]  }
0x1b5: {  	v58 =	vor.u32 $0x5, v17  }
0x1b6: {  	v59 =	vadd.s32 $0x2085, v17;
	_ =	sdelay $0x1  }
0x1b7: {  	v18 =	vadd.f32 v18, v15  }
0x1b8: {  	v19 =	vadd.f32 v19, v16  }
0x1b9: {  	[tilespmem:v58+s1+$0x0] =	vst.idx.msk $0xffff, v18  }
0x1ba: {  	[tilespmem:v59+s1+$0x0] =	vst.idx.msk $0xffff, v19  }
0x1bb: {  	v18 =	vld [tilespmem:s2+$0x44C0]  }
0x1bc: {  	v19 =	vld [tilespmem:s2+$0x44D0]  }
0x1bd: {  	v60 =	vor.u32 $0x6, v17  }
0x1be: {  	v61 =	vadd.s32 $0x2086, v17;
	_ =	sdelay $0x1  }
0x1bf: {  	v18 =	vadd.f32 v18, v15  }
0x1c0: {  	v19 =	vadd.f32 v19, v16  }
0x1c1: {  	[tilespmem:v60+s1+$0x0] =	vst.idx.msk $0xffff, v18  }
0x1c2: {  	[tilespmem:v61+s1+$0x0] =	vst.idx.msk $0xffff, v19  }
0x1c3: {  	v18 =	vld [tilespmem:s2+$0x44E0]  }
0x1c4: {  	v19 =	vld [tilespmem:s2+$0x44F0]  }
0x1c5: {  	v62 =	vor.u32 $0x7, v17  }
0x1c6: {  	v17 =	vadd.s32 $0x2087, v17;
	_ =	sdelay $0x1  }
0x1c7: {  	v15 =	vadd.f32 v18, v15  }
0x1c8: {  	v63 =	vadd.f32 v19, v16  }
0x1c9: {  	[tilespmem:v62+s1+$0x0] =	vst.idx.msk $0xffff, v15  }
0x1ca: {  	[tilespmem:v17+s1+$0x0] =	vst.idx.msk $0xffff, v63  }
.LBB2_8:
0x1cb: {  	p0 =	sne.s32 s0, $0x3E00  }
.Ltmp3:
0x1cc: {  	_ = 	snop;
	(pc) =	sbr.rel @p0 .LBB2_8-.Ltmp3, $4  }
0x1cd: {  	_ = 	snop  }
0x1ce: {  	s2 =	sadd.s32 s0, s19  }
0x1cf: {  	[hbm4b:s2+s3] =	stream.linear.scatter [tilespmem:s1], [sflag:$0x6], $0x200, $0x38;
	[tilespmem:$0x11F00] =	vst v63  }
0x1d0: {  	s0 =	sadd.s32 $0x200, s0;
	s1 =	sadd.s32 $0x208, s1  }
0x1d1: {  	s31 =	rddreg [dreg:$0xe]  }
0x1d2: {  	s30 =	simm.s32 $0x1;
	s0 =	rddreg [dreg:$0xd]  }
.LBB2_10:
0x1d3: {  	_ =	swait.ge [sflag:s6], $0x200  }
0x1d4: {  	[sflag:s6] =	ssyncset.done $0x0  }
0x1d5: {  	s1 =	simm.s32 $0x4400;
	[sflag:s6] =	ssyncadd.s32 $0xFFFFFE00  }
0x1d6: {  	[tilespmem:s1], [sflag:$0x4] =	stream.indirect.gather [hbm4b:s5+s29], $0x20, s26, s29, $0xb8;
	[tilespmem:$0x11F00] =	vst v63  }
0x1d7: {  	s24 =	simm.s32 $0x280;
	s2 =	simm.s32 $0x5400  }
0x1d8: {  	[tilespmem:s2], [sflag:$0x4] =	stream.indirect.gather [hbm4b:s5+s29], $0x20, s24, s29, $0xb8;
	[tilespmem:$0x11F00] =	vst v63  }
0x1d9: {  	s1 =	sshll.u32 s30, $0x6  }
0x1da: {  	[tilespmem:s21], [sflag:$0x4] =	stream.indirect.gather [hbm4b:s5+s29], $0x20, s17, s29, $0xb8;
	[tilespmem:$0x11F00] =	vst v63  }
0x1db: {  	s7 =	sadd.s32 s12, s1  }
0x1dc: {  	[tilespmem:s25], [sflag:$0x4] =	stream.indirect.gather [hbm4b:s5+s29], $0x20, s20, s29, $0xb8;
	[tilespmem:$0x11F00] =	vst v63  }
0x1dd: {  	s2 =	sshll.u32 s7, $0x6;
	_ =	swait.ge [sflag:s11], $0x4000  }
0x1de: {  	s2 =	sand.u32 $0x3F600, s2;
	[sflag:s11] =	ssyncset.done $0x0  }
0x1df: {  	s7 =	simm.s32 $0x0;
	s2 =	sadd.s32 s2, s14;
	[sflag:s11] =	ssyncadd.s32 $0xFFFFC000  }
0x1e0: {  	[tilespmem:s7], [sflag:$0x1] =	stream.linear.gather [hbm4b:s2+s7], $0x200, $0x38;
	[tilespmem:$0x11F00] =	vst v63  }
0x1e1: {  	s2 =	sor.u32 s4, s1;
	_ =	swait.ge [sflag:s16], $0x4000  }
0x1e2: {  	s8 =	sshll.u32 s2, $0x2;
	[sflag:s16] =	ssyncset.done $0x0  }
0x1e3: {  	s7 =	sand.u32 $0x3FFFFF60, s8;
	[sflag:s16] =	ssyncadd.s32 $0xFFFFC000  }
0x1e4: {  	v15 =	vld [tilespmem:s7+$0x10600]  }
0x1e5: {  	s10 =	simm.s32 $0x0;
	v16 =	vld [tilespmem:s7+$0x10610]  }
0x1e6: {  	v17 =	vld [tilespmem:s10+$0x400]  }
0x1e7: {  	v18 =	vld [tilespmem:s10+$0x410];
	_ =	sdelay $0x3  }
0x1e8: {  	v17 =	vadd.f32 v17, v15  }
0x1e9: {  	s24 =	simm.s32 $0x8400;
	v18 =	vadd.f32 v18, v16  }
0x1ea: {  	[tilespmem:v0+s24+$0x0] =	vst.idx.msk $0xffff, v17  }
0x1eb: {  	[tilespmem:v1+s24+$0x0] =	vst.idx.msk $0xffff, v18  }
0x1ec: {  	v17 =	vld [tilespmem:s10+$0x420]  }
0x1ed: {  	v18 =	vld [tilespmem:s10+$0x430];
	_ =	sdelay $0x3  }
0x1ee: {  	v17 =	vadd.f32 v17, v15  }
0x1ef: {  	v18 =	vadd.f32 v18, v16  }
0x1f0: {  	[tilespmem:v2+s24+$0x0] =	vst.idx.msk $0xffff, v17  }
0x1f1: {  	[tilespmem:v3+s24+$0x0] =	vst.idx.msk $0xffff, v18  }
0x1f2: {  	v17 =	vld [tilespmem:s10+$0x440]  }
0x1f3: {  	v18 =	vld [tilespmem:s10+$0x450];
	_ =	sdelay $0x3  }
0x1f4: {  	v17 =	vadd.f32 v17, v15  }
0x1f5: {  	v18 =	vadd.f32 v18, v16  }
0x1f6: {  	[tilespmem:v4+s24+$0x0] =	vst.idx.msk $0xffff, v17  }
0x1f7: {  	[tilespmem:v5+s24+$0x0] =	vst.idx.msk $0xffff, v18  }
0x1f8: {  	v17 =	vld [tilespmem:s10+$0x460]  }
0x1f9: {  	v18 =	vld [tilespmem:s10+$0x470];
	_ =	sdelay $0x3  }
0x1fa: {  	v17 =	vadd.f32 v17, v15  }
0x1fb: {  	v18 =	vadd.f32 v18, v16  }
0x1fc: {  	[tilespmem:v6+s24+$0x0] =	vst.idx.msk $0xffff, v17  }
0x1fd: {  	[tilespmem:v7+s24+$0x0] =	vst.idx.msk $0xffff, v18  }
0x1fe: {  	v17 =	vld [tilespmem:s10+$0x480]  }
0x1ff: {  	v18 =	vld [tilespmem:s10+$0x490];
	_ =	sdelay $0x3  }
0x200: {  	v17 =	vadd.f32 v17, v15  }
0x201: {  	v18 =	vadd.f32 v18, v16  }
0x202: {  	[tilespmem:v8+s24+$0x0] =	vst.idx.msk $0xffff, v17  }
0x203: {  	[tilespmem:v9+s24+$0x0] =	vst.idx.msk $0xffff, v18  }
0x204: {  	v17 =	vld [tilespmem:s10+$0x4A0]  }
0x205: {  	v18 =	vld [tilespmem:s10+$0x4B0];
	_ =	sdelay $0x3  }
0x206: {  	v17 =	vadd.f32 v17, v15  }
0x207: {  	v18 =	vadd.f32 v18, v16  }
0x208: {  	[tilespmem:v10+s24+$0x0] =	vst.idx.msk $0xffff, v17  }
0x209: {  	[tilespmem:v11+s24+$0x0] =	vst.idx.msk $0xffff, v18  }
0x20a: {  	v17 =	vld [tilespmem:s10+$0x4C0]  }
0x20b: {  	v18 =	vld [tilespmem:s10+$0x4D0];
	_ =	sdelay $0x3  }
0x20c: {  	v17 =	vadd.f32 v17, v15  }
0x20d: {  	v18 =	vadd.f32 v18, v16  }
0x20e: {  	[tilespmem:v13+s24+$0x0] =	vst.idx.msk $0xffff, v17  }
0x20f: {  	[tilespmem:v14+s24+$0x0] =	vst.idx.msk $0xffff, v18  }
0x210: {  	v17 =	vld [tilespmem:s10+$0x4E0];
	_ =	sdelay $0x3  }
0x211: {  	v19 =	vld [tilespmem:s10+$0x4F0]  }
0x212: {  	v17 =	vadd.f32 v17, v15  }
0x213: {  	v18 =	vadd.s32 $0x2087, v0;
	_ =	sdelay $0x2  }
0x214: {  	s2 =	sshrl.u32 s2, $0x3;
	s8 =	simm.s32 $0x400;
	s7 =	simm.s32 $0x800;
	v19 =	vadd.f32 v19, v16;
	[tilespmem:v12+s24+$0x0] =	vst.idx.msk $0xffff, v17;
	v17 =	vmov v0  }
.LBB2_11:
0x215: {  	p0 =	sne.s32 s7, $0xFC00  }
0x216: {  	s10 =	sshra.s32 s8, $0x2;
	[tilespmem:v18+s24+$0x0] =	vst.idx.msk $0xffff, v19;
	v17 =	vadd.s32 $0x8, v17;
	s8 =	smov.u32 s7;
	s7 =	sadd.s32 $0x400, s7  }
0x217: {  	v18 =	vld [tilespmem:s10+$0x400]  }
0x218: {  	v19 =	vld [tilespmem:s10+$0x410];
	_ =	sdelay $0x1  }
0x219: {  	v20 =	vadd.s32 $0x2080, v17;
	_ =	sdelay $0x1  }
0x21a: {  	v18 =	vadd.f32 v18, v15  }
0x21b: {  	v19 =	vadd.f32 v19, v16  }
0x21c: {  	[tilespmem:v17+s24+$0x0] =	vst.idx.msk $0xffff, v18  }
0x21d: {  	[tilespmem:v20+s24+$0x0] =	vst.idx.msk $0xffff, v19  }
0x21e: {  	v18 =	vld [tilespmem:s10+$0x420]  }
0x21f: {  	v19 =	vld [tilespmem:s10+$0x430]  }
0x220: {  	v20 =	vor.u32 $0x1, v17  }
0x221: {  	v21 =	vadd.s32 $0x2081, v17;
	_ =	sdelay $0x1  }
0x222: {  	v18 =	vadd.f32 v18, v15  }
0x223: {  	v19 =	vadd.f32 v19, v16  }
0x224: {  	[tilespmem:v20+s24+$0x0] =	vst.idx.msk $0xffff, v18  }
0x225: {  	[tilespmem:v21+s24+$0x0] =	vst.idx.msk $0xffff, v19  }
0x226: {  	v18 =	vld [tilespmem:s10+$0x440]  }
0x227: {  	v19 =	vld [tilespmem:s10+$0x450]  }
0x228: {  	v20 =	vor.u32 $0x2, v17  }
0x229: {  	v21 =	vadd.s32 $0x2082, v17;
	_ =	sdelay $0x1  }
0x22a: {  	v18 =	vadd.f32 v18, v15  }
0x22b: {  	v19 =	vadd.f32 v19, v16  }
0x22c: {  	[tilespmem:v20+s24+$0x0] =	vst.idx.msk $0xffff, v18  }
0x22d: {  	[tilespmem:v21+s24+$0x0] =	vst.idx.msk $0xffff, v19  }
0x22e: {  	v18 =	vld [tilespmem:s10+$0x460]  }
0x22f: {  	v19 =	vld [tilespmem:s10+$0x470]  }
0x230: {  	v20 =	vor.u32 $0x3, v17  }
0x231: {  	v21 =	vadd.s32 $0x2083, v17;
	_ =	sdelay $0x1  }
0x232: {  	v18 =	vadd.f32 v18, v15  }
0x233: {  	v19 =	vadd.f32 v19, v16  }
0x234: {  	[tilespmem:v20+s24+$0x0] =	vst.idx.msk $0xffff, v18  }
0x235: {  	[tilespmem:v21+s24+$0x0] =	vst.idx.msk $0xffff, v19  }
0x236: {  	v18 =	vld [tilespmem:s10+$0x480]  }
0x237: {  	v19 =	vld [tilespmem:s10+$0x490]  }
0x238: {  	v20 =	vor.u32 $0x4, v17  }
0x239: {  	v21 =	vadd.s32 $0x2084, v17;
	_ =	sdelay $0x1  }
0x23a: {  	v18 =	vadd.f32 v18, v15  }
0x23b: {  	v19 =	vadd.f32 v19, v16  }
0x23c: {  	[tilespmem:v20+s24+$0x0] =	vst.idx.msk $0xffff, v18  }
0x23d: {  	[tilespmem:v21+s24+$0x0] =	vst.idx.msk $0xffff, v19  }
0x23e: {  	v18 =	vld [tilespmem:s10+$0x4A0]  }
0x23f: {  	v19 =	vld [tilespmem:s10+$0x4B0]  }
0x240: {  	v20 =	vor.u32 $0x5, v17  }
0x241: {  	v21 =	vadd.s32 $0x2085, v17;
	_ =	sdelay $0x1  }
0x242: {  	v18 =	vadd.f32 v18, v15  }
0x243: {  	v19 =	vadd.f32 v19, v16  }
0x244: {  	[tilespmem:v20+s24+$0x0] =	vst.idx.msk $0xffff, v18  }
0x245: {  	[tilespmem:v21+s24+$0x0] =	vst.idx.msk $0xffff, v19  }
0x246: {  	v18 =	vld [tilespmem:s10+$0x4C0]  }
0x247: {  	v19 =	vld [tilespmem:s10+$0x4D0]  }
0x248: {  	v20 =	vor.u32 $0x6, v17  }
0x249: {  	v21 =	vadd.s32 $0x2086, v17;
	_ =	sdelay $0x1  }
0x24a: {  	v18 =	vadd.f32 v18, v15  }
0x24b: {  	v19 =	vadd.f32 v19, v16  }
0x24c: {  	[tilespmem:v20+s24+$0x0] =	vst.idx.msk $0xffff, v18  }
0x24d: {  	[tilespmem:v21+s24+$0x0] =	vst.idx.msk $0xffff, v19  }
0x24e: {  	v19 =	vld [tilespmem:s10+$0x4E0]  }
0x24f: {  	v20 =	vld [tilespmem:s10+$0x4F0]  }
0x250: {  	v21 =	vor.u32 $0x7, v17  }
.Ltmp4:
0x251: {  	v18 =	vadd.s32 $0x2087, v17;
	(pc) =	sbr.rel @p0 .LBB2_11-.Ltmp4, $4  }
0x252: {  	_ = 	snop  }
0x253: {  	v22 =	vadd.f32 v19, v15  }
0x254: {  	v19 =	vadd.f32 v20, v16  }
0x255: {  	[tilespmem:v21+s24+$0x0] =	vst.idx.msk $0xffff, v22  }
0x256: {  	_ =	sdelay $0x3  }
0x257: {  	s8 =	sshra.s32 s8, $0x2;
	[tilespmem:v18+s24+$0x0] =	vst.idx.msk $0xffff, v19  }
0x258: {  	v18 =	vld [tilespmem:s8+$0x400]  }
0x259: {  	v19 =	vld [tilespmem:s8+$0x410]  }
0x25a: {  	v17 =	vadd.s32 $0x8, v17  }
0x25b: {  	v20 =	vadd.s32 $0x2080, v17;
	_ =	sdelay $0x1  }
0x25c: {  	v18 =	vadd.f32 v18, v15  }
0x25d: {  	s7 =	simm.s32 $0x8400;
	v19 =	vadd.f32 v19, v16  }
0x25e: {  	[tilespmem:v17+s7+$0x0] =	vst.idx.msk $0xffff, v18  }
0x25f: {  	[tilespmem:v20+s7+$0x0] =	vst.idx.msk $0xffff, v19  }
0x260: {  	v18 =	vld [tilespmem:s8+$0x420]  }
0x261: {  	v19 =	vld [tilespmem:s8+$0x430]  }
0x262: {  	v51 =	vor.u32 $0x1, v17  }
0x263: {  	v21 =	vadd.s32 $0x2081, v17;
	_ =	sdelay $0x1  }
0x264: {  	v18 =	vadd.f32 v18, v15  }
0x265: {  	v19 =	vadd.f32 v19, v16  }
0x266: {  	[tilespmem:v51+s7+$0x0] =	vst.idx.msk $0xffff, v18  }
0x267: {  	[tilespmem:v21+s7+$0x0] =	vst.idx.msk $0xffff, v19  }
0x268: {  	v18 =	vld [tilespmem:s8+$0x440]  }
0x269: {  	v19 =	vld [tilespmem:s8+$0x450]  }
0x26a: {  	v52 =	vor.u32 $0x2, v17  }
0x26b: {  	v53 =	vadd.s32 $0x2082, v17;
	_ =	sdelay $0x1  }
0x26c: {  	v18 =	vadd.f32 v18, v15  }
0x26d: {  	v19 =	vadd.f32 v19, v16  }
0x26e: {  	[tilespmem:v52+s7+$0x0] =	vst.idx.msk $0xffff, v18  }
0x26f: {  	[tilespmem:v53+s7+$0x0] =	vst.idx.msk $0xffff, v19  }
0x270: {  	v18 =	vld [tilespmem:s8+$0x460]  }
0x271: {  	v19 =	vld [tilespmem:s8+$0x470]  }
0x272: {  	v54 =	vor.u32 $0x3, v17  }
0x273: {  	v55 =	vadd.s32 $0x2083, v17;
	_ =	sdelay $0x1  }
0x274: {  	v18 =	vadd.f32 v18, v15  }
0x275: {  	v19 =	vadd.f32 v19, v16  }
0x276: {  	[tilespmem:v54+s7+$0x0] =	vst.idx.msk $0xffff, v18  }
0x277: {  	[tilespmem:v55+s7+$0x0] =	vst.idx.msk $0xffff, v19  }
0x278: {  	v18 =	vld [tilespmem:s8+$0x480]  }
0x279: {  	v19 =	vld [tilespmem:s8+$0x490]  }
0x27a: {  	v56 =	vor.u32 $0x4, v17  }
0x27b: {  	v57 =	vadd.s32 $0x2084, v17;
	_ =	sdelay $0x1  }
0x27c: {  	v18 =	vadd.f32 v18, v15  }
0x27d: {  	v19 =	vadd.f32 v19, v16  }
0x27e: {  	[tilespmem:v56+s7+$0x0] =	vst.idx.msk $0xffff, v18  }
0x27f: {  	[tilespmem:v57+s7+$0x0] =	vst.idx.msk $0xffff, v19  }
0x280: {  	v18 =	vld [tilespmem:s8+$0x4A0]  }
0x281: {  	v19 =	vld [tilespmem:s8+$0x4B0]  }
0x282: {  	v58 =	vor.u32 $0x5, v17  }
0x283: {  	v59 =	vadd.s32 $0x2085, v17;
	_ =	sdelay $0x1  }
0x284: {  	v18 =	vadd.f32 v18, v15  }
0x285: {  	v19 =	vadd.f32 v19, v16  }
0x286: {  	[tilespmem:v58+s7+$0x0] =	vst.idx.msk $0xffff, v18  }
0x287: {  	[tilespmem:v59+s7+$0x0] =	vst.idx.msk $0xffff, v19  }
0x288: {  	v18 =	vld [tilespmem:s8+$0x4C0]  }
0x289: {  	v19 =	vld [tilespmem:s8+$0x4D0]  }
0x28a: {  	v60 =	vor.u32 $0x6, v17  }
0x28b: {  	v61 =	vadd.s32 $0x2086, v17;
	_ =	sdelay $0x1  }
0x28c: {  	v18 =	vadd.f32 v18, v15  }
0x28d: {  	v19 =	vadd.f32 v19, v16  }
0x28e: {  	[tilespmem:v60+s7+$0x0] =	vst.idx.msk $0xffff, v18  }
0x28f: {  	[tilespmem:v61+s7+$0x0] =	vst.idx.msk $0xffff, v19  }
0x290: {  	v18 =	vld [tilespmem:s8+$0x4E0]  }
0x291: {  	v19 =	vld [tilespmem:s8+$0x4F0]  }
0x292: {  	v62 =	vor.u32 $0x7, v17  }
0x293: {  	v17 =	vadd.s32 $0x2087, v17;
	_ =	sdelay $0x1  }
0x294: {  	v15 =	vadd.f32 v18, v15  }
0x295: {  	v63 =	vadd.f32 v19, v16  }
0x296: {  	[tilespmem:v62+s7+$0x0] =	vst.idx.msk $0xffff, v15  }
0x297: {  	s24 =	sadd.s32 $0x0, s0;
	s10 =	simm.s32 $0x8608;
	s8 =	simm.s32 $0x200;
	[tilespmem:v17+s7+$0x0] =	vst.idx.msk $0xffff, v63  }
.LBB2_13:
0x298: {  	[hbm4b:s24+s3] =	stream.linear.scatter [tilespmem:s7], [sflag:$0x5], $0x200, $0x38;
	[tilespmem:$0x11F00] =	vst v63  }
0x299: {  	s24 =	smov.u32 s8;
	s7 =	smov.u32 s10;
	p0 =	sne.s32 s8, $0x3E00  }
.Ltmp5:
0x29a: {  	s8 =	sadd.s32 $0x200, s8;
	(pc) =	sbr.rel @p0 .LBB2_13-.Ltmp5, $2  }
0x29b: {  	_ =	sdelay $0x2  }
0x29c: {  	s10 =	sadd.s32 $0x208, s10;
	s24 =	sadd.s32 s24, s0  }
0x29d: {  	[hbm4b:s24+s3] =	stream.linear.scatter [tilespmem:s7], [sflag:$0x5], $0x200, $0x38;
	[tilespmem:$0x11F00] =	vst v63  }
0x29e: {  	_ =	swait.ge [sflag:s28], $0x200  }
0x29f: {  	[sflag:s28] =	ssyncset.done $0x0  }
0x2a0: {  	s7 =	simm.s32 $0x0;
	s8 =	simm.s32 $0x400;
	[sflag:s28] =	ssyncadd.s32 $0xFFFFFE00  }
0x2a1: {  	[tilespmem:s8], [sflag:$0x3] =	stream.indirect.gather [hbm4b:s5+s29], $0x20, s7, s29, $0xb8;
	[tilespmem:$0x11F00] =	vst v63  }
0x2a2: {  	s10 =	simm.s32 $0x1400  }
0x2a3: {  	[tilespmem:s10], [sflag:$0x3] =	stream.indirect.gather [hbm4b:s5+s29], $0x20, s29, s29, $0xb8;
	[tilespmem:$0x11F00] =	vst v63  }
0x2a4: {  	s24 =	simm.s32 $0x100;
	s10 =	simm.s32 $0x2400  }
0x2a5: {  	[tilespmem:s10], [sflag:$0x3] =	stream.indirect.gather [hbm4b:s5+s29], $0x20, s24, s29, $0xb8;
	[tilespmem:$0x11F00] =	vst v63  }
0x2a6: {  	s1 =	sadd.s32 s13, s1;
	s10 =	simm.s32 $0x180;
	s24 =	simm.s32 $0x3400  }
0x2a7: {  	[tilespmem:s24], [sflag:$0x3] =	stream.indirect.gather [hbm4b:s5+s29], $0x20, s10, s29, $0xb8;
	[tilespmem:$0x11F00] =	vst v63  }
0x2a8: {  	s1 =	sshll.u32 s1, $0x6;
	_ =	swait.ge [sflag:s15], $0x4000  }
0x2a9: {  	s1 =	sand.u32 $0x3FE00, s1;
	[sflag:s15] =	ssyncset.done $0x0  }
0x2aa: {  	s1 =	sadd.s32 s1, s14;
	[sflag:s15] =	ssyncadd.s32 $0xFFFFC000  }
0x2ab: {  	[tilespmem:s26], [sflag:$0x2] =	stream.linear.gather [hbm4b:s1+s7], $0x200, $0x38;
	[tilespmem:$0x11F00] =	vst v63  }
0x2ac: {  	s10 =	sshll.u32 s2, $0x5;
	_ =	swait.ge [sflag:s9], $0x4000  }
0x2ad: {  	s1 =	sor.u32 $0x80, s10;
	[sflag:s9] =	ssyncset.done $0x0  }
0x2ae: {  	s1 =	sand.u32 $0x3FFFFFE0, s1;
	[sflag:s9] =	ssyncadd.s32 $0xFFFFC000  }
0x2af: {  	v15 =	vld [tilespmem:s1+$0x10600]  }
0x2b0: {  	s24 =	simm.s32 $0x0;
	v16 =	vld [tilespmem:s1+$0x10610]  }
0x2b1: {  	v17 =	vld [tilespmem:s24+$0x4400]  }
0x2b2: {  	v18 =	vld [tilespmem:s24+$0x4410];
	_ =	sdelay $0x3  }
0x2b3: {  	v17 =	vadd.f32 v17, v15  }
0x2b4: {  	s1 =	simm.s32 $0xC500;
	v18 =	vadd.f32 v18, v16  }
0x2b5: {  	[tilespmem:v0+s1+$0x0] =	vst.idx.msk $0xffff, v17  }
0x2b6: {  	[tilespmem:v1+s1+$0x0] =	vst.idx.msk $0xffff, v18  }
0x2b7: {  	v17 =	vld [tilespmem:s24+$0x4420]  }
0x2b8: {  	v18 =	vld [tilespmem:s24+$0x4430];
	_ =	sdelay $0x3  }
0x2b9: {  	v17 =	vadd.f32 v17, v15  }
0x2ba: {  	v18 =	vadd.f32 v18, v16  }
0x2bb: {  	[tilespmem:v2+s1+$0x0] =	vst.idx.msk $0xffff, v17  }
0x2bc: {  	[tilespmem:v3+s1+$0x0] =	vst.idx.msk $0xffff, v18  }
0x2bd: {  	v17 =	vld [tilespmem:s24+$0x4440]  }
0x2be: {  	v18 =	vld [tilespmem:s24+$0x4450];
	_ =	sdelay $0x3  }
0x2bf: {  	v17 =	vadd.f32 v17, v15  }
0x2c0: {  	v18 =	vadd.f32 v18, v16  }
0x2c1: {  	[tilespmem:v4+s1+$0x0] =	vst.idx.msk $0xffff, v17  }
0x2c2: {  	[tilespmem:v5+s1+$0x0] =	vst.idx.msk $0xffff, v18  }
0x2c3: {  	v17 =	vld [tilespmem:s24+$0x4460]  }
0x2c4: {  	v18 =	vld [tilespmem:s24+$0x4470];
	_ =	sdelay $0x3  }
0x2c5: {  	v17 =	vadd.f32 v17, v15  }
0x2c6: {  	v18 =	vadd.f32 v18, v16  }
0x2c7: {  	[tilespmem:v6+s1+$0x0] =	vst.idx.msk $0xffff, v17  }
0x2c8: {  	[tilespmem:v7+s1+$0x0] =	vst.idx.msk $0xffff, v18  }
0x2c9: {  	v17 =	vld [tilespmem:s24+$0x4480]  }
0x2ca: {  	v18 =	vld [tilespmem:s24+$0x4490];
	_ =	sdelay $0x3  }
0x2cb: {  	v17 =	vadd.f32 v17, v15  }
0x2cc: {  	v18 =	vadd.f32 v18, v16  }
0x2cd: {  	[tilespmem:v8+s1+$0x0] =	vst.idx.msk $0xffff, v17  }
0x2ce: {  	[tilespmem:v9+s1+$0x0] =	vst.idx.msk $0xffff, v18  }
0x2cf: {  	v17 =	vld [tilespmem:s24+$0x44A0]  }
0x2d0: {  	v18 =	vld [tilespmem:s24+$0x44B0];
	_ =	sdelay $0x3  }
0x2d1: {  	v17 =	vadd.f32 v17, v15  }
0x2d2: {  	v18 =	vadd.f32 v18, v16  }
0x2d3: {  	[tilespmem:v10+s1+$0x0] =	vst.idx.msk $0xffff, v17  }
0x2d4: {  	[tilespmem:v11+s1+$0x0] =	vst.idx.msk $0xffff, v18  }
0x2d5: {  	v17 =	vld [tilespmem:s24+$0x44C0]  }
0x2d6: {  	v18 =	vld [tilespmem:s24+$0x44D0];
	_ =	sdelay $0x3  }
0x2d7: {  	v17 =	vadd.f32 v17, v15  }
0x2d8: {  	v18 =	vadd.f32 v18, v16  }
0x2d9: {  	[tilespmem:v13+s1+$0x0] =	vst.idx.msk $0xffff, v17  }
0x2da: {  	[tilespmem:v14+s1+$0x0] =	vst.idx.msk $0xffff, v18  }
0x2db: {  	v17 =	vld [tilespmem:s24+$0x44E0];
	_ =	sdelay $0x3  }
0x2dc: {  	v19 =	vld [tilespmem:s24+$0x44F0]  }
0x2dd: {  	v17 =	vadd.f32 v17, v15  }
0x2de: {  	v18 =	vadd.s32 $0x2087, v0;
	_ =	sdelay $0x2  }
0x2df: {  	s2 =	simm.s32 $0x800;
	s7 =	simm.s32 $0x400;
	v19 =	vadd.f32 v19, v16;
	[tilespmem:v12+s1+$0x0] =	vst.idx.msk $0xffff, v17;
	v17 =	vmov v0  }
.LBB2_15:
0x2e0: {  	p0 =	sne.s32 s2, $0xFC00  }
0x2e1: {  	s8 =	sshra.s32 s7, $0x2;
	[tilespmem:v18+s1+$0x0] =	vst.idx.msk $0xffff, v19;
	v17 =	vadd.s32 $0x8, v17;
	s7 =	smov.u32 s2;
	s2 =	sadd.s32 $0x400, s2  }
0x2e2: {  	v18 =	vld [tilespmem:s8+$0x4400]  }
0x2e3: {  	v19 =	vld [tilespmem:s8+$0x4410];
	_ =	sdelay $0x1  }
0x2e4: {  	v20 =	vadd.s32 $0x2080, v17;
	_ =	sdelay $0x1  }
0x2e5: {  	v18 =	vadd.f32 v18, v15  }
0x2e6: {  	v19 =	vadd.f32 v19, v16  }
0x2e7: {  	[tilespmem:v17+s1+$0x0] =	vst.idx.msk $0xffff, v18  }
0x2e8: {  	[tilespmem:v20+s1+$0x0] =	vst.idx.msk $0xffff, v19  }
0x2e9: {  	v18 =	vld [tilespmem:s8+$0x4420]  }
0x2ea: {  	v19 =	vld [tilespmem:s8+$0x4430]  }
0x2eb: {  	v20 =	vor.u32 $0x1, v17  }
0x2ec: {  	v21 =	vadd.s32 $0x2081, v17;
	_ =	sdelay $0x1  }
0x2ed: {  	v18 =	vadd.f32 v18, v15  }
0x2ee: {  	v19 =	vadd.f32 v19, v16  }
0x2ef: {  	[tilespmem:v20+s1+$0x0] =	vst.idx.msk $0xffff, v18  }
0x2f0: {  	[tilespmem:v21+s1+$0x0] =	vst.idx.msk $0xffff, v19  }
0x2f1: {  	v18 =	vld [tilespmem:s8+$0x4440]  }
0x2f2: {  	v19 =	vld [tilespmem:s8+$0x4450]  }
0x2f3: {  	v20 =	vor.u32 $0x2, v17  }
0x2f4: {  	v21 =	vadd.s32 $0x2082, v17;
	_ =	sdelay $0x1  }
0x2f5: {  	v18 =	vadd.f32 v18, v15  }
0x2f6: {  	v19 =	vadd.f32 v19, v16  }
0x2f7: {  	[tilespmem:v20+s1+$0x0] =	vst.idx.msk $0xffff, v18  }
0x2f8: {  	[tilespmem:v21+s1+$0x0] =	vst.idx.msk $0xffff, v19  }
0x2f9: {  	v18 =	vld [tilespmem:s8+$0x4460]  }
0x2fa: {  	v19 =	vld [tilespmem:s8+$0x4470]  }
0x2fb: {  	v20 =	vor.u32 $0x3, v17  }
0x2fc: {  	v21 =	vadd.s32 $0x2083, v17;
	_ =	sdelay $0x1  }
0x2fd: {  	v18 =	vadd.f32 v18, v15  }
0x2fe: {  	v19 =	vadd.f32 v19, v16  }
0x2ff: {  	[tilespmem:v20+s1+$0x0] =	vst.idx.msk $0xffff, v18  }
0x300: {  	[tilespmem:v21+s1+$0x0] =	vst.idx.msk $0xffff, v19  }
0x301: {  	v18 =	vld [tilespmem:s8+$0x4480]  }
0x302: {  	v19 =	vld [tilespmem:s8+$0x4490]  }
0x303: {  	v20 =	vor.u32 $0x4, v17  }
0x304: {  	v21 =	vadd.s32 $0x2084, v17;
	_ =	sdelay $0x1  }
0x305: {  	v18 =	vadd.f32 v18, v15  }
0x306: {  	v19 =	vadd.f32 v19, v16  }
0x307: {  	[tilespmem:v20+s1+$0x0] =	vst.idx.msk $0xffff, v18  }
0x308: {  	[tilespmem:v21+s1+$0x0] =	vst.idx.msk $0xffff, v19  }
0x309: {  	v18 =	vld [tilespmem:s8+$0x44A0]  }
0x30a: {  	v19 =	vld [tilespmem:s8+$0x44B0]  }
0x30b: {  	v20 =	vor.u32 $0x5, v17  }
0x30c: {  	v21 =	vadd.s32 $0x2085, v17;
	_ =	sdelay $0x1  }
0x30d: {  	v18 =	vadd.f32 v18, v15  }
0x30e: {  	v19 =	vadd.f32 v19, v16  }
0x30f: {  	[tilespmem:v20+s1+$0x0] =	vst.idx.msk $0xffff, v18  }
0x310: {  	[tilespmem:v21+s1+$0x0] =	vst.idx.msk $0xffff, v19  }
0x311: {  	v18 =	vld [tilespmem:s8+$0x44C0]  }
0x312: {  	v19 =	vld [tilespmem:s8+$0x44D0]  }
0x313: {  	v20 =	vor.u32 $0x6, v17  }
0x314: {  	v21 =	vadd.s32 $0x2086, v17;
	_ =	sdelay $0x1  }
0x315: {  	v18 =	vadd.f32 v18, v15  }
0x316: {  	v19 =	vadd.f32 v19, v16  }
0x317: {  	[tilespmem:v20+s1+$0x0] =	vst.idx.msk $0xffff, v18  }
0x318: {  	[tilespmem:v21+s1+$0x0] =	vst.idx.msk $0xffff, v19  }
0x319: {  	v19 =	vld [tilespmem:s8+$0x44E0]  }
0x31a: {  	v20 =	vld [tilespmem:s8+$0x44F0]  }
0x31b: {  	v21 =	vor.u32 $0x7, v17  }
.Ltmp6:
0x31c: {  	v18 =	vadd.s32 $0x2087, v17;
	(pc) =	sbr.rel @p0 .LBB2_15-.Ltmp6, $4  }
0x31d: {  	_ = 	snop  }
0x31e: {  	v22 =	vadd.f32 v19, v15  }
0x31f: {  	v19 =	vadd.f32 v20, v16  }
0x320: {  	[tilespmem:v21+s1+$0x0] =	vst.idx.msk $0xffff, v22  }
0x321: {  	_ =	sdelay $0x3  }
0x322: {  	s2 =	sshra.s32 s7, $0x2;
	[tilespmem:v18+s1+$0x0] =	vst.idx.msk $0xffff, v19  }
0x323: {  	v18 =	vld [tilespmem:s2+$0x4400]  }
0x324: {  	v19 =	vld [tilespmem:s2+$0x4410]  }
0x325: {  	v17 =	vadd.s32 $0x8, v17  }
0x326: {  	v20 =	vadd.s32 $0x2080, v17;
	_ =	sdelay $0x1  }
0x327: {  	v18 =	vadd.f32 v18, v15  }
0x328: {  	s1 =	simm.s32 $0xC500;
	v19 =	vadd.f32 v19, v16  }
0x329: {  	[tilespmem:v17+s1+$0x0] =	vst.idx.msk $0xffff, v18  }
0x32a: {  	[tilespmem:v20+s1+$0x0] =	vst.idx.msk $0xffff, v19  }
0x32b: {  	v18 =	vld [tilespmem:s2+$0x4420]  }
0x32c: {  	v19 =	vld [tilespmem:s2+$0x4430]  }
0x32d: {  	v51 =	vor.u32 $0x1, v17  }
0x32e: {  	v21 =	vadd.s32 $0x2081, v17;
	_ =	sdelay $0x1  }
0x32f: {  	v18 =	vadd.f32 v18, v15  }
0x330: {  	v19 =	vadd.f32 v19, v16  }
0x331: {  	[tilespmem:v51+s1+$0x0] =	vst.idx.msk $0xffff, v18  }
0x332: {  	[tilespmem:v21+s1+$0x0] =	vst.idx.msk $0xffff, v19  }
0x333: {  	v18 =	vld [tilespmem:s2+$0x4440]  }
0x334: {  	v19 =	vld [tilespmem:s2+$0x4450]  }
0x335: {  	v52 =	vor.u32 $0x2, v17  }
0x336: {  	v53 =	vadd.s32 $0x2082, v17;
	_ =	sdelay $0x1  }
0x337: {  	v18 =	vadd.f32 v18, v15  }
0x338: {  	v19 =	vadd.f32 v19, v16  }
0x339: {  	[tilespmem:v52+s1+$0x0] =	vst.idx.msk $0xffff, v18  }
0x33a: {  	[tilespmem:v53+s1+$0x0] =	vst.idx.msk $0xffff, v19  }
0x33b: {  	v18 =	vld [tilespmem:s2+$0x4460]  }
0x33c: {  	v19 =	vld [tilespmem:s2+$0x4470]  }
0x33d: {  	v54 =	vor.u32 $0x3, v17  }
0x33e: {  	v55 =	vadd.s32 $0x2083, v17;
	_ =	sdelay $0x1  }
0x33f: {  	v18 =	vadd.f32 v18, v15  }
0x340: {  	v19 =	vadd.f32 v19, v16  }
0x341: {  	[tilespmem:v54+s1+$0x0] =	vst.idx.msk $0xffff, v18  }
0x342: {  	[tilespmem:v55+s1+$0x0] =	vst.idx.msk $0xffff, v19  }
0x343: {  	v18 =	vld [tilespmem:s2+$0x4480]  }
0x344: {  	v19 =	vld [tilespmem:s2+$0x4490]  }
0x345: {  	v56 =	vor.u32 $0x4, v17  }
0x346: {  	v57 =	vadd.s32 $0x2084, v17;
	_ =	sdelay $0x1  }
0x347: {  	v18 =	vadd.f32 v18, v15  }
0x348: {  	v19 =	vadd.f32 v19, v16  }
0x349: {  	[tilespmem:v56+s1+$0x0] =	vst.idx.msk $0xffff, v18  }
0x34a: {  	[tilespmem:v57+s1+$0x0] =	vst.idx.msk $0xffff, v19  }
0x34b: {  	v18 =	vld [tilespmem:s2+$0x44A0]  }
0x34c: {  	v19 =	vld [tilespmem:s2+$0x44B0]  }
0x34d: {  	v58 =	vor.u32 $0x5, v17  }
0x34e: {  	v59 =	vadd.s32 $0x2085, v17;
	_ =	sdelay $0x1  }
0x34f: {  	v18 =	vadd.f32 v18, v15  }
0x350: {  	v19 =	vadd.f32 v19, v16  }
0x351: {  	[tilespmem:v58+s1+$0x0] =	vst.idx.msk $0xffff, v18  }
0x352: {  	[tilespmem:v59+s1+$0x0] =	vst.idx.msk $0xffff, v19  }
0x353: {  	v18 =	vld [tilespmem:s2+$0x44C0]  }
0x354: {  	v19 =	vld [tilespmem:s2+$0x44D0]  }
0x355: {  	v60 =	vor.u32 $0x6, v17  }
0x356: {  	v61 =	vadd.s32 $0x2086, v17;
	_ =	sdelay $0x1  }
0x357: {  	v18 =	vadd.f32 v18, v15  }
0x358: {  	v19 =	vadd.f32 v19, v16  }
0x359: {  	[tilespmem:v60+s1+$0x0] =	vst.idx.msk $0xffff, v18  }
0x35a: {  	[tilespmem:v61+s1+$0x0] =	vst.idx.msk $0xffff, v19  }
0x35b: {  	v18 =	vld [tilespmem:s2+$0x44E0]  }
0x35c: {  	v19 =	vld [tilespmem:s2+$0x44F0]  }
0x35d: {  	v62 =	vor.u32 $0x7, v17  }
0x35e: {  	v17 =	vadd.s32 $0x2087, v17;
	_ =	sdelay $0x1  }
0x35f: {  	v15 =	vadd.f32 v18, v15  }
0x360: {  	v63 =	vadd.f32 v19, v16  }
0x361: {  	[tilespmem:v62+s1+$0x0] =	vst.idx.msk $0xffff, v15  }
0x362: {  	s8 =	sadd.s32 $0x0, s31;
	s7 =	simm.s32 $0xC708;
	s2 =	simm.s32 $0x200;
	[tilespmem:v17+s1+$0x0] =	vst.idx.msk $0xffff, v63  }
.LBB2_17:
0x363: {  	[hbm4b:s8+s3] =	stream.linear.scatter [tilespmem:s1], [sflag:$0x6], $0x200, $0x38;
	[tilespmem:$0x11F00] =	vst v63  }
0x364: {  	s8 =	smov.u32 s2;
	s1 =	smov.u32 s7;
	p0 =	sne.s32 s2, $0x3E00  }
.Ltmp7:
0x365: {  	s2 =	sadd.s32 $0x200, s2;
	(pc) =	sbr.rel @p0 .LBB2_17-.Ltmp7, $2  }
0x366: {  	_ =	sdelay $0x2  }
0x367: {  	s7 =	sadd.s32 $0x208, s7;
	s8 =	sadd.s32 s8, s31  }
0x368: {  	s30 =	sadd.s32 $0x1, s30  }
0x369: {  	p0 =	sne.s32 s30, $0x18  }
.Ltmp8:
0x36a: {  	_ = 	snop;
	(pc) =	sbr.rel @p0 .LBB2_10-.Ltmp8, $3  }
0x36b: {  	_ =	sdelay $0x1  }
0x36c: {  	[hbm4b:s8+s3] =	stream.linear.scatter [tilespmem:s1], [sflag:$0x6], $0x200, $0x38;
	[tilespmem:$0x11F00] =	vst v63  }
0x36d: {  	s0 =	sadd.s32 $0x20000, s0;
	s31 =	sadd.s32 $0x20000, s31  }
0x36e: {  	_ =	swait.ge [sflag:s6], $0x200  }
0x36f: {  	[sflag:s6] =	ssyncset.done $0x0  }
0x370: {  	s0 =	simm.s32 $0x4400;
	[sflag:s6] =	ssyncadd.s32 $0xFFFFFE00  }
0x371: {  	[tilespmem:s0], [sflag:$0x4] =	stream.indirect.gather [hbm4b:s5+s29], $0x20, s26, s29, $0xb8;
	[tilespmem:$0x11F00] =	vst v63  }
0x372: {  	s24 =	simm.s32 $0x280;
	s1 =	simm.s32 $0x5400  }
0x373: {  	[tilespmem:s1], [sflag:$0x4] =	stream.indirect.gather [hbm4b:s5+s29], $0x20, s24, s29, $0xb8;
	[tilespmem:$0x11F00] =	vst v63  }
0x374: {  	_ = 	snop  }
0x375: {  	[tilespmem:s21], [sflag:$0x4] =	stream.indirect.gather [hbm4b:s5+s29], $0x20, s17, s29, $0xb8;
	[tilespmem:$0x11F00] =	vst v63  }
0x376: {  	_ = 	snop  }
0x377: {  	[tilespmem:s25], [sflag:$0x4] =	stream.indirect.gather [hbm4b:s5+s29], $0x20, s20, s29, $0xb8;
	[tilespmem:$0x11F00] =	vst v63  }
0x378: {  	_ =	swait.ge [sflag:s11], $0x4000  }
0x379: {  	[sflag:s11] =	ssyncset.done $0x0  }
0x37a: {  	[sflag:s11] =	ssyncadd.s32 $0xFFFFC000  }
0x37b: {  	_ =	swait.ge [sflag:s16], $0x4000  }
0x37c: {  	[sflag:s16] =	ssyncset.done $0x0  }
0x37d: {  	s30 =	rddreg [dreg:$0xa];
	[sflag:s16] =	ssyncadd.s32 $0xFFFFC000  }
0x37e: {  	v15 =	vld [tilespmem:s30+$0x10600]  }
0x37f: {  	s31 =	simm.s32 $0x0;
	v16 =	vld [tilespmem:s30+$0x10610]  }
0x380: {  	v17 =	vld [tilespmem:s31+$0x400]  }
0x381: {  	v18 =	vld [tilespmem:s31+$0x410];
	_ =	sdelay $0x3  }
0x382: {  	v17 =	vadd.f32 v17, v15  }
0x383: {  	s0 =	simm.s32 $0x8400;
	v18 =	vadd.f32 v18, v16  }
0x384: {  	[tilespmem:v0+s0+$0x0] =	vst.idx.msk $0xffff, v17  }
0x385: {  	[tilespmem:v1+s0+$0x0] =	vst.idx.msk $0xffff, v18  }
0x386: {  	v17 =	vld [tilespmem:s31+$0x420]  }
0x387: {  	v18 =	vld [tilespmem:s31+$0x430];
	_ =	sdelay $0x3  }
0x388: {  	v17 =	vadd.f32 v17, v15  }
0x389: {  	v18 =	vadd.f32 v18, v16  }
0x38a: {  	[tilespmem:v2+s0+$0x0] =	vst.idx.msk $0xffff, v17  }
0x38b: {  	[tilespmem:v3+s0+$0x0] =	vst.idx.msk $0xffff, v18  }
0x38c: {  	v17 =	vld [tilespmem:s31+$0x440]  }
0x38d: {  	v18 =	vld [tilespmem:s31+$0x450];
	_ =	sdelay $0x3  }
0x38e: {  	v17 =	vadd.f32 v17, v15  }
0x38f: {  	v18 =	vadd.f32 v18, v16  }
0x390: {  	[tilespmem:v4+s0+$0x0] =	vst.idx.msk $0xffff, v17  }
0x391: {  	[tilespmem:v5+s0+$0x0] =	vst.idx.msk $0xffff, v18  }
0x392: {  	v17 =	vld [tilespmem:s31+$0x460]  }
0x393: {  	v18 =	vld [tilespmem:s31+$0x470];
	_ =	sdelay $0x3  }
0x394: {  	v17 =	vadd.f32 v17, v15  }
0x395: {  	v18 =	vadd.f32 v18, v16  }
0x396: {  	[tilespmem:v6+s0+$0x0] =	vst.idx.msk $0xffff, v17  }
0x397: {  	[tilespmem:v7+s0+$0x0] =	vst.idx.msk $0xffff, v18  }
0x398: {  	v17 =	vld [tilespmem:s31+$0x480]  }
0x399: {  	v18 =	vld [tilespmem:s31+$0x490];
	_ =	sdelay $0x3  }
0x39a: {  	v17 =	vadd.f32 v17, v15  }
0x39b: {  	v18 =	vadd.f32 v18, v16  }
0x39c: {  	[tilespmem:v8+s0+$0x0] =	vst.idx.msk $0xffff, v17  }
0x39d: {  	[tilespmem:v9+s0+$0x0] =	vst.idx.msk $0xffff, v18  }
0x39e: {  	v17 =	vld [tilespmem:s31+$0x4A0]  }
0x39f: {  	v18 =	vld [tilespmem:s31+$0x4B0];
	_ =	sdelay $0x3  }
0x3a0: {  	v17 =	vadd.f32 v17, v15  }
0x3a1: {  	v18 =	vadd.f32 v18, v16  }
0x3a2: {  	[tilespmem:v10+s0+$0x0] =	vst.idx.msk $0xffff, v17  }
0x3a3: {  	[tilespmem:v11+s0+$0x0] =	vst.idx.msk $0xffff, v18  }
0x3a4: {  	v17 =	vld [tilespmem:s31+$0x4C0]  }
0x3a5: {  	v18 =	vld [tilespmem:s31+$0x4D0];
	_ =	sdelay $0x3  }
0x3a6: {  	v17 =	vadd.f32 v17, v15  }
0x3a7: {  	v18 =	vadd.f32 v18, v16  }
0x3a8: {  	[tilespmem:v13+s0+$0x0] =	vst.idx.msk $0xffff, v17  }
0x3a9: {  	[tilespmem:v14+s0+$0x0] =	vst.idx.msk $0xffff, v18  }
0x3aa: {  	v17 =	vld [tilespmem:s31+$0x4E0];
	_ =	sdelay $0x3  }
0x3ab: {  	v19 =	vld [tilespmem:s31+$0x4F0]  }
0x3ac: {  	v17 =	vadd.f32 v17, v15  }
0x3ad: {  	v18 =	vadd.s32 $0x2087, v0;
	_ =	sdelay $0x2  }
0x3ae: {  	s2 =	simm.s32 $0x400;
	s1 =	simm.s32 $0x800;
	v19 =	vadd.f32 v19, v16;
	[tilespmem:v12+s0+$0x0] =	vst.idx.msk $0xffff, v17;
	v17 =	vmov v0  }
.LBB2_20:
0x3af: {  	p0 =	sne.s32 s1, $0xFC00  }
0x3b0: {  	s7 =	sshra.s32 s2, $0x2;
	[tilespmem:v18+s0+$0x0] =	vst.idx.msk $0xffff, v19;
	v17 =	vadd.s32 $0x8, v17;
	s2 =	smov.u32 s1;
	s1 =	sadd.s32 $0x400, s1  }
0x3b1: {  	v18 =	vld [tilespmem:s7+$0x400]  }
0x3b2: {  	v19 =	vld [tilespmem:s7+$0x410];
	_ =	sdelay $0x1  }
0x3b3: {  	v20 =	vadd.s32 $0x2080, v17;
	_ =	sdelay $0x1  }
0x3b4: {  	v18 =	vadd.f32 v18, v15  }
0x3b5: {  	v19 =	vadd.f32 v19, v16  }
0x3b6: {  	[tilespmem:v17+s0+$0x0] =	vst.idx.msk $0xffff, v18  }
0x3b7: {  	[tilespmem:v20+s0+$0x0] =	vst.idx.msk $0xffff, v19  }
0x3b8: {  	v18 =	vld [tilespmem:s7+$0x420]  }
0x3b9: {  	v19 =	vld [tilespmem:s7+$0x430]  }
0x3ba: {  	v20 =	vor.u32 $0x1, v17  }
0x3bb: {  	v21 =	vadd.s32 $0x2081, v17;
	_ =	sdelay $0x1  }
0x3bc: {  	v18 =	vadd.f32 v18, v15  }
0x3bd: {  	v19 =	vadd.f32 v19, v16  }
0x3be: {  	[tilespmem:v20+s0+$0x0] =	vst.idx.msk $0xffff, v18  }
0x3bf: {  	[tilespmem:v21+s0+$0x0] =	vst.idx.msk $0xffff, v19  }
0x3c0: {  	v18 =	vld [tilespmem:s7+$0x440]  }
0x3c1: {  	v19 =	vld [tilespmem:s7+$0x450]  }
0x3c2: {  	v20 =	vor.u32 $0x2, v17  }
0x3c3: {  	v21 =	vadd.s32 $0x2082, v17;
	_ =	sdelay $0x1  }
0x3c4: {  	v18 =	vadd.f32 v18, v15  }
0x3c5: {  	v19 =	vadd.f32 v19, v16  }
0x3c6: {  	[tilespmem:v20+s0+$0x0] =	vst.idx.msk $0xffff, v18  }
0x3c7: {  	[tilespmem:v21+s0+$0x0] =	vst.idx.msk $0xffff, v19  }
0x3c8: {  	v18 =	vld [tilespmem:s7+$0x460]  }
0x3c9: {  	v19 =	vld [tilespmem:s7+$0x470]  }
0x3ca: {  	v20 =	vor.u32 $0x3, v17  }
0x3cb: {  	v21 =	vadd.s32 $0x2083, v17;
	_ =	sdelay $0x1  }
0x3cc: {  	v18 =	vadd.f32 v18, v15  }
0x3cd: {  	v19 =	vadd.f32 v19, v16  }
0x3ce: {  	[tilespmem:v20+s0+$0x0] =	vst.idx.msk $0xffff, v18  }
0x3cf: {  	[tilespmem:v21+s0+$0x0] =	vst.idx.msk $0xffff, v19  }
0x3d0: {  	v18 =	vld [tilespmem:s7+$0x480]  }
0x3d1: {  	v19 =	vld [tilespmem:s7+$0x490]  }
0x3d2: {  	v20 =	vor.u32 $0x4, v17  }
0x3d3: {  	v21 =	vadd.s32 $0x2084, v17;
	_ =	sdelay $0x1  }
0x3d4: {  	v18 =	vadd.f32 v18, v15  }
0x3d5: {  	v19 =	vadd.f32 v19, v16  }
0x3d6: {  	[tilespmem:v20+s0+$0x0] =	vst.idx.msk $0xffff, v18  }
0x3d7: {  	[tilespmem:v21+s0+$0x0] =	vst.idx.msk $0xffff, v19  }
0x3d8: {  	v18 =	vld [tilespmem:s7+$0x4A0]  }
0x3d9: {  	v19 =	vld [tilespmem:s7+$0x4B0]  }
0x3da: {  	v20 =	vor.u32 $0x5, v17  }
0x3db: {  	v21 =	vadd.s32 $0x2085, v17;
	_ =	sdelay $0x1  }
0x3dc: {  	v18 =	vadd.f32 v18, v15  }
0x3dd: {  	v19 =	vadd.f32 v19, v16  }
0x3de: {  	[tilespmem:v20+s0+$0x0] =	vst.idx.msk $0xffff, v18  }
0x3df: {  	[tilespmem:v21+s0+$0x0] =	vst.idx.msk $0xffff, v19  }
0x3e0: {  	v18 =	vld [tilespmem:s7+$0x4C0]  }
0x3e1: {  	v19 =	vld [tilespmem:s7+$0x4D0]  }
0x3e2: {  	v20 =	vor.u32 $0x6, v17  }
0x3e3: {  	v21 =	vadd.s32 $0x2086, v17;
	_ =	sdelay $0x1  }
0x3e4: {  	v18 =	vadd.f32 v18, v15  }
0x3e5: {  	v19 =	vadd.f32 v19, v16  }
0x3e6: {  	[tilespmem:v20+s0+$0x0] =	vst.idx.msk $0xffff, v18  }
0x3e7: {  	[tilespmem:v21+s0+$0x0] =	vst.idx.msk $0xffff, v19  }
0x3e8: {  	v19 =	vld [tilespmem:s7+$0x4E0]  }
0x3e9: {  	v20 =	vld [tilespmem:s7+$0x4F0]  }
0x3ea: {  	v21 =	vor.u32 $0x7, v17  }
.Ltmp9:
0x3eb: {  	v18 =	vadd.s32 $0x2087, v17;
	(pc) =	sbr.rel @p0 .LBB2_20-.Ltmp9, $4  }
0x3ec: {  	_ = 	snop  }
0x3ed: {  	v22 =	vadd.f32 v19, v15  }
0x3ee: {  	v19 =	vadd.f32 v20, v16  }
0x3ef: {  	[tilespmem:v21+s0+$0x0] =	vst.idx.msk $0xffff, v22  }
0x3f0: {  	_ =	sdelay $0x3  }
0x3f1: {  	s1 =	sshra.s32 s2, $0x2;
	[tilespmem:v18+s0+$0x0] =	vst.idx.msk $0xffff, v19  }
0x3f2: {  	v18 =	vld [tilespmem:s1+$0x400]  }
0x3f3: {  	v19 =	vld [tilespmem:s1+$0x410]  }
0x3f4: {  	v17 =	vadd.s32 $0x8, v17  }
0x3f5: {  	v20 =	vadd.s32 $0x2080, v17;
	_ =	sdelay $0x1  }
0x3f6: {  	v18 =	vadd.f32 v18, v15  }
0x3f7: {  	s0 =	simm.s32 $0x8400;
	v19 =	vadd.f32 v19, v16  }
0x3f8: {  	[tilespmem:v17+s0+$0x0] =	vst.idx.msk $0xffff, v18  }
0x3f9: {  	[tilespmem:v20+s0+$0x0] =	vst.idx.msk $0xffff, v19  }
0x3fa: {  	v18 =	vld [tilespmem:s1+$0x420]  }
0x3fb: {  	v19 =	vld [tilespmem:s1+$0x430]  }
0x3fc: {  	v51 =	vor.u32 $0x1, v17  }
0x3fd: {  	v21 =	vadd.s32 $0x2081, v17;
	_ =	sdelay $0x1  }
0x3fe: {  	v18 =	vadd.f32 v18, v15  }
0x3ff: {  	v19 =	vadd.f32 v19, v16  }
0x400: {  	[tilespmem:v51+s0+$0x0] =	vst.idx.msk $0xffff, v18  }
0x401: {  	[tilespmem:v21+s0+$0x0] =	vst.idx.msk $0xffff, v19  }
0x402: {  	v18 =	vld [tilespmem:s1+$0x440]  }
0x403: {  	v19 =	vld [tilespmem:s1+$0x450]  }
0x404: {  	v52 =	vor.u32 $0x2, v17  }
0x405: {  	v53 =	vadd.s32 $0x2082, v17;
	_ =	sdelay $0x1  }
0x406: {  	v18 =	vadd.f32 v18, v15  }
0x407: {  	v19 =	vadd.f32 v19, v16  }
0x408: {  	[tilespmem:v52+s0+$0x0] =	vst.idx.msk $0xffff, v18  }
0x409: {  	[tilespmem:v53+s0+$0x0] =	vst.idx.msk $0xffff, v19  }
0x40a: {  	v18 =	vld [tilespmem:s1+$0x460]  }
0x40b: {  	v19 =	vld [tilespmem:s1+$0x470]  }
0x40c: {  	v54 =	vor.u32 $0x3, v17  }
0x40d: {  	v55 =	vadd.s32 $0x2083, v17;
	_ =	sdelay $0x1  }
0x40e: {  	v18 =	vadd.f32 v18, v15  }
0x40f: {  	v19 =	vadd.f32 v19, v16  }
0x410: {  	[tilespmem:v54+s0+$0x0] =	vst.idx.msk $0xffff, v18  }
0x411: {  	[tilespmem:v55+s0+$0x0] =	vst.idx.msk $0xffff, v19  }
0x412: {  	v18 =	vld [tilespmem:s1+$0x480]  }
0x413: {  	v19 =	vld [tilespmem:s1+$0x490]  }
0x414: {  	v56 =	vor.u32 $0x4, v17  }
0x415: {  	v57 =	vadd.s32 $0x2084, v17;
	_ =	sdelay $0x1  }
0x416: {  	v18 =	vadd.f32 v18, v15  }
0x417: {  	v19 =	vadd.f32 v19, v16  }
0x418: {  	[tilespmem:v56+s0+$0x0] =	vst.idx.msk $0xffff, v18  }
0x419: {  	[tilespmem:v57+s0+$0x0] =	vst.idx.msk $0xffff, v19  }
0x41a: {  	v18 =	vld [tilespmem:s1+$0x4A0]  }
0x41b: {  	v19 =	vld [tilespmem:s1+$0x4B0]  }
0x41c: {  	v58 =	vor.u32 $0x5, v17  }
0x41d: {  	v59 =	vadd.s32 $0x2085, v17;
	_ =	sdelay $0x1  }
0x41e: {  	v18 =	vadd.f32 v18, v15  }
0x41f: {  	v19 =	vadd.f32 v19, v16  }
0x420: {  	[tilespmem:v58+s0+$0x0] =	vst.idx.msk $0xffff, v18  }
0x421: {  	[tilespmem:v59+s0+$0x0] =	vst.idx.msk $0xffff, v19  }
0x422: {  	v18 =	vld [tilespmem:s1+$0x4C0]  }
0x423: {  	v19 =	vld [tilespmem:s1+$0x4D0]  }
0x424: {  	v60 =	vor.u32 $0x6, v17  }
0x425: {  	v61 =	vadd.s32 $0x2086, v17;
	_ =	sdelay $0x1  }
0x426: {  	v18 =	vadd.f32 v18, v15  }
0x427: {  	v19 =	vadd.f32 v19, v16  }
0x428: {  	[tilespmem:v60+s0+$0x0] =	vst.idx.msk $0xffff, v18  }
0x429: {  	[tilespmem:v61+s0+$0x0] =	vst.idx.msk $0xffff, v19  }
0x42a: {  	v18 =	vld [tilespmem:s1+$0x4E0]  }
0x42b: {  	v19 =	vld [tilespmem:s1+$0x4F0]  }
0x42c: {  	v62 =	vor.u32 $0x7, v17  }
0x42d: {  	v17 =	vadd.s32 $0x2087, v17;
	_ =	sdelay $0x1  }
0x42e: {  	v15 =	vadd.f32 v18, v15  }
0x42f: {  	v63 =	vadd.f32 v19, v16  }
0x430: {  	[tilespmem:v62+s0+$0x0] =	vst.idx.msk $0xffff, v15  }
0x431: {  	s7 =	sadd.s32 $0x0, s22;
	s2 =	simm.s32 $0x8608;
	s1 =	simm.s32 $0x200;
	[tilespmem:v17+s0+$0x0] =	vst.idx.msk $0xffff, v63  }
.LBB2_22:
0x432: {  	[hbm4b:s7+s3] =	stream.linear.scatter [tilespmem:s0], [sflag:$0x5], $0x200, $0x38;
	[tilespmem:$0x11F00] =	vst v63  }
0x433: {  	s7 =	smov.u32 s1;
	s0 =	smov.u32 s2;
	p0 =	sne.s32 s1, $0x3E00  }
.Ltmp10:
0x434: {  	s1 =	sadd.s32 $0x200, s1;
	(pc) =	sbr.rel @p0 .LBB2_22-.Ltmp10, $2  }
0x435: {  	_ =	sdelay $0x2  }
0x436: {  	s2 =	sadd.s32 $0x208, s2;
	s7 =	sadd.s32 s7, s22  }
0x437: {  	[hbm4b:s7+s3] =	stream.linear.scatter [tilespmem:s0], [sflag:$0x5], $0x200, $0x38;
	[tilespmem:$0x11F00] =	vst v63  }
0x438: {  	_ =	swait.ge [sflag:s15], $0x4000  }
0x439: {  	[sflag:s15] =	ssyncset.done $0x0  }
0x43a: {  	[sflag:s15] =	ssyncadd.s32 $0xFFFFC000  }
0x43b: {  	_ =	swait.ge [sflag:s9], $0x4000  }
0x43c: {  	[sflag:s9] =	ssyncset.done $0x0  }
0x43d: {  	s31 =	rddreg [dreg:$0xb];
	[sflag:s9] =	ssyncadd.s32 $0xFFFFC000  }
0x43e: {  	v15 =	vld [tilespmem:s31+$0x10600]  }
0x43f: {  	s1 =	simm.s32 $0x0;
	v16 =	vld [tilespmem:s31+$0x10610]  }
0x440: {  	v17 =	vld [tilespmem:s1+$0x4400]  }
0x441: {  	v18 =	vld [tilespmem:s1+$0x4410];
	_ =	sdelay $0x3  }
0x442: {  	v17 =	vadd.f32 v17, v15  }
0x443: {  	s0 =	simm.s32 $0xC500;
	v18 =	vadd.f32 v18, v16  }
0x444: {  	[tilespmem:v0+s0+$0x0] =	vst.idx.msk $0xffff, v17  }
0x445: {  	[tilespmem:v1+s0+$0x0] =	vst.idx.msk $0xffff, v18  }
0x446: {  	v1 =	vld [tilespmem:s1+$0x4420]  }
0x447: {  	v17 =	vld [tilespmem:s1+$0x4430];
	_ =	sdelay $0x3  }
0x448: {  	v1 =	vadd.f32 v1, v15  }
0x449: {  	v17 =	vadd.f32 v17, v16  }
0x44a: {  	[tilespmem:v2+s0+$0x0] =	vst.idx.msk $0xffff, v1  }
0x44b: {  	[tilespmem:v3+s0+$0x0] =	vst.idx.msk $0xffff, v17  }
0x44c: {  	v1 =	vld [tilespmem:s1+$0x4440]  }
0x44d: {  	v2 =	vld [tilespmem:s1+$0x4450];
	_ =	sdelay $0x3  }
0x44e: {  	v1 =	vadd.f32 v1, v15  }
0x44f: {  	v2 =	vadd.f32 v2, v16  }
0x450: {  	[tilespmem:v4+s0+$0x0] =	vst.idx.msk $0xffff, v1  }
0x451: {  	[tilespmem:v5+s0+$0x0] =	vst.idx.msk $0xffff, v2  }
0x452: {  	v1 =	vld [tilespmem:s1+$0x4460]  }
0x453: {  	v2 =	vld [tilespmem:s1+$0x4470];
	_ =	sdelay $0x3  }
0x454: {  	v1 =	vadd.f32 v1, v15  }
0x455: {  	v2 =	vadd.f32 v2, v16  }
0x456: {  	[tilespmem:v6+s0+$0x0] =	vst.idx.msk $0xffff, v1  }
0x457: {  	[tilespmem:v7+s0+$0x0] =	vst.idx.msk $0xffff, v2  }
0x458: {  	v1 =	vld [tilespmem:s1+$0x4480]  }
0x459: {  	v2 =	vld [tilespmem:s1+$0x4490];
	_ =	sdelay $0x3  }
0x45a: {  	v1 =	vadd.f32 v1, v15  }
0x45b: {  	v2 =	vadd.f32 v2, v16  }
0x45c: {  	[tilespmem:v8+s0+$0x0] =	vst.idx.msk $0xffff, v1  }
0x45d: {  	[tilespmem:v9+s0+$0x0] =	vst.idx.msk $0xffff, v2  }
0x45e: {  	v1 =	vld [tilespmem:s1+$0x44A0]  }
0x45f: {  	v2 =	vld [tilespmem:s1+$0x44B0];
	_ =	sdelay $0x3  }
0x460: {  	v1 =	vadd.f32 v1, v15  }
0x461: {  	v2 =	vadd.f32 v2, v16  }
0x462: {  	[tilespmem:v10+s0+$0x0] =	vst.idx.msk $0xffff, v1  }
0x463: {  	[tilespmem:v11+s0+$0x0] =	vst.idx.msk $0xffff, v2  }
0x464: {  	v1 =	vld [tilespmem:s1+$0x44C0]  }
0x465: {  	v2 =	vld [tilespmem:s1+$0x44D0];
	_ =	sdelay $0x3  }
0x466: {  	v1 =	vadd.f32 v1, v15  }
0x467: {  	v2 =	vadd.f32 v2, v16  }
0x468: {  	[tilespmem:v13+s0+$0x0] =	vst.idx.msk $0xffff, v1  }
0x469: {  	[tilespmem:v14+s0+$0x0] =	vst.idx.msk $0xffff, v2  }
0x46a: {  	v1 =	vld [tilespmem:s1+$0x44E0];
	_ =	sdelay $0x3  }
0x46b: {  	v3 =	vld [tilespmem:s1+$0x44F0]  }
0x46c: {  	v1 =	vadd.f32 v1, v15  }
0x46d: {  	v2 =	vadd.s32 $0x2087, v0;
	_ =	sdelay $0x2  }
0x46e: {  	s2 =	simm.s32 $0x400;
	s1 =	simm.s32 $0x800;
	v3 =	vadd.f32 v3, v16;
	[tilespmem:v12+s0+$0x0] =	vst.idx.msk $0xffff, v1;
	v1 =	vmov v0  }
.LBB2_24:
0x46f: {  	p0 =	sne.s32 s1, $0xFC00  }
0x470: {  	s7 =	sshra.s32 s2, $0x2;
	[tilespmem:v2+s0+$0x0] =	vst.idx.msk $0xffff, v3;
	v1 =	vadd.s32 $0x8, v1;
	s2 =	smov.u32 s1;
	s1 =	sadd.s32 $0x400, s1  }
0x471: {  	v2 =	vld [tilespmem:s7+$0x4400]  }
0x472: {  	v3 =	vld [tilespmem:s7+$0x4410];
	_ =	sdelay $0x1  }
0x473: {  	v4 =	vadd.s32 $0x2080, v1;
	_ =	sdelay $0x1  }
0x474: {  	v2 =	vadd.f32 v2, v15  }
0x475: {  	v3 =	vadd.f32 v3, v16  }
0x476: {  	[tilespmem:v1+s0+$0x0] =	vst.idx.msk $0xffff, v2  }
0x477: {  	[tilespmem:v4+s0+$0x0] =	vst.idx.msk $0xffff, v3  }
0x478: {  	v2 =	vld [tilespmem:s7+$0x4420]  }
0x479: {  	v3 =	vld [tilespmem:s7+$0x4430]  }
0x47a: {  	v4 =	vor.u32 $0x1, v1  }
0x47b: {  	v5 =	vadd.s32 $0x2081, v1;
	_ =	sdelay $0x1  }
0x47c: {  	v2 =	vadd.f32 v2, v15  }
0x47d: {  	v3 =	vadd.f32 v3, v16  }
0x47e: {  	[tilespmem:v4+s0+$0x0] =	vst.idx.msk $0xffff, v2  }
0x47f: {  	[tilespmem:v5+s0+$0x0] =	vst.idx.msk $0xffff, v3  }
0x480: {  	v2 =	vld [tilespmem:s7+$0x4440]  }
0x481: {  	v3 =	vld [tilespmem:s7+$0x4450]  }
0x482: {  	v4 =	vor.u32 $0x2, v1  }
0x483: {  	v5 =	vadd.s32 $0x2082, v1;
	_ =	sdelay $0x1  }
0x484: {  	v2 =	vadd.f32 v2, v15  }
0x485: {  	v3 =	vadd.f32 v3, v16  }
0x486: {  	[tilespmem:v4+s0+$0x0] =	vst.idx.msk $0xffff, v2  }
0x487: {  	[tilespmem:v5+s0+$0x0] =	vst.idx.msk $0xffff, v3  }
0x488: {  	v2 =	vld [tilespmem:s7+$0x4460]  }
0x489: {  	v3 =	vld [tilespmem:s7+$0x4470]  }
0x48a: {  	v4 =	vor.u32 $0x3, v1  }
0x48b: {  	v5 =	vadd.s32 $0x2083, v1;
	_ =	sdelay $0x1  }
0x48c: {  	v2 =	vadd.f32 v2, v15  }
0x48d: {  	v3 =	vadd.f32 v3, v16  }
0x48e: {  	[tilespmem:v4+s0+$0x0] =	vst.idx.msk $0xffff, v2  }
0x48f: {  	[tilespmem:v5+s0+$0x0] =	vst.idx.msk $0xffff, v3  }
0x490: {  	v2 =	vld [tilespmem:s7+$0x4480]  }
0x491: {  	v3 =	vld [tilespmem:s7+$0x4490]  }
0x492: {  	v4 =	vor.u32 $0x4, v1  }
0x493: {  	v5 =	vadd.s32 $0x2084, v1;
	_ =	sdelay $0x1  }
0x494: {  	v2 =	vadd.f32 v2, v15  }
0x495: {  	v3 =	vadd.f32 v3, v16  }
0x496: {  	[tilespmem:v4+s0+$0x0] =	vst.idx.msk $0xffff, v2  }
0x497: {  	[tilespmem:v5+s0+$0x0] =	vst.idx.msk $0xffff, v3  }
0x498: {  	v2 =	vld [tilespmem:s7+$0x44A0]  }
0x499: {  	v3 =	vld [tilespmem:s7+$0x44B0]  }
0x49a: {  	v4 =	vor.u32 $0x5, v1  }
0x49b: {  	v5 =	vadd.s32 $0x2085, v1;
	_ =	sdelay $0x1  }
0x49c: {  	v2 =	vadd.f32 v2, v15  }
0x49d: {  	v3 =	vadd.f32 v3, v16  }
0x49e: {  	[tilespmem:v4+s0+$0x0] =	vst.idx.msk $0xffff, v2  }
0x49f: {  	[tilespmem:v5+s0+$0x0] =	vst.idx.msk $0xffff, v3  }
0x4a0: {  	v2 =	vld [tilespmem:s7+$0x44C0]  }
0x4a1: {  	v3 =	vld [tilespmem:s7+$0x44D0]  }
0x4a2: {  	v4 =	vor.u32 $0x6, v1  }
0x4a3: {  	v5 =	vadd.s32 $0x2086, v1;
	_ =	sdelay $0x1  }
0x4a4: {  	v2 =	vadd.f32 v2, v15  }
0x4a5: {  	v3 =	vadd.f32 v3, v16  }
0x4a6: {  	[tilespmem:v4+s0+$0x0] =	vst.idx.msk $0xffff, v2  }
0x4a7: {  	[tilespmem:v5+s0+$0x0] =	vst.idx.msk $0xffff, v3  }
0x4a8: {  	v3 =	vld [tilespmem:s7+$0x44E0]  }
0x4a9: {  	v4 =	vld [tilespmem:s7+$0x44F0]  }
0x4aa: {  	v5 =	vor.u32 $0x7, v1  }
.Ltmp11:
0x4ab: {  	v2 =	vadd.s32 $0x2087, v1;
	(pc) =	sbr.rel @p0 .LBB2_24-.Ltmp11, $4  }
0x4ac: {  	_ = 	snop  }
0x4ad: {  	v6 =	vadd.f32 v3, v15  }
0x4ae: {  	v3 =	vadd.f32 v4, v16  }
0x4af: {  	[tilespmem:v5+s0+$0x0] =	vst.idx.msk $0xffff, v6  }
0x4b0: {  	_ =	sdelay $0x3  }
0x4b1: {  	s1 =	sshra.s32 s2, $0x2;
	[tilespmem:v2+s0+$0x0] =	vst.idx.msk $0xffff, v3  }
0x4b2: {  	v2 =	vld [tilespmem:s1+$0x4400]  }
0x4b3: {  	v3 =	vld [tilespmem:s1+$0x4410]  }
0x4b4: {  	v1 =	vadd.s32 $0x8, v1  }
0x4b5: {  	v4 =	vadd.s32 $0x2080, v1;
	_ =	sdelay $0x1  }
0x4b6: {  	v2 =	vadd.f32 v2, v15  }
0x4b7: {  	s0 =	simm.s32 $0xC500;
	v3 =	vadd.f32 v3, v16  }
0x4b8: {  	[tilespmem:v1+s0+$0x0] =	vst.idx.msk $0xffff, v2  }
0x4b9: {  	[tilespmem:v4+s0+$0x0] =	vst.idx.msk $0xffff, v3  }
0x4ba: {  	v2 =	vld [tilespmem:s1+$0x4420]  }
0x4bb: {  	v3 =	vld [tilespmem:s1+$0x4430]  }
0x4bc: {  	v52 =	vor.u32 $0x1, v1  }
0x4bd: {  	v5 =	vadd.s32 $0x2081, v1;
	_ =	sdelay $0x1  }
0x4be: {  	v2 =	vadd.f32 v2, v15  }
0x4bf: {  	v3 =	vadd.f32 v3, v16  }
0x4c0: {  	[tilespmem:v52+s0+$0x0] =	vst.idx.msk $0xffff, v2  }
0x4c1: {  	[tilespmem:v5+s0+$0x0] =	vst.idx.msk $0xffff, v3  }
0x4c2: {  	v2 =	vld [tilespmem:s1+$0x4440]  }
0x4c3: {  	v3 =	vld [tilespmem:s1+$0x4450]  }
0x4c4: {  	v53 =	vor.u32 $0x2, v1  }
0x4c5: {  	v54 =	vadd.s32 $0x2082, v1;
	_ =	sdelay $0x1  }
0x4c6: {  	v2 =	vadd.f32 v2, v15  }
0x4c7: {  	v3 =	vadd.f32 v3, v16  }
0x4c8: {  	[tilespmem:v53+s0+$0x0] =	vst.idx.msk $0xffff, v2  }
0x4c9: {  	[tilespmem:v54+s0+$0x0] =	vst.idx.msk $0xffff, v3  }
0x4ca: {  	v2 =	vld [tilespmem:s1+$0x4460]  }
0x4cb: {  	v3 =	vld [tilespmem:s1+$0x4470]  }
0x4cc: {  	v55 =	vor.u32 $0x3, v1  }
0x4cd: {  	v56 =	vadd.s32 $0x2083, v1;
	_ =	sdelay $0x1  }
0x4ce: {  	v2 =	vadd.f32 v2, v15  }
0x4cf: {  	v3 =	vadd.f32 v3, v16  }
0x4d0: {  	[tilespmem:v55+s0+$0x0] =	vst.idx.msk $0xffff, v2  }
0x4d1: {  	[tilespmem:v56+s0+$0x0] =	vst.idx.msk $0xffff, v3  }
0x4d2: {  	v2 =	vld [tilespmem:s1+$0x4480]  }
0x4d3: {  	v3 =	vld [tilespmem:s1+$0x4490]  }
0x4d4: {  	v57 =	vor.u32 $0x4, v1  }
0x4d5: {  	v58 =	vadd.s32 $0x2084, v1;
	_ =	sdelay $0x1  }
0x4d6: {  	v2 =	vadd.f32 v2, v15  }
0x4d7: {  	v3 =	vadd.f32 v3, v16  }
0x4d8: {  	[tilespmem:v57+s0+$0x0] =	vst.idx.msk $0xffff, v2  }
0x4d9: {  	[tilespmem:v58+s0+$0x0] =	vst.idx.msk $0xffff, v3  }
0x4da: {  	v2 =	vld [tilespmem:s1+$0x44A0]  }
0x4db: {  	v3 =	vld [tilespmem:s1+$0x44B0]  }
0x4dc: {  	v59 =	vor.u32 $0x5, v1  }
0x4dd: {  	v60 =	vadd.s32 $0x2085, v1;
	_ =	sdelay $0x1  }
0x4de: {  	v2 =	vadd.f32 v2, v15  }
0x4df: {  	v3 =	vadd.f32 v3, v16  }
0x4e0: {  	[tilespmem:v59+s0+$0x0] =	vst.idx.msk $0xffff, v2  }
0x4e1: {  	[tilespmem:v60+s0+$0x0] =	vst.idx.msk $0xffff, v3  }
0x4e2: {  	v2 =	vld [tilespmem:s1+$0x44C0]  }
0x4e3: {  	v3 =	vld [tilespmem:s1+$0x44D0]  }
0x4e4: {  	v61 =	vor.u32 $0x6, v1  }
0x4e5: {  	v62 =	vadd.s32 $0x2086, v1;
	_ =	sdelay $0x1  }
0x4e6: {  	v2 =	vadd.f32 v2, v15  }
0x4e7: {  	v3 =	vadd.f32 v3, v16  }
0x4e8: {  	[tilespmem:v61+s0+$0x0] =	vst.idx.msk $0xffff, v2  }
0x4e9: {  	[tilespmem:v62+s0+$0x0] =	vst.idx.msk $0xffff, v3  }
0x4ea: {  	v2 =	vld [tilespmem:s1+$0x44E0]  }
0x4eb: {  	v3 =	vld [tilespmem:s1+$0x44F0]  }
0x4ec: {  	v63 =	vor.u32 $0x7, v1  }
0x4ed: {  	v1 =	vadd.s32 $0x2087, v1;
	_ =	sdelay $0x1  }
0x4ee: {  	v2 =	vadd.f32 v2, v15  }
0x4ef: {  	v3 =	vadd.f32 v3, v16  }
0x4f0: {  	[tilespmem:v63+s0+$0x0] =	vst.idx.msk $0xffff, v2  }
0x4f1: {  	s7 =	sadd.s32 $0x0, s23;
	s2 =	simm.s32 $0xC708;
	s1 =	simm.s32 $0x200;
	[tilespmem:v1+s0+$0x0] =	vst.idx.msk $0xffff, v3  }
.LBB2_26:
0x4f2: {  	[hbm4b:s7+s3] =	stream.linear.scatter [tilespmem:s0], [sflag:$0x6], $0x200, $0x38;
	[tilespmem:$0x11F00] =	vst v63  }
0x4f3: {  	s7 =	smov.u32 s1;
	s0 =	smov.u32 s2;
	p0 =	sne.s32 s1, $0x3E00  }
.Ltmp12:
0x4f4: {  	s1 =	sadd.s32 $0x200, s1;
	(pc) =	sbr.rel @p0 .LBB2_26-.Ltmp12, $2  }
0x4f5: {  	_ =	sdelay $0x2  }
0x4f6: {  	s2 =	sadd.s32 $0x208, s2;
	s7 =	sadd.s32 s7, s23  }
0x4f7: {  	[hbm4b:s7+s3] =	stream.linear.scatter [tilespmem:s0], [sflag:$0x6], $0x200, $0x38;
	[tilespmem:$0x11F00] =	vst v63  }
0x4f8: {  	_ =	swait.ge [sflag:s16], $0x4000  }
0x4f9: {  	[sflag:s16] =	ssyncset.done $0x0  }
0x4fa: {  	[sflag:s16] =	ssyncadd.s32 $0xFFFFC000  }
0x4fb: {  	_ =	swait.ge [sflag:s9], $0x4000  }
0x4fc: {  	s1 =	rddreg [dreg:$0xf]  }
0x4fd: {  	s31 =	rddreg [dreg:$0xc];
	s1 =	sadd.s32 $0x1, s1  }
0x4fe: {  	p0 =	sne.s32 s1, s31  }
.Ltmp13:
0x4ff: {  	_ = 	snop;
	(pc) =	sbr.rel @p0 .LBB2_1-.Ltmp13, $3  }
0x500: {  	_ =	sdelay $0x1  }
0x501: {  	[sflag:s9] =	ssyncset.done $0x0  }
0x502: {  	[sflag:s9] =	ssyncadd.s32 $0xFFFFC000  }
0x503: {  	_ =	sfence.sel $0x180000  }
0x504: {  	[bflag:$0x0] =	sbarrier.arrive $0xFFFF  }
0x505: {  	_ =	strace $0x90000047  }
0x506: {  	s0 =	stileid.u32;
	[bflag:$0x2] =	sbarrier.arrive $0xFFFF  }
0x507: {  	p0 =	sne.s32 s0, $0x0;
	s0 =	rddreg [dreg:$0x3]  }
0x508: {  	s0 =	sadd.s32 @!p0 $0x100000, s0  }
0x509: {  	[sflag:s0] =	ssyncadd.tile.s32 @!p0 $0x1;
	_ =	shalt  }
.Lfunc_end2:
_tile_overlayer_lowered:
.L_overlay_start_2:
0x50a: {  	(tag) =	ssettag $0x2  }
0x50b: {  	s0 =	rddreg [dreg:$0x0];
	s2 =	stileid.u32  }
0x50c: {  	s1 =	rddreg [dreg:$0x1];
	p0 =	sne.s32 s2, $0x0  }
0x50d: {  	s3 =	rddreg [dreg:$0x2];
	[bflag:$0x3] =	sbarrier.arrive $0xFFFF;
	s2 =	simm.s32 @!p0 $0x1C07  }
0x50e: {  	[timem:s3], [sflag:s2] =	dma.local @!p0 [hbm:s0], s1  }
0x50f: {  	s0 =	simm.s32 @!p0 $0x7  }
0x510: {  	_ =	swait.ge @!p0 [sflag:s0], s1  }
0x511: {  	s1 =	ssub.s32 @!p0 $0x0, s1;
	[sflag:s0] =	ssyncset.done @!p0 $0x0  }
0x512: {  	[sflag:s0] =	ssyncadd.s32 @!p0 s1  }
0x513: {  	[bflag:$0x3] =	sbarrier.arrive $0xFFFF  }
0x514: {  	_ =	shalt  }

</sc_bundles>
